<compile_context>
chip_gen: v7x
topology: tpu7x:2x2x1
jax: 0.10.2.dev20260603
libtpu: 0.0.44.dev20260713+nightly
codegen_flags: <defaults>
</compile_context>

<pallas_src>
import functools

import jax
import jax.numpy as jnp
from jax import lax
from jax.experimental import pallas as pl
from jax.experimental.pallas import tpu as pltpu
from jax.experimental.pallas import tpu_sc as plsc

_N = 10000
_FDIM = 256
_E = 160000

_BN = 2048
_NPAD = 10240
_NC, _NS = 2, 16
_NW = _NC * _NS
_SEG = _NPAD // _NS
_C1 = 5008
_C1L = _E - 31 * _C1
_W1 = 5120
_EPT2 = _E // _NS
_W2 = 10112


def _b_body(x_ref, w_ref, bias_ref, out_ref):
    h = lax.dot_general(w_ref[...], x_ref[...], (((1,), (1,)), ((), ())),
                        preferred_element_type=jnp.float32)
    h = jnp.maximum(h + bias_ref[...].T, 0.0)

    ones = jnp.ones((1, _FDIM), jnp.float32)
    rs = lax.dot_general(ones, h, (((1,), (0,)), ((), ())),
                         preferred_element_type=jnp.float32)
    col = pl.program_id(0) * _BN + lax.broadcasted_iota(jnp.int32, (1, _BN), 1)
    out_ref[...] = jnp.where(col < _N, rs, 0.0).reshape(_BN)


def _node_sums(x, w, bias2):
    return pl.pallas_call(
        _b_body,
        grid=(_NPAD // _BN,),
        in_specs=[
            pl.BlockSpec((_BN, _FDIM), lambda i: (i, 0)),
            pl.BlockSpec((_FDIM, _FDIM), lambda i: (0, 0)),
            pl.BlockSpec((1, _FDIM), lambda i: (0, 0)),
        ],
        out_specs=pl.BlockSpec((_BN,), lambda i: (i,)),
        out_shape=jax.ShapeDtypeStruct((_NPAD,), jnp.float32),
    )(x, w, bias2)


def _sc_body(b_hbm, ei_hbm, z_hbm, out_hbm,
             b_v, aux_v, e1_v, e2_v, acc_v,
             gbuf_v, seg_v, all_sh, merged_sh, sem1, sem2, semm):
    cid = lax.axis_index("c")
    sid = lax.axis_index("s")
    wid = cid * _NS + sid

    start1 = wid * _C1
    a1 = pl.multiple_of(
        jnp.where(wid == _NW - 1, _E - _W1, start1 - start1 % 128), 128)
    o1 = start1 - a1
    start2 = sid * _EPT2
    a2 = pl.multiple_of(start2 - start2 % 128, 128)
    o2 = start2 - a2
    cps = [
        pltpu.async_copy(b_hbm, b_v, sem1),
        pltpu.async_copy(ei_hbm.at[:, pl.ds(a1, _W1)], e1_v, sem1),
        pltpu.async_copy(z_hbm, aux_v, sem1),
    ]
    cp2 = [
        pltpu.async_copy(ei_hbm.at[:, pl.ds(a2, _W2)], e2_v, sem2),
    ]
    for cp in cps:
        cp.wait()

    def r1_chunk(c):
        s = e1_v[0, pl.ds(o1 + c * 16, 16)]
        d = e1_v[1, pl.ds(o1 + c * 16, 16)]
        vals = plsc.load_gather(b_v, [d])
        plsc.addupdate_scatter(aux_v, [s], vals)

    def r1_step(i, carry):
        for u in range(3):
            r1_chunk(i * 3 + u)
        return carry

    lax.fori_loop(0, _C1L // 48, r1_step, 0)

    @pl.when(wid < _NW - 1)
    def _r1_rest():
        for c in range(_C1L // 16, _C1 // 16):
            r1_chunk(c)

    pltpu.sync_copy(aux_v, all_sh.at[sid])
    plsc.subcore_barrier()

    base = sid * _SEG
    cpm = [pltpu.async_copy(all_sh.at[t, pl.ds(base, _SEG)],
                            gbuf_v.at[t], semm)
           for t in range(_NS)]
    for cp in cpm:
        cp.wait()

    def add_step(j, carry):
        for u in range(4):
            c = j * 4 + u
            acc = gbuf_v[0, pl.ds(c * 16, 16)]
            for t in range(1, _NS):
                acc = acc + gbuf_v[t, pl.ds(c * 16, 16)]
            seg_v[pl.ds(c * 16, 16)] = acc * b_v[pl.ds(base + c * 16, 16)]
        return carry

    lax.fori_loop(0, _SEG // 64, add_step, 0)

    pltpu.sync_copy(seg_v, merged_sh.at[pl.ds(base, _SEG)])
    plsc.subcore_barrier()
    pltpu.sync_copy(merged_sh, aux_v)

    for cp in cp2:
        cp.wait()

    @plsc.parallel_loop(0, _EPT2 // 16, unroll=8,
                        carry=jnp.zeros((16,), jnp.float32))
    def r2_step(i, acc):
        s = e2_v[0, pl.ds(o2 + i * 16, 16)]
        d = e2_v[1, pl.ds(o2 + i * 16, 16)]
        bs = plsc.load_gather(b_v, [s])
        sd = plsc.load_gather(aux_v, [d])
        return acc + bs * sd

    acc = r2_step
    acc_v[...] = acc
    pltpu.sync_copy(acc_v, out_hbm.at[wid])


@functools.cache
def _sc_call():
    return pl.kernel(
        _sc_body,
        out_type=jax.ShapeDtypeStruct((_NW, 16), jnp.float32),
        mesh=plsc.VectorSubcoreMesh(core_axis_name="c", subcore_axis_name="s",
                                    num_cores=_NC, num_subcores=_NS),
        compiler_params=pltpu.CompilerParams(needs_layout_passes=False),
        scratch_types=[
            pltpu.VMEM((_NPAD,), jnp.float32),
            pltpu.VMEM((_NPAD,), jnp.float32),
            pltpu.VMEM((2, _W1), jnp.int32),
            pltpu.VMEM((2, _W2), jnp.int32),
            pltpu.VMEM((16,), jnp.float32),
            pltpu.VMEM((_NS, _SEG), jnp.float32),
            pltpu.VMEM((_SEG,), jnp.float32),
            pltpu.VMEM_SHARED((_NS, _NPAD), jnp.float32),
            pltpu.VMEM_SHARED((_NPAD,), jnp.float32),
            pltpu.SemaphoreType.DMA,
            pltpu.SemaphoreType.DMA,
            pltpu.SemaphoreType.DMA,
        ],
    )


def kernel(X, edge_index, W, bias):
    b = _node_sums(X, W, bias.reshape(1, _FDIM))
    zeros = jnp.zeros((_NPAD,), jnp.float32)
    parts = _sc_call()(b, edge_index, zeros)
    return jnp.sum(parts)

# --- scband reference (transcript-rebuilt; emitter-appended) ---
"""Pipeline reference for scband-hom-conv-38019050504506 (READ-ONLY COPY).

The authoritative reference and input builder live on the scoring server;
editing this copy changes nothing except your own understanding.
"""

import jax, jax.numpy as jnp
import numpy as np

N = 10000
FDIM = 256
E = 160000
F_DEPTH = 2  # test tree F is the path 0-1-2 (two edges), recursion depth 2 below the root


def setup_inputs(seed: int = 0) -> dict:
    key = jax.random.key(seed)
    k1, k2, k3, k4 = jax.random.split(key, 4)
    X = jax.random.normal(k1, (N, FDIM), dtype=jnp.float32)
    edge_index = jax.random.randint(k2, (2, E), 0, N, dtype=jnp.int32)
    # learned parameters of HomConv (weight: [fdim, fdim], bias: [fdim])
    W = jax.random.normal(k3, (FDIM, FDIM), dtype=jnp.float32) * 0.05
    bias = jax.random.normal(k4, (FDIM,), dtype=jnp.float32) * 0.05
    return {"X": X, "edge_index": edge_index, "W": W, "bias": bias}


def reference(X, edge_index, W, bias):
    # Faithful translation of HomConv.forward for F = path tree 0-1-2.
    # hom_base = relu(W @ X^T + bias broadcast)  -> shape [fdim, n]
    src = edge_index[0]
    dst = edge_index[1]
    hom_base = jnp.matmul(W, X.T).T + bias          # [n, fdim]
    hom_base = jax.nn.relu(hom_base).T              # [fdim, n]

    def child_agg(hom_y):
        # aux[a] = sum over all fdim rows and all columns b that are G-neighbors of a
        s = jnp.sum(hom_y, axis=0)                  # [n]
        aux = jnp.zeros((N,), dtype=s.dtype).at[src].add(s[dst])
        return aux

    # rec(2) = base ; rec(1) = base * agg(rec(2)) ; rec(0) = base * agg(rec(1))
    hom = hom_base
    for _ in range(F_DEPTH):
        hom = hom_base * child_agg(hom)             # broadcast [n] over [fdim, n]
    return jnp.sum(hom)

if __name__ == "__main__":
    import jax
    _d = setup_inputs()
    print(jax.jit(kernel)(*tuple(_d.values())))

</pallas_src>

<mosaic_0001>
#map = affine_map<(d0, d1) -> (0)>
#map1 = affine_map<(d0, d1) -> (0, 0)>
module attributes {stable_mosaic.version = 14 : i64} {
  func.func @_sc_body(%arg0: i32, %arg1: i32, %arg2: memref<10240xf32, #tpu.memory_space<hbm>>, %arg3: memref<2x160000xi32, #tpu.memory_space<hbm>>, %arg4: memref<10240xf32, #tpu.memory_space<hbm>>, %arg5: memref<32x16xf32, #tpu.memory_space<hbm>>, %arg6: memref<10240xf32, #tpu.memory_space<vmem>>, %arg7: memref<10240xf32, #tpu.memory_space<vmem>>, %arg8: memref<2x5120xi32, #tpu.memory_space<vmem>>, %arg9: memref<2x10112xi32, #tpu.memory_space<vmem>>, %arg10: memref<16xf32, #tpu.memory_space<vmem>>, %arg11: memref<16x640xf32, #tpu.memory_space<vmem>>, %arg12: memref<640xf32, #tpu.memory_space<vmem>>, %arg13: memref<16x10240xf32, #tpu.memory_space<vmem_shared>>, %arg14: memref<10240xf32, #tpu.memory_space<vmem_shared>>, %arg15: memref<!tpu.dma_semaphore, #tpu.memory_space<semaphore_mem>>, %arg16: memref<!tpu.dma_semaphore, #tpu.memory_space<semaphore_mem>>, %arg17: memref<!tpu.dma_semaphore, #tpu.memory_space<semaphore_mem>>) attributes {dimension_semantics = [#tpu.dimension_semantics<core_parallel>, #tpu.dimension_semantics<subcore_parallel>], iteration_bounds = array<i64: 2, 16>, scalar_prefetch = 0 : i64, scratch_operands = 12 : i64, tpu.core_type = #tpu.core_type<sc_vector_subcore>, window_params = [{transform_indices = #map}, {transform_indices = #map1}, {transform_indices = #map}, {transform_indices = #map1}]} {
    %mul3A = arith.constant 16 : i32
    %mul3A_0 = arith.muli %arg0, %mul3A : i32
    %add3A = arith.addi %mul3A_0, %arg1 : i32
    %mul3A_1 = arith.constant 5008 : i32
    %mul3A_2 = arith.muli %add3A, %mul3A_1 : i32
    %eq3A = arith.constant 31 : i32
    %eq3A_3 = arith.cmpi eq, %add3A, %eq3A : i32
    %jit3A = arith.constant 128 : i32
    %eq3A_4 = arith.constant 0 : i32
    %eq3A_5 = arith.cmpi eq, %jit3A, %eq3A_4 : i32
    %jit3A_6 = arith.constant 1 : i32
    %select_n3A = arith.select %eq3A_5, %jit3A_6, %jit3A : i32
    %rem3A = arith.remsi %mul3A_2, %select_n3A : i32
    %ne3A = arith.constant 0 : i32
    %ne3A_7 = arith.cmpi ne, %rem3A, %ne3A : i32
    %lt3A = arith.constant 0 : i32
    %lt3A_8 = arith.cmpi slt, %rem3A, %lt3A : i32
    %lt3A_9 = arith.constant 0 : i32
    %lt3A_10 = arith.cmpi slt, %select_n3A, %lt3A_9 : i32
    %ne3A_11 = arith.xori %lt3A_8, %lt3A_10 : i1
    %and3A = arith.andi %ne3A_11, %ne3A_7 : i1
    %add3A_12 = arith.addi %rem3A, %select_n3A : i32
    %select_n3A_13 = arith.select %and3A, %add3A_12, %rem3A : i32
    %sub3A = arith.subi %mul3A_2, %select_n3A_13 : i32
    %jit3A_14 = arith.constant 154880 : i32
    %select_n3A_15 = arith.select %eq3A_3, %jit3A_14, %sub3A : i32
    %multiple_of3A = tpu.assume_multiple %select_n3A_15, 128 : i32
    %sub3A_16 = arith.subi %mul3A_2, %multiple_of3A : i32
    %mul3A_17 = arith.constant 10000 : i32
    %mul3A_18 = arith.muli %arg1, %mul3A_17 : i32
    %jit3A_19 = arith.constant 128 : i32
    %eq3A_20 = arith.constant 0 : i32
    %eq3A_21 = arith.cmpi eq, %jit3A_19, %eq3A_20 : i32
    %jit3A_22 = arith.constant 1 : i32
    %select_n3A_23 = arith.select %eq3A_21, %jit3A_22, %jit3A_19 : i32
    %rem3A_24 = arith.remsi %mul3A_18, %select_n3A_23 : i32
    %ne3A_25 = arith.constant 0 : i32
    %ne3A_26 = arith.cmpi ne, %rem3A_24, %ne3A_25 : i32
    %lt3A_27 = arith.constant 0 : i32
    %lt3A_28 = arith.cmpi slt, %rem3A_24, %lt3A_27 : i32
    %lt3A_29 = arith.constant 0 : i32
    %lt3A_30 = arith.cmpi slt, %select_n3A_23, %lt3A_29 : i32
    %ne3A_31 = arith.xori %lt3A_28, %lt3A_30 : i1
    %and3A_32 = arith.andi %ne3A_31, %ne3A_26 : i1
    %add3A_33 = arith.addi %rem3A_24, %select_n3A_23 : i32
    %select_n3A_34 = arith.select %and3A_32, %add3A_33, %rem3A_24 : i32
    %sub3A_35 = arith.subi %mul3A_18, %select_n3A_34 : i32
    %multiple_of3A_36 = tpu.assume_multiple %sub3A_35, 128 : i32
    %sub3A_37 = arith.subi %mul3A_18, %multiple_of3A_36 : i32
    tpu.enqueue_dma source(%arg2 : memref<10240xf32, #tpu.memory_space<hbm>>) target(%arg6 : memref<10240xf32, #tpu.memory_space<vmem>>) target_semaphore(%arg15 : memref<!tpu.dma_semaphore, #tpu.memory_space<semaphore_mem>>)
    %dma_start3A = arith.constant 0 : i32
    %dma_start3A_38 = tpu.memref_slice %arg3[%dma_start3A, %multiple_of3A] : memref<2x160000xi32, #tpu.memory_space<hbm>> -> memref<2x5120xi32, #tpu.memory_space<hbm>>
    %dma_start3A_39 = arith.constant 0 : i32
    %dma_start3A_40 = tpu.memref_slice %arg3[%dma_start3A_39, %multiple_of3A] : memref<2x160000xi32, #tpu.memory_space<hbm>> -> memref<2x5120xi32, #tpu.memory_space<hbm>>
    tpu.enqueue_dma source(%dma_start3A_40 : memref<2x5120xi32, #tpu.memory_space<hbm>>) target(%arg8 : memref<2x5120xi32, #tpu.memory_space<vmem>>) target_semaphore(%arg15 : memref<!tpu.dma_semaphore, #tpu.memory_space<semaphore_mem>>)
    tpu.enqueue_dma source(%arg4 : memref<10240xf32, #tpu.memory_space<hbm>>) target(%arg7 : memref<10240xf32, #tpu.memory_space<vmem>>) target_semaphore(%arg15 : memref<!tpu.dma_semaphore, #tpu.memory_space<semaphore_mem>>)
    %dma_start3A_41 = arith.constant 0 : i32
    %dma_start3A_42 = tpu.memref_slice %arg3[%dma_start3A_41, %multiple_of3A_36] : memref<2x160000xi32, #tpu.memory_space<hbm>> -> memref<2x10112xi32, #tpu.memory_space<hbm>>
    %dma_start3A_43 = arith.constant 0 : i32
    %dma_start3A_44 = tpu.memref_slice %arg3[%dma_start3A_43, %multiple_of3A_36] : memref<2x160000xi32, #tpu.memory_space<hbm>> -> memref<2x10112xi32, #tpu.memory_space<hbm>>
    tpu.enqueue_dma source(%dma_start3A_44 : memref<2x10112xi32, #tpu.memory_space<hbm>>) target(%arg9 : memref<2x10112xi32, #tpu.memory_space<vmem>>) target_semaphore(%arg16 : memref<!tpu.dma_semaphore, #tpu.memory_space<semaphore_mem>>)
    tpu.wait_dma2 semaphore(%arg15 : memref<!tpu.dma_semaphore, #tpu.memory_space<semaphore_mem>>) src(%arg2 : memref<10240xf32, #tpu.memory_space<hbm>>) dst(%arg6 : memref<10240xf32, #tpu.memory_space<vmem>>)
    %dma_wait3A = arith.constant 0 : i32
    %dma_wait3A_45 = tpu.memref_slice %arg3[%dma_wait3A, %multiple_of3A] : memref<2x160000xi32, #tpu.memory_space<hbm>> -> memref<2x5120xi32, #tpu.memory_space<hbm>>
    %dma_wait3A_46 = arith.constant 0 : i32
    %dma_wait3A_47 = tpu.memref_slice %arg3[%dma_wait3A_46, %multiple_of3A] : memref<2x160000xi32, #tpu.memory_space<hbm>> -> memref<2x5120xi32, #tpu.memory_space<hbm>>
    tpu.wait_dma2 semaphore(%arg15 : memref<!tpu.dma_semaphore, #tpu.memory_space<semaphore_mem>>) src(%dma_wait3A_47 : memref<2x5120xi32, #tpu.memory_space<hbm>>) dst(%arg8 : memref<2x5120xi32, #tpu.memory_space<vmem>>)
    tpu.wait_dma2 semaphore(%arg15 : memref<!tpu.dma_semaphore, #tpu.memory_space<semaphore_mem>>) src(%arg4 : memref<10240xf32, #tpu.memory_space<hbm>>) dst(%arg7 : memref<10240xf32, #tpu.memory_space<vmem>>)
    %scan3A = arith.constant 0 : i32
    %scan3A_48 = arith.constant 0 : i32
    %scan3A_49 = arith.constant 99 : i32
    %scan3A_50 = arith.addi %scan3A_48, %scan3A_49 : i32
    %scan3A_51 = arith.constant 1 : i32
    scf.for %scan3A_458 = %scan3A_48 to %scan3A_50 step %scan3A_51  : i32 {
      %mul3A_459 = arith.constant 3 : i32
      %mul3A_460 = arith.muli %scan3A_458, %mul3A_459 : i32
      %add3A_461 = arith.constant 0 : i32
      %add3A_462 = arith.addi %mul3A_460, %add3A_461 : i32
      %mul3A_463 = arith.constant 16 : i32
      %mul3A_464 = arith.muli %add3A_462, %mul3A_463 : i32
      %add3A_465 = arith.addi %sub3A_16, %mul3A_464 : i32
      %get3A = arith.constant 0 : i32
      %get3A_466 = arith.index_cast %get3A : i32 to index
      %get3A_467 = arith.index_cast %add3A_465 : i32 to index
      %get3A_468 = tpu.vector_load %arg8[%get3A_466, %get3A_467] {strides = array<i32>} : memref<2x5120xi32, #tpu.memory_space<vmem>>, vector<16xi32>,
      %mul3A_469 = arith.constant 16 : i32
      %mul3A_470 = arith.muli %add3A_462, %mul3A_469 : i32
      %add3A_471 = arith.addi %sub3A_16, %mul3A_470 : i32
      %get3A_472 = arith.constant 1 : i32
      %get3A_473 = arith.index_cast %get3A_472 : i32 to index
      %get3A_474 = arith.index_cast %add3A_471 : i32 to index
      %get3A_475 = tpu.vector_load %arg8[%get3A_473, %get3A_474] {strides = array<i32>} : memref<2x5120xi32, #tpu.memory_space<vmem>>, vector<16xi32>,
      %gather3A = tpu.vector_load_idx %arg6[%get3A_475] : memref<10240xf32, #tpu.memory_space<vmem>>[vector<16xi32>], vector<16xf32>,
      tpu.vector_store_idx %arg7[%get3A_468], %gather3A {add = true} : memref<10240xf32, #tpu.memory_space<vmem>>[vector<16xi32>], vector<16xf32>,
      %mul3A_476 = arith.constant 3 : i32
      %mul3A_477 = arith.muli %scan3A_458, %mul3A_476 : i32
      %add3A_478 = arith.constant 1 : i32
      %add3A_479 = arith.addi %mul3A_477, %add3A_478 : i32
      %mul3A_480 = arith.constant 16 : i32
      %mul3A_481 = arith.muli %add3A_479, %mul3A_480 : i32
      %add3A_482 = arith.addi %sub3A_16, %mul3A_481 : i32
      %get3A_483 = arith.constant 0 : i32
      %get3A_484 = arith.index_cast %get3A_483 : i32 to index
      %get3A_485 = arith.index_cast %add3A_482 : i32 to index
      %get3A_486 = tpu.vector_load %arg8[%get3A_484, %get3A_485] {strides = array<i32>} : memref<2x5120xi32, #tpu.memory_space<vmem>>, vector<16xi32>,
      %mul3A_487 = arith.constant 16 : i32
      %mul3A_488 = arith.muli %add3A_479, %mul3A_487 : i32
      %add3A_489 = arith.addi %sub3A_16, %mul3A_488 : i32
      %get3A_490 = arith.constant 1 : i32
      %get3A_491 = arith.index_cast %get3A_490 : i32 to index
      %get3A_492 = arith.index_cast %add3A_489 : i32 to index
      %get3A_493 = tpu.vector_load %arg8[%get3A_491, %get3A_492] {strides = array<i32>} : memref<2x5120xi32, #tpu.memory_space<vmem>>, vector<16xi32>,
      %gather3A_494 = tpu.vector_load_idx %arg6[%get3A_493] : memref<10240xf32, #tpu.memory_space<vmem>>[vector<16xi32>], vector<16xf32>,
      tpu.vector_store_idx %arg7[%get3A_486], %gather3A_494 {add = true} : memref<10240xf32, #tpu.memory_space<vmem>>[vector<16xi32>], vector<16xf32>,
      %mul3A_495 = arith.constant 3 : i32
      %mul3A_496 = arith.muli %scan3A_458, %mul3A_495 : i32
      %add3A_497 = arith.constant 2 : i32
      %add3A_498 = arith.addi %mul3A_496, %add3A_497 : i32
      %mul3A_499 = arith.constant 16 : i32
      %mul3A_500 = arith.muli %add3A_498, %mul3A_499 : i32
      %add3A_501 = arith.addi %sub3A_16, %mul3A_500 : i32
      %get3A_502 = arith.constant 0 : i32
      %get3A_503 = arith.index_cast %get3A_502 : i32 to index
      %get3A_504 = arith.index_cast %add3A_501 : i32 to index
      %get3A_505 = tpu.vector_load %arg8[%get3A_503, %get3A_504] {strides = array<i32>} : memref<2x5120xi32, #tpu.memory_space<vmem>>, vector<16xi32>,
      %mul3A_506 = arith.constant 16 : i32
      %mul3A_507 = arith.muli %add3A_498, %mul3A_506 : i32
      %add3A_508 = arith.addi %sub3A_16, %mul3A_507 : i32
      %get3A_509 = arith.constant 1 : i32
      %get3A_510 = arith.index_cast %get3A_509 : i32 to index
      %get3A_511 = arith.index_cast %add3A_508 : i32 to index
      %get3A_512 = tpu.vector_load %arg8[%get3A_510, %get3A_511] {strides = array<i32>} : memref<2x5120xi32, #tpu.memory_space<vmem>>, vector<16xi32>,
      %gather3A_513 = tpu.vector_load_idx %arg6[%get3A_512] : memref<10240xf32, #tpu.memory_space<vmem>>[vector<16xi32>], vector<16xf32>,
      tpu.vector_store_idx %arg7[%get3A_505], %gather3A_513 {add = true} : memref<10240xf32, #tpu.memory_space<vmem>>[vector<16xi32>], vector<16xf32>,
    }
    %scan3A_52 = arith.constant 99 : i32
    %lt3A_53 = arith.constant 31 : i32
    %lt3A_54 = arith.cmpi slt, %add3A, %lt3A_53 : i32
    %convert_element_type3A = arith.extui %lt3A_54 : i1 to i32
    %cond3A = arith.constant 0 : i32
    %cond3A_55 = arith.cmpi ne, %convert_element_type3A, %cond3A : i32
    scf.if %cond3A_55 {
      %add3A_458 = arith.constant 4752 : i32
      %add3A_459 = arith.addi %sub3A_16, %add3A_458 : i32
      %get3A = arith.constant 0 : i32
      %get3A_460 = arith.index_cast %get3A : i32 to index
      %get3A_461 = arith.index_cast %add3A_459 : i32 to index
      %get3A_462 = tpu.vector_load %arg8[%get3A_460, %get3A_461] {strides = array<i32>} : memref<2x5120xi32, #tpu.memory_space<vmem>>, vector<16xi32>,
      %add3A_463 = arith.constant 4752 : i32
      %add3A_464 = arith.addi %sub3A_16, %add3A_463 : i32
      %get3A_465 = arith.constant 1 : i32
      %get3A_466 = arith.index_cast %get3A_465 : i32 to index
      %get3A_467 = arith.index_cast %add3A_464 : i32 to index
      %get3A_468 = tpu.vector_load %arg8[%get3A_466, %get3A_467] {strides = array<i32>} : memref<2x5120xi32, #tpu.memory_space<vmem>>, vector<16xi32>,
      %gather3A = tpu.vector_load_idx %arg6[%get3A_468] : memref<10240xf32, #tpu.memory_space<vmem>>[vector<16xi32>], vector<16xf32>,
      tpu.vector_store_idx %arg7[%get3A_462], %gather3A {add = true} : memref<10240xf32, #tpu.memory_space<vmem>>[vector<16xi32>], vector<16xf32>,
      %add3A_469 = arith.constant 4768 : i32
      %add3A_470 = arith.addi %sub3A_16, %add3A_469 : i32
      %get3A_471 = arith.constant 0 : i32
      %get3A_472 = arith.index_cast %get3A_471 : i32 to index
      %get3A_473 = arith.index_cast %add3A_470 : i32 to index
      %get3A_474 = tpu.vector_load %arg8[%get3A_472, %get3A_473] {strides = array<i32>} : memref<2x5120xi32, #tpu.memory_space<vmem>>, vector<16xi32>,
      %add3A_475 = arith.constant 4768 : i32
      %add3A_476 = arith.addi %sub3A_16, %add3A_475 : i32
      %get3A_477 = arith.constant 1 : i32
      %get3A_478 = arith.index_cast %get3A_477 : i32 to index
      %get3A_479 = arith.index_cast %add3A_476 : i32 to index
      %get3A_480 = tpu.vector_load %arg8[%get3A_478, %get3A_479] {strides = array<i32>} : memref<2x5120xi32, #tpu.memory_space<vmem>>, vector<16xi32>,
      %gather3A_481 = tpu.vector_load_idx %arg6[%get3A_480] : memref<10240xf32, #tpu.memory_space<vmem>>[vector<16xi32>], vector<16xf32>,
      tpu.vector_store_idx %arg7[%get3A_474], %gather3A_481 {add = true} : memref<10240xf32, #tpu.memory_space<vmem>>[vector<16xi32>], vector<16xf32>,
      %add3A_482 = arith.constant 4784 : i32
      %add3A_483 = arith.addi %sub3A_16, %add3A_482 : i32
      %get3A_484 = arith.constant 0 : i32
      %get3A_485 = arith.index_cast %get3A_484 : i32 to index
      %get3A_486 = arith.index_cast %add3A_483 : i32 to index
      %get3A_487 = tpu.vector_load %arg8[%get3A_485, %get3A_486] {strides = array<i32>} : memref<2x5120xi32, #tpu.memory_space<vmem>>, vector<16xi32>,
      %add3A_488 = arith.constant 4784 : i32
      %add3A_489 = arith.addi %sub3A_16, %add3A_488 : i32
      %get3A_490 = arith.constant 1 : i32
      %get3A_491 = arith.index_cast %get3A_490 : i32 to index
      %get3A_492 = arith.index_cast %add3A_489 : i32 to index
      %get3A_493 = tpu.vector_load %arg8[%get3A_491, %get3A_492] {strides = array<i32>} : memref<2x5120xi32, #tpu.memory_space<vmem>>, vector<16xi32>,
      %gather3A_494 = tpu.vector_load_idx %arg6[%get3A_493] : memref<10240xf32, #tpu.memory_space<vmem>>[vector<16xi32>], vector<16xf32>,
      tpu.vector_store_idx %arg7[%get3A_487], %gather3A_494 {add = true} : memref<10240xf32, #tpu.memory_space<vmem>>[vector<16xi32>], vector<16xf32>,
      %add3A_495 = arith.constant 4800 : i32
      %add3A_496 = arith.addi %sub3A_16, %add3A_495 : i32
      %get3A_497 = arith.constant 0 : i32
      %get3A_498 = arith.index_cast %get3A_497 : i32 to index
      %get3A_499 = arith.index_cast %add3A_496 : i32 to index
      %get3A_500 = tpu.vector_load %arg8[%get3A_498, %get3A_499] {strides = array<i32>} : memref<2x5120xi32, #tpu.memory_space<vmem>>, vector<16xi32>,
      %add3A_501 = arith.constant 4800 : i32
      %add3A_502 = arith.addi %sub3A_16, %add3A_501 : i32
      %get3A_503 = arith.constant 1 : i32
      %get3A_504 = arith.index_cast %get3A_503 : i32 to index
      %get3A_505 = arith.index_cast %add3A_502 : i32 to index
      %get3A_506 = tpu.vector_load %arg8[%get3A_504, %get3A_505] {strides = array<i32>} : memref<2x5120xi32, #tpu.memory_space<vmem>>, vector<16xi32>,
      %gather3A_507 = tpu.vector_load_idx %arg6[%get3A_506] : memref<10240xf32, #tpu.memory_space<vmem>>[vector<16xi32>], vector<16xf32>,
      tpu.vector_store_idx %arg7[%get3A_500], %gather3A_507 {add = true} : memref<10240xf32, #tpu.memory_space<vmem>>[vector<16xi32>], vector<16xf32>,
      %add3A_508 = arith.constant 4816 : i32
      %add3A_509 = arith.addi %sub3A_16, %add3A_508 : i32
      %get3A_510 = arith.constant 0 : i32
      %get3A_511 = arith.index_cast %get3A_510 : i32 to index
      %get3A_512 = arith.index_cast %add3A_509 : i32 to index
      %get3A_513 = tpu.vector_load %arg8[%get3A_511, %get3A_512] {strides = array<i32>} : memref<2x5120xi32, #tpu.memory_space<vmem>>, vector<16xi32>,
      %add3A_514 = arith.constant 4816 : i32
      %add3A_515 = arith.addi %sub3A_16, %add3A_514 : i32
      %get3A_516 = arith.constant 1 : i32
      %get3A_517 = arith.index_cast %get3A_516 : i32 to index
      %get3A_518 = arith.index_cast %add3A_515 : i32 to index
      %get3A_519 = tpu.vector_load %arg8[%get3A_517, %get3A_518] {strides = array<i32>} : memref<2x5120xi32, #tpu.memory_space<vmem>>, vector<16xi32>,
      %gather3A_520 = tpu.vector_load_idx %arg6[%get3A_519] : memref<10240xf32, #tpu.memory_space<vmem>>[vector<16xi32>], vector<16xf32>,
      tpu.vector_store_idx %arg7[%get3A_513], %gather3A_520 {add = true} : memref<10240xf32, #tpu.memory_space<vmem>>[vector<16xi32>], vector<16xf32>,
      %add3A_521 = arith.constant 4832 : i32
      %add3A_522 = arith.addi %sub3A_16, %add3A_521 : i32
      %get3A_523 = arith.constant 0 : i32
      %get3A_524 = arith.index_cast %get3A_523 : i32 to index
      %get3A_525 = arith.index_cast %add3A_522 : i32 to index
      %get3A_526 = tpu.vector_load %arg8[%get3A_524, %get3A_525] {strides = array<i32>} : memref<2x5120xi32, #tpu.memory_space<vmem>>, vector<16xi32>,
      %add3A_527 = arith.constant 4832 : i32
      %add3A_528 = arith.addi %sub3A_16, %add3A_527 : i32
      %get3A_529 = arith.constant 1 : i32
      %get3A_530 = arith.index_cast %get3A_529 : i32 to index
      %get3A_531 = arith.index_cast %add3A_528 : i32 to index
      %get3A_532 = tpu.vector_load %arg8[%get3A_530, %get3A_531] {strides = array<i32>} : memref<2x5120xi32, #tpu.memory_space<vmem>>, vector<16xi32>,
      %gather3A_533 = tpu.vector_load_idx %arg6[%get3A_532] : memref<10240xf32, #tpu.memory_space<vmem>>[vector<16xi32>], vector<16xf32>,
      tpu.vector_store_idx %arg7[%get3A_526], %gather3A_533 {add = true} : memref<10240xf32, #tpu.memory_space<vmem>>[vector<16xi32>], vector<16xf32>,
      %add3A_534 = arith.constant 4848 : i32
      %add3A_535 = arith.addi %sub3A_16, %add3A_534 : i32
      %get3A_536 = arith.constant 0 : i32
      %get3A_537 = arith.index_cast %get3A_536 : i32 to index
      %get3A_538 = arith.index_cast %add3A_535 : i32 to index
      %get3A_539 = tpu.vector_load %arg8[%get3A_537, %get3A_538] {strides = array<i32>} : memref<2x5120xi32, #tpu.memory_space<vmem>>, vector<16xi32>,
      %add3A_540 = arith.constant 4848 : i32
      %add3A_541 = arith.addi %sub3A_16, %add3A_540 : i32
      %get3A_542 = arith.constant 1 : i32
      %get3A_543 = arith.index_cast %get3A_542 : i32 to index
      %get3A_544 = arith.index_cast %add3A_541 : i32 to index
      %get3A_545 = tpu.vector_load %arg8[%get3A_543, %get3A_544] {strides = array<i32>} : memref<2x5120xi32, #tpu.memory_space<vmem>>, vector<16xi32>,
      %gather3A_546 = tpu.vector_load_idx %arg6[%get3A_545] : memref<10240xf32, #tpu.memory_space<vmem>>[vector<16xi32>], vector<16xf32>,
      tpu.vector_store_idx %arg7[%get3A_539], %gather3A_546 {add = true} : memref<10240xf32, #tpu.memory_space<vmem>>[vector<16xi32>], vector<16xf32>,
      %add3A_547 = arith.constant 4864 : i32
      %add3A_548 = arith.addi %sub3A_16, %add3A_547 : i32
      %get3A_549 = arith.constant 0 : i32
      %get3A_550 = arith.index_cast %get3A_549 : i32 to index
      %get3A_551 = arith.index_cast %add3A_548 : i32 to index
      %get3A_552 = tpu.vector_load %arg8[%get3A_550, %get3A_551] {strides = array<i32>} : memref<2x5120xi32, #tpu.memory_space<vmem>>, vector<16xi32>,
      %add3A_553 = arith.constant 4864 : i32
      %add3A_554 = arith.addi %sub3A_16, %add3A_553 : i32
      %get3A_555 = arith.constant 1 : i32
      %get3A_556 = arith.index_cast %get3A_555 : i32 to index
      %get3A_557 = arith.index_cast %add3A_554 : i32 to index
      %get3A_558 = tpu.vector_load %arg8[%get3A_556, %get3A_557] {strides = array<i32>} : memref<2x5120xi32, #tpu.memory_space<vmem>>, vector<16xi32>,
      %gather3A_559 = tpu.vector_load_idx %arg6[%get3A_558] : memref<10240xf32, #tpu.memory_space<vmem>>[vector<16xi32>], vector<16xf32>,
      tpu.vector_store_idx %arg7[%get3A_552], %gather3A_559 {add = true} : memref<10240xf32, #tpu.memory_space<vmem>>[vector<16xi32>], vector<16xf32>,
      %add3A_560 = arith.constant 4880 : i32
      %add3A_561 = arith.addi %sub3A_16, %add3A_560 : i32
      %get3A_562 = arith.constant 0 : i32
      %get3A_563 = arith.index_cast %get3A_562 : i32 to index
      %get3A_564 = arith.index_cast %add3A_561 : i32 to index
      %get3A_565 = tpu.vector_load %arg8[%get3A_563, %get3A_564] {strides = array<i32>} : memref<2x5120xi32, #tpu.memory_space<vmem>>, vector<16xi32>,
      %add3A_566 = arith.constant 4880 : i32
      %add3A_567 = arith.addi %sub3A_16, %add3A_566 : i32
      %get3A_568 = arith.constant 1 : i32
      %get3A_569 = arith.index_cast %get3A_568 : i32 to index
      %get3A_570 = arith.index_cast %add3A_567 : i32 to index
      %get3A_571 = tpu.vector_load %arg8[%get3A_569, %get3A_570] {strides = array<i32>} : memref<2x5120xi32, #tpu.memory_space<vmem>>, vector<16xi32>,
      %gather3A_572 = tpu.vector_load_idx %arg6[%get3A_571] : memref<10240xf32, #tpu.memory_space<vmem>>[vector<16xi32>], vector<16xf32>,
      tpu.vector_store_idx %arg7[%get3A_565], %gather3A_572 {add = true} : memref<10240xf32, #tpu.memory_space<vmem>>[vector<16xi32>], vector<16xf32>,
      %add3A_573 = arith.constant 4896 : i32
      %add3A_574 = arith.addi %sub3A_16, %add3A_573 : i32
      %get3A_575 = arith.constant 0 : i32
      %get3A_576 = arith.index_cast %get3A_575 : i32 to index
      %get3A_577 = arith.index_cast %add3A_574 : i32 to index
      %get3A_578 = tpu.vector_load %arg8[%get3A_576, %get3A_577] {strides = array<i32>} : memref<2x5120xi32, #tpu.memory_space<vmem>>, vector<16xi32>,
      %add3A_579 = arith.constant 4896 : i32
      %add3A_580 = arith.addi %sub3A_16, %add3A_579 : i32
      %get3A_581 = arith.constant 1 : i32
      %get3A_582 = arith.index_cast %get3A_581 : i32 to index
      %get3A_583 = arith.index_cast %add3A_580 : i32 to index
      %get3A_584 = tpu.vector_load %arg8[%get3A_582, %get3A_583] {strides = array<i32>} : memref<2x5120xi32, #tpu.memory_space<vmem>>, vector<16xi32>,
      %gather3A_585 = tpu.vector_load_idx %arg6[%get3A_584] : memref<10240xf32, #tpu.memory_space<vmem>>[vector<16xi32>], vector<16xf32>,
      tpu.vector_store_idx %arg7[%get3A_578], %gather3A_585 {add = true} : memref<10240xf32, #tpu.memory_space<vmem>>[vector<16xi32>], vector<16xf32>,
      %add3A_586 = arith.constant 4912 : i32
      %add3A_587 = arith.addi %sub3A_16, %add3A_586 : i32
      %get3A_588 = arith.constant 0 : i32
      %get3A_589 = arith.index_cast %get3A_588 : i32 to index
      %get3A_590 = arith.index_cast %add3A_587 : i32 to index
      %get3A_591 = tpu.vector_load %arg8[%get3A_589, %get3A_590] {strides = array<i32>} : memref<2x5120xi32, #tpu.memory_space<vmem>>, vector<16xi32>,
      %add3A_592 = arith.constant 4912 : i32
      %add3A_593 = arith.addi %sub3A_16, %add3A_592 : i32
      %get3A_594 = arith.constant 1 : i32
      %get3A_595 = arith.index_cast %get3A_594 : i32 to index
      %get3A_596 = arith.index_cast %add3A_593 : i32 to index
      %get3A_597 = tpu.vector_load %arg8[%get3A_595, %get3A_596] {strides = array<i32>} : memref<2x5120xi32, #tpu.memory_space<vmem>>, vector<16xi32>,
      %gather3A_598 = tpu.vector_load_idx %arg6[%get3A_597] : memref<10240xf32, #tpu.memory_space<vmem>>[vector<16xi32>], vector<16xf32>,
      tpu.vector_store_idx %arg7[%get3A_591], %gather3A_598 {add = true} : memref<10240xf32, #tpu.memory_space<vmem>>[vector<16xi32>], vector<16xf32>,
      %add3A_599 = arith.constant 4928 : i32
      %add3A_600 = arith.addi %sub3A_16, %add3A_599 : i32
      %get3A_601 = arith.constant 0 : i32
      %get3A_602 = arith.index_cast %get3A_601 : i32 to index
      %get3A_603 = arith.index_cast %add3A_600 : i32 to index
      %get3A_604 = tpu.vector_load %arg8[%get3A_602, %get3A_603] {strides = array<i32>} : memref<2x5120xi32, #tpu.memory_space<vmem>>, vector<16xi32>,
      %add3A_605 = arith.constant 4928 : i32
      %add3A_606 = arith.addi %sub3A_16, %add3A_605 : i32
      %get3A_607 = arith.constant 1 : i32
      %get3A_608 = arith.index_cast %get3A_607 : i32 to index
      %get3A_609 = arith.index_cast %add3A_606 : i32 to index
      %get3A_610 = tpu.vector_load %arg8[%get3A_608, %get3A_609] {strides = array<i32>} : memref<2x5120xi32, #tpu.memory_space<vmem>>, vector<16xi32>,
      %gather3A_611 = tpu.vector_load_idx %arg6[%get3A_610] : memref<10240xf32, #tpu.memory_space<vmem>>[vector<16xi32>], vector<16xf32>,
      tpu.vector_store_idx %arg7[%get3A_604], %gather3A_611 {add = true} : memref<10240xf32, #tpu.memory_space<vmem>>[vector<16xi32>], vector<16xf32>,
      %add3A_612 = arith.constant 4944 : i32
      %add3A_613 = arith.addi %sub3A_16, %add3A_612 : i32
      %get3A_614 = arith.constant 0 : i32
      %get3A_615 = arith.index_cast %get3A_614 : i32 to index
      %get3A_616 = arith.index_cast %add3A_613 : i32 to index
      %get3A_617 = tpu.vector_load %arg8[%get3A_615, %get3A_616] {strides = array<i32>} : memref<2x5120xi32, #tpu.memory_space<vmem>>, vector<16xi32>,
      %add3A_618 = arith.constant 4944 : i32
      %add3A_619 = arith.addi %sub3A_16, %add3A_618 : i32
      %get3A_620 = arith.constant 1 : i32
      %get3A_621 = arith.index_cast %get3A_620 : i32 to index
      %get3A_622 = arith.index_cast %add3A_619 : i32 to index
      %get3A_623 = tpu.vector_load %arg8[%get3A_621, %get3A_622] {strides = array<i32>} : memref<2x5120xi32, #tpu.memory_space<vmem>>, vector<16xi32>,
      %gather3A_624 = tpu.vector_load_idx %arg6[%get3A_623] : memref<10240xf32, #tpu.memory_space<vmem>>[vector<16xi32>], vector<16xf32>,
      tpu.vector_store_idx %arg7[%get3A_617], %gather3A_624 {add = true} : memref<10240xf32, #tpu.memory_space<vmem>>[vector<16xi32>], vector<16xf32>,
      %add3A_625 = arith.constant 4960 : i32
      %add3A_626 = arith.addi %sub3A_16, %add3A_625 : i32
      %get3A_627 = arith.constant 0 : i32
      %get3A_628 = arith.index_cast %get3A_627 : i32 to index
      %get3A_629 = arith.index_cast %add3A_626 : i32 to index
      %get3A_630 = tpu.vector_load %arg8[%get3A_628, %get3A_629] {strides = array<i32>} : memref<2x5120xi32, #tpu.memory_space<vmem>>, vector<16xi32>,
      %add3A_631 = arith.constant 4960 : i32
      %add3A_632 = arith.addi %sub3A_16, %add3A_631 : i32
      %get3A_633 = arith.constant 1 : i32
      %get3A_634 = arith.index_cast %get3A_633 : i32 to index
      %get3A_635 = arith.index_cast %add3A_632 : i32 to index
      %get3A_636 = tpu.vector_load %arg8[%get3A_634, %get3A_635] {strides = array<i32>} : memref<2x5120xi32, #tpu.memory_space<vmem>>, vector<16xi32>,
      %gather3A_637 = tpu.vector_load_idx %arg6[%get3A_636] : memref<10240xf32, #tpu.memory_space<vmem>>[vector<16xi32>], vector<16xf32>,
      tpu.vector_store_idx %arg7[%get3A_630], %gather3A_637 {add = true} : memref<10240xf32, #tpu.memory_space<vmem>>[vector<16xi32>], vector<16xf32>,
      %add3A_638 = arith.constant 4976 : i32
      %add3A_639 = arith.addi %sub3A_16, %add3A_638 : i32
      %get3A_640 = arith.constant 0 : i32
      %get3A_641 = arith.index_cast %get3A_640 : i32 to index
      %get3A_642 = arith.index_cast %add3A_639 : i32 to index
      %get3A_643 = tpu.vector_load %arg8[%get3A_641, %get3A_642] {strides = array<i32>} : memref<2x5120xi32, #tpu.memory_space<vmem>>, vector<16xi32>,
      %add3A_644 = arith.constant 4976 : i32
      %add3A_645 = arith.addi %sub3A_16, %add3A_644 : i32
      %get3A_646 = arith.constant 1 : i32
      %get3A_647 = arith.index_cast %get3A_646 : i32 to index
      %get3A_648 = arith.index_cast %add3A_645 : i32 to index
      %get3A_649 = tpu.vector_load %arg8[%get3A_647, %get3A_648] {strides = array<i32>} : memref<2x5120xi32, #tpu.memory_space<vmem>>, vector<16xi32>,
      %gather3A_650 = tpu.vector_load_idx %arg6[%get3A_649] : memref<10240xf32, #tpu.memory_space<vmem>>[vector<16xi32>], vector<16xf32>,
      tpu.vector_store_idx %arg7[%get3A_643], %gather3A_650 {add = true} : memref<10240xf32, #tpu.memory_space<vmem>>[vector<16xi32>], vector<16xf32>,
      %add3A_651 = arith.constant 4992 : i32
      %add3A_652 = arith.addi %sub3A_16, %add3A_651 : i32
      %get3A_653 = arith.constant 0 : i32
      %get3A_654 = arith.index_cast %get3A_653 : i32 to index
      %get3A_655 = arith.index_cast %add3A_652 : i32 to index
      %get3A_656 = tpu.vector_load %arg8[%get3A_654, %get3A_655] {strides = array<i32>} : memref<2x5120xi32, #tpu.memory_space<vmem>>, vector<16xi32>,
      %add3A_657 = arith.constant 4992 : i32
      %add3A_658 = arith.addi %sub3A_16, %add3A_657 : i32
      %get3A_659 = arith.constant 1 : i32
      %get3A_660 = arith.index_cast %get3A_659 : i32 to index
      %get3A_661 = arith.index_cast %add3A_658 : i32 to index
      %get3A_662 = tpu.vector_load %arg8[%get3A_660, %get3A_661] {strides = array<i32>} : memref<2x5120xi32, #tpu.memory_space<vmem>>, vector<16xi32>,
      %gather3A_663 = tpu.vector_load_idx %arg6[%get3A_662] : memref<10240xf32, #tpu.memory_space<vmem>>[vector<16xi32>], vector<16xf32>,
      tpu.vector_store_idx %arg7[%get3A_656], %gather3A_663 {add = true} : memref<10240xf32, #tpu.memory_space<vmem>>[vector<16xi32>], vector<16xf32>,
    } else {
    }
    "tpu.region"() ({
      %run_scoped3A = tpu.sem_alloc : memref<!tpu.dma_semaphore, #tpu.memory_space<semaphore_mem>>
      %dma_start3A_458 = arith.constant 0 : i32
      %dma_start3A_459 = tpu.memref_slice %arg13[%arg1, %dma_start3A_458] : memref<16x10240xf32, #tpu.memory_space<vmem_shared>> -> memref<1x10240xf32, #tpu.memory_space<vmem_shared>>
      %dma_start3A_460 = tpu.memref_squeeze %dma_start3A_459 : memref<1x10240xf32, #tpu.memory_space<vmem_shared>> -> memref<10240xf32, #tpu.memory_space<vmem_shared>>
      %dma_start3A_461 = arith.constant 0 : i32
      %dma_start3A_462 = tpu.memref_slice %arg13[%arg1, %dma_start3A_461] : memref<16x10240xf32, #tpu.memory_space<vmem_shared>> -> memref<1x10240xf32, #tpu.memory_space<vmem_shared>>
      %dma_start3A_463 = tpu.memref_squeeze %dma_start3A_462 : memref<1x10240xf32, #tpu.memory_space<vmem_shared>> -> memref<10240xf32, #tpu.memory_space<vmem_shared>>
      tpu.enqueue_dma source(%arg7 : memref<10240xf32, #tpu.memory_space<vmem>>) target(%dma_start3A_463 : memref<10240xf32, #tpu.memory_space<vmem_shared>>) target_semaphore(%run_scoped3A : memref<!tpu.dma_semaphore, #tpu.memory_space<semaphore_mem>>)
      %dma_wait3A_464 = arith.constant 0 : i32
      %dma_wait3A_465 = tpu.memref_slice %arg13[%arg1, %dma_wait3A_464] : memref<16x10240xf32, #tpu.memory_space<vmem_shared>> -> memref<1x10240xf32, #tpu.memory_space<vmem_shared>>
      %dma_wait3A_466 = tpu.memref_squeeze %dma_wait3A_465 : memref<1x10240xf32, #tpu.memory_space<vmem_shared>> -> memref<10240xf32, #tpu.memory_space<vmem_shared>>
      %dma_wait3A_467 = arith.constant 0 : i32
      %dma_wait3A_468 = tpu.memref_slice %arg13[%arg1, %dma_wait3A_467] : memref<16x10240xf32, #tpu.memory_space<vmem_shared>> -> memref<1x10240xf32, #tpu.memory_space<vmem_shared>>
      %dma_wait3A_469 = tpu.memref_squeeze %dma_wait3A_468 : memref<1x10240xf32, #tpu.memory_space<vmem_shared>> -> memref<10240xf32, #tpu.memory_space<vmem_shared>>
      tpu.wait_dma2 semaphore(%run_scoped3A : memref<!tpu.dma_semaphore, #tpu.memory_space<semaphore_mem>>) src(%arg7 : memref<10240xf32, #tpu.memory_space<vmem>>) dst(%dma_wait3A_469 : memref<10240xf32, #tpu.memory_space<vmem_shared>>)
      tpu.yield
    }) : () -> ()
    %barrier3A = arith.constant 0 : index
    tpu.barrier barrier_id(%barrier3A)
    %mul3A_56 = arith.constant 640 : i32
    %mul3A_57 = arith.muli %arg1, %mul3A_56 : i32
    %dma_start3A_58 = arith.constant 0 : i32
    %dma_start3A_59 = arith.constant 0 : i32
    %dma_start3A_60 = arith.constant 0 : i32
    %dma_start3A_61 = tpu.memref_slice %arg11[%dma_start3A_59, %dma_start3A_60] : memref<16x640xf32, #tpu.memory_space<vmem>> -> memref<1x640xf32, #tpu.memory_space<vmem>>
    %dma_start3A_62 = tpu.memref_squeeze %dma_start3A_61 : memref<1x640xf32, #tpu.memory_space<vmem>> -> memref<640xf32, #tpu.memory_space<vmem>>
    %dma_start3A_63 = tpu.memref_slice %arg13[%dma_start3A_58, %mul3A_57] : memref<16x10240xf32, #tpu.memory_space<vmem_shared>> -> memref<1x640xf32, #tpu.memory_space<vmem_shared>>
    %dma_start3A_64 = tpu.memref_squeeze %dma_start3A_63 : memref<1x640xf32, #tpu.memory_space<vmem_shared>> -> memref<640xf32, #tpu.memory_space<vmem_shared>>
    %dma_start3A_65 = arith.constant 0 : i32
    %dma_start3A_66 = tpu.memref_slice %arg11[%dma_start3A_59, %dma_start3A_65] : memref<16x640xf32, #tpu.memory_space<vmem>> -> memref<1x640xf32, #tpu.memory_space<vmem>>
    %dma_start3A_67 = tpu.memref_squeeze %dma_start3A_66 : memref<1x640xf32, #tpu.memory_space<vmem>> -> memref<640xf32, #tpu.memory_space<vmem>>
    %dma_start3A_68 = tpu.memref_slice %arg13[%dma_start3A_58, %mul3A_57] : memref<16x10240xf32, #tpu.memory_space<vmem_shared>> -> memref<1x640xf32, #tpu.memory_space<vmem_shared>>
    %dma_start3A_69 = tpu.memref_squeeze %dma_start3A_68 : memref<1x640xf32, #tpu.memory_space<vmem_shared>> -> memref<640xf32, #tpu.memory_space<vmem_shared>>
    tpu.enqueue_dma source(%dma_start3A_69 : memref<640xf32, #tpu.memory_space<vmem_shared>>) target(%dma_start3A_67 : memref<640xf32, #tpu.memory_space<vmem>>) target_semaphore(%arg17 : memref<!tpu.dma_semaphore, #tpu.memory_space<semaphore_mem>>)
    %dma_start3A_70 = arith.constant 1 : i32
    %dma_start3A_71 = arith.constant 1 : i32
    %dma_start3A_72 = arith.constant 0 : i32
    %dma_start3A_73 = tpu.memref_slice %arg11[%dma_start3A_71, %dma_start3A_72] : memref<16x640xf32, #tpu.memory_space<vmem>> -> memref<1x640xf32, #tpu.memory_space<vmem>>
    %dma_start3A_74 = tpu.memref_squeeze %dma_start3A_73 : memref<1x640xf32, #tpu.memory_space<vmem>> -> memref<640xf32, #tpu.memory_space<vmem>>
    %dma_start3A_75 = tpu.memref_slice %arg13[%dma_start3A_70, %mul3A_57] : memref<16x10240xf32, #tpu.memory_space<vmem_shared>> -> memref<1x640xf32, #tpu.memory_space<vmem_shared>>
    %dma_start3A_76 = tpu.memref_squeeze %dma_start3A_75 : memref<1x640xf32, #tpu.memory_space<vmem_shared>> -> memref<640xf32, #tpu.memory_space<vmem_shared>>
    %dma_start3A_77 = arith.constant 0 : i32
    %dma_start3A_78 = tpu.memref_slice %arg11[%dma_start3A_71, %dma_start3A_77] : memref<16x640xf32, #tpu.memory_space<vmem>> -> memref<1x640xf32, #tpu.memory_space<vmem>>
    %dma_start3A_79 = tpu.memref_squeeze %dma_start3A_78 : memref<1x640xf32, #tpu.memory_space<vmem>> -> memref<640xf32, #tpu.memory_space<vmem>>
    %dma_start3A_80 = tpu.memref_slice %arg13[%dma_start3A_70, %mul3A_57] : memref<16x10240xf32, #tpu.memory_space<vmem_shared>> -> memref<1x640xf32, #tpu.memory_space<vmem_shared>>
    %dma_start3A_81 = tpu.memref_squeeze %dma_start3A_80 : memref<1x640xf32, #tpu.memory_space<vmem_shared>> -> memref<640xf32, #tpu.memory_space<vmem_shared>>
    tpu.enqueue_dma source(%dma_start3A_81 : memref<640xf32, #tpu.memory_space<vmem_shared>>) target(%dma_start3A_79 : memref<640xf32, #tpu.memory_space<vmem>>) target_semaphore(%arg17 : memref<!tpu.dma_semaphore, #tpu.memory_space<semaphore_mem>>)
    %dma_start3A_82 = arith.constant 2 : i32
    %dma_start3A_83 = arith.constant 2 : i32
    %dma_start3A_84 = arith.constant 0 : i32
    %dma_start3A_85 = tpu.memref_slice %arg11[%dma_start3A_83, %dma_start3A_84] : memref<16x640xf32, #tpu.memory_space<vmem>> -> memref<1x640xf32, #tpu.memory_space<vmem>>
    %dma_start3A_86 = tpu.memref_squeeze %dma_start3A_85 : memref<1x640xf32, #tpu.memory_space<vmem>> -> memref<640xf32, #tpu.memory_space<vmem>>
    %dma_start3A_87 = tpu.memref_slice %arg13[%dma_start3A_82, %mul3A_57] : memref<16x10240xf32, #tpu.memory_space<vmem_shared>> -> memref<1x640xf32, #tpu.memory_space<vmem_shared>>
    %dma_start3A_88 = tpu.memref_squeeze %dma_start3A_87 : memref<1x640xf32, #tpu.memory_space<vmem_shared>> -> memref<640xf32, #tpu.memory_space<vmem_shared>>
    %dma_start3A_89 = arith.constant 0 : i32
    %dma_start3A_90 = tpu.memref_slice %arg11[%dma_start3A_83, %dma_start3A_89] : memref<16x640xf32, #tpu.memory_space<vmem>> -> memref<1x640xf32, #tpu.memory_space<vmem>>
    %dma_start3A_91 = tpu.memref_squeeze %dma_start3A_90 : memref<1x640xf32, #tpu.memory_space<vmem>> -> memref<640xf32, #tpu.memory_space<vmem>>
    %dma_start3A_92 = tpu.memref_slice %arg13[%dma_start3A_82, %mul3A_57] : memref<16x10240xf32, #tpu.memory_space<vmem_shared>> -> memref<1x640xf32, #tpu.memory_space<vmem_shared>>
    %dma_start3A_93 = tpu.memref_squeeze %dma_start3A_92 : memref<1x640xf32, #tpu.memory_space<vmem_shared>> -> memref<640xf32, #tpu.memory_space<vmem_shared>>
    tpu.enqueue_dma source(%dma_start3A_93 : memref<640xf32, #tpu.memory_space<vmem_shared>>) target(%dma_start3A_91 : memref<640xf32, #tpu.memory_space<vmem>>) target_semaphore(%arg17 : memref<!tpu.dma_semaphore, #tpu.memory_space<semaphore_mem>>)
    %dma_start3A_94 = arith.constant 3 : i32
    %dma_start3A_95 = arith.constant 3 : i32
    %dma_start3A_96 = arith.constant 0 : i32
    %dma_start3A_97 = tpu.memref_slice %arg11[%dma_start3A_95, %dma_start3A_96] : memref<16x640xf32, #tpu.memory_space<vmem>> -> memref<1x640xf32, #tpu.memory_space<vmem>>
    %dma_start3A_98 = tpu.memref_squeeze %dma_start3A_97 : memref<1x640xf32, #tpu.memory_space<vmem>> -> memref<640xf32, #tpu.memory_space<vmem>>
    %dma_start3A_99 = tpu.memref_slice %arg13[%dma_start3A_94, %mul3A_57] : memref<16x10240xf32, #tpu.memory_space<vmem_shared>> -> memref<1x640xf32, #tpu.memory_space<vmem_shared>>
    %dma_start3A_100 = tpu.memref_squeeze %dma_start3A_99 : memref<1x640xf32, #tpu.memory_space<vmem_shared>> -> memref<640xf32, #tpu.memory_space<vmem_shared>>
    %dma_start3A_101 = arith.constant 0 : i32
    %dma_start3A_102 = tpu.memref_slice %arg11[%dma_start3A_95, %dma_start3A_101] : memref<16x640xf32, #tpu.memory_space<vmem>> -> memref<1x640xf32, #tpu.memory_space<vmem>>
    %dma_start3A_103 = tpu.memref_squeeze %dma_start3A_102 : memref<1x640xf32, #tpu.memory_space<vmem>> -> memref<640xf32, #tpu.memory_space<vmem>>
    %dma_start3A_104 = tpu.memref_slice %arg13[%dma_start3A_94, %mul3A_57] : memref<16x10240xf32, #tpu.memory_space<vmem_shared>> -> memref<1x640xf32, #tpu.memory_space<vmem_shared>>
    %dma_start3A_105 = tpu.memref_squeeze %dma_start3A_104 : memref<1x640xf32, #tpu.memory_space<vmem_shared>> -> memref<640xf32, #tpu.memory_space<vmem_shared>>
    tpu.enqueue_dma source(%dma_start3A_105 : memref<640xf32, #tpu.memory_space<vmem_shared>>) target(%dma_start3A_103 : memref<640xf32, #tpu.memory_space<vmem>>) target_semaphore(%arg17 : memref<!tpu.dma_semaphore, #tpu.memory_space<semaphore_mem>>)
    %dma_start3A_106 = arith.constant 4 : i32
    %dma_start3A_107 = arith.constant 4 : i32
    %dma_start3A_108 = arith.constant 0 : i32
    %dma_start3A_109 = tpu.memref_slice %arg11[%dma_start3A_107, %dma_start3A_108] : memref<16x640xf32, #tpu.memory_space<vmem>> -> memref<1x640xf32, #tpu.memory_space<vmem>>
    %dma_start3A_110 = tpu.memref_squeeze %dma_start3A_109 : memref<1x640xf32, #tpu.memory_space<vmem>> -> memref<640xf32, #tpu.memory_space<vmem>>
    %dma_start3A_111 = tpu.memref_slice %arg13[%dma_start3A_106, %mul3A_57] : memref<16x10240xf32, #tpu.memory_space<vmem_shared>> -> memref<1x640xf32, #tpu.memory_space<vmem_shared>>
    %dma_start3A_112 = tpu.memref_squeeze %dma_start3A_111 : memref<1x640xf32, #tpu.memory_space<vmem_shared>> -> memref<640xf32, #tpu.memory_space<vmem_shared>>
    %dma_start3A_113 = arith.constant 0 : i32
    %dma_start3A_114 = tpu.memref_slice %arg11[%dma_start3A_107, %dma_start3A_113] : memref<16x640xf32, #tpu.memory_space<vmem>> -> memref<1x640xf32, #tpu.memory_space<vmem>>
    %dma_start3A_115 = tpu.memref_squeeze %dma_start3A_114 : memref<1x640xf32, #tpu.memory_space<vmem>> -> memref<640xf32, #tpu.memory_space<vmem>>
    %dma_start3A_116 = tpu.memref_slice %arg13[%dma_start3A_106, %mul3A_57] : memref<16x10240xf32, #tpu.memory_space<vmem_shared>> -> memref<1x640xf32, #tpu.memory_space<vmem_shared>>
    %dma_start3A_117 = tpu.memref_squeeze %dma_start3A_116 : memref<1x640xf32, #tpu.memory_space<vmem_shared>> -> memref<640xf32, #tpu.memory_space<vmem_shared>>
    tpu.enqueue_dma source(%dma_start3A_117 : memref<640xf32, #tpu.memory_space<vmem_shared>>) target(%dma_start3A_115 : memref<640xf32, #tpu.memory_space<vmem>>) target_semaphore(%arg17 : memref<!tpu.dma_semaphore, #tpu.memory_space<semaphore_mem>>)
    %dma_start3A_118 = arith.constant 5 : i32
    %dma_start3A_119 = arith.constant 5 : i32
    %dma_start3A_120 = arith.constant 0 : i32
    %dma_start3A_121 = tpu.memref_slice %arg11[%dma_start3A_119, %dma_start3A_120] : memref<16x640xf32, #tpu.memory_space<vmem>> -> memref<1x640xf32, #tpu.memory_space<vmem>>
    %dma_start3A_122 = tpu.memref_squeeze %dma_start3A_121 : memref<1x640xf32, #tpu.memory_space<vmem>> -> memref<640xf32, #tpu.memory_space<vmem>>
    %dma_start3A_123 = tpu.memref_slice %arg13[%dma_start3A_118, %mul3A_57] : memref<16x10240xf32, #tpu.memory_space<vmem_shared>> -> memref<1x640xf32, #tpu.memory_space<vmem_shared>>
    %dma_start3A_124 = tpu.memref_squeeze %dma_start3A_123 : memref<1x640xf32, #tpu.memory_space<vmem_shared>> -> memref<640xf32, #tpu.memory_space<vmem_shared>>
    %dma_start3A_125 = arith.constant 0 : i32
    %dma_start3A_126 = tpu.memref_slice %arg11[%dma_start3A_119, %dma_start3A_125] : memref<16x640xf32, #tpu.memory_space<vmem>> -> memref<1x640xf32, #tpu.memory_space<vmem>>
    %dma_start3A_127 = tpu.memref_squeeze %dma_start3A_126 : memref<1x640xf32, #tpu.memory_space<vmem>> -> memref<640xf32, #tpu.memory_space<vmem>>
    %dma_start3A_128 = tpu.memref_slice %arg13[%dma_start3A_118, %mul3A_57] : memref<16x10240xf32, #tpu.memory_space<vmem_shared>> -> memref<1x640xf32, #tpu.memory_space<vmem_shared>>
    %dma_start3A_129 = tpu.memref_squeeze %dma_start3A_128 : memref<1x640xf32, #tpu.memory_space<vmem_shared>> -> memref<640xf32, #tpu.memory_space<vmem_shared>>
    tpu.enqueue_dma source(%dma_start3A_129 : memref<640xf32, #tpu.memory_space<vmem_shared>>) target(%dma_start3A_127 : memref<640xf32, #tpu.memory_space<vmem>>) target_semaphore(%arg17 : memref<!tpu.dma_semaphore, #tpu.memory_space<semaphore_mem>>)
    %dma_start3A_130 = arith.constant 6 : i32
    %dma_start3A_131 = arith.constant 6 : i32
    %dma_start3A_132 = arith.constant 0 : i32
    %dma_start3A_133 = tpu.memref_slice %arg11[%dma_start3A_131, %dma_start3A_132] : memref<16x640xf32, #tpu.memory_space<vmem>> -> memref<1x640xf32, #tpu.memory_space<vmem>>
    %dma_start3A_134 = tpu.memref_squeeze %dma_start3A_133 : memref<1x640xf32, #tpu.memory_space<vmem>> -> memref<640xf32, #tpu.memory_space<vmem>>
    %dma_start3A_135 = tpu.memref_slice %arg13[%dma_start3A_130, %mul3A_57] : memref<16x10240xf32, #tpu.memory_space<vmem_shared>> -> memref<1x640xf32, #tpu.memory_space<vmem_shared>>
    %dma_start3A_136 = tpu.memref_squeeze %dma_start3A_135 : memref<1x640xf32, #tpu.memory_space<vmem_shared>> -> memref<640xf32, #tpu.memory_space<vmem_shared>>
    %dma_start3A_137 = arith.constant 0 : i32
    %dma_start3A_138 = tpu.memref_slice %arg11[%dma_start3A_131, %dma_start3A_137] : memref<16x640xf32, #tpu.memory_space<vmem>> -> memref<1x640xf32, #tpu.memory_space<vmem>>
    %dma_start3A_139 = tpu.memref_squeeze %dma_start3A_138 : memref<1x640xf32, #tpu.memory_space<vmem>> -> memref<640xf32, #tpu.memory_space<vmem>>
    %dma_start3A_140 = tpu.memref_slice %arg13[%dma_start3A_130, %mul3A_57] : memref<16x10240xf32, #tpu.memory_space<vmem_shared>> -> memref<1x640xf32, #tpu.memory_space<vmem_shared>>
    %dma_start3A_141 = tpu.memref_squeeze %dma_start3A_140 : memref<1x640xf32, #tpu.memory_space<vmem_shared>> -> memref<640xf32, #tpu.memory_space<vmem_shared>>
    tpu.enqueue_dma source(%dma_start3A_141 : memref<640xf32, #tpu.memory_space<vmem_shared>>) target(%dma_start3A_139 : memref<640xf32, #tpu.memory_space<vmem>>) target_semaphore(%arg17 : memref<!tpu.dma_semaphore, #tpu.memory_space<semaphore_mem>>)
    %dma_start3A_142 = arith.constant 7 : i32
    %dma_start3A_143 = arith.constant 7 : i32
    %dma_start3A_144 = arith.constant 0 : i32
    %dma_start3A_145 = tpu.memref_slice %arg11[%dma_start3A_143, %dma_start3A_144] : memref<16x640xf32, #tpu.memory_space<vmem>> -> memref<1x640xf32, #tpu.memory_space<vmem>>
    %dma_start3A_146 = tpu.memref_squeeze %dma_start3A_145 : memref<1x640xf32, #tpu.memory_space<vmem>> -> memref<640xf32, #tpu.memory_space<vmem>>
    %dma_start3A_147 = tpu.memref_slice %arg13[%dma_start3A_142, %mul3A_57] : memref<16x10240xf32, #tpu.memory_space<vmem_shared>> -> memref<1x640xf32, #tpu.memory_space<vmem_shared>>
    %dma_start3A_148 = tpu.memref_squeeze %dma_start3A_147 : memref<1x640xf32, #tpu.memory_space<vmem_shared>> -> memref<640xf32, #tpu.memory_space<vmem_shared>>
    %dma_start3A_149 = arith.constant 0 : i32
    %dma_start3A_150 = tpu.memref_slice %arg11[%dma_start3A_143, %dma_start3A_149] : memref<16x640xf32, #tpu.memory_space<vmem>> -> memref<1x640xf32, #tpu.memory_space<vmem>>
    %dma_start3A_151 = tpu.memref_squeeze %dma_start3A_150 : memref<1x640xf32, #tpu.memory_space<vmem>> -> memref<640xf32, #tpu.memory_space<vmem>>
    %dma_start3A_152 = tpu.memref_slice %arg13[%dma_start3A_142, %mul3A_57] : memref<16x10240xf32, #tpu.memory_space<vmem_shared>> -> memref<1x640xf32, #tpu.memory_space<vmem_shared>>
    %dma_start3A_153 = tpu.memref_squeeze %dma_start3A_152 : memref<1x640xf32, #tpu.memory_space<vmem_shared>> -> memref<640xf32, #tpu.memory_space<vmem_shared>>
    tpu.enqueue_dma source(%dma_start3A_153 : memref<640xf32, #tpu.memory_space<vmem_shared>>) target(%dma_start3A_151 : memref<640xf32, #tpu.memory_space<vmem>>) target_semaphore(%arg17 : memref<!tpu.dma_semaphore, #tpu.memory_space<semaphore_mem>>)
    %dma_start3A_154 = arith.constant 8 : i32
    %dma_start3A_155 = arith.constant 8 : i32
    %dma_start3A_156 = arith.constant 0 : i32
    %dma_start3A_157 = tpu.memref_slice %arg11[%dma_start3A_155, %dma_start3A_156] : memref<16x640xf32, #tpu.memory_space<vmem>> -> memref<1x640xf32, #tpu.memory_space<vmem>>
    %dma_start3A_158 = tpu.memref_squeeze %dma_start3A_157 : memref<1x640xf32, #tpu.memory_space<vmem>> -> memref<640xf32, #tpu.memory_space<vmem>>
    %dma_start3A_159 = tpu.memref_slice %arg13[%dma_start3A_154, %mul3A_57] : memref<16x10240xf32, #tpu.memory_space<vmem_shared>> -> memref<1x640xf32, #tpu.memory_space<vmem_shared>>
    %dma_start3A_160 = tpu.memref_squeeze %dma_start3A_159 : memref<1x640xf32, #tpu.memory_space<vmem_shared>> -> memref<640xf32, #tpu.memory_space<vmem_shared>>
    %dma_start3A_161 = arith.constant 0 : i32
    %dma_start3A_162 = tpu.memref_slice %arg11[%dma_start3A_155, %dma_start3A_161] : memref<16x640xf32, #tpu.memory_space<vmem>> -> memref<1x640xf32, #tpu.memory_space<vmem>>
    %dma_start3A_163 = tpu.memref_squeeze %dma_start3A_162 : memref<1x640xf32, #tpu.memory_space<vmem>> -> memref<640xf32, #tpu.memory_space<vmem>>
    %dma_start3A_164 = tpu.memref_slice %arg13[%dma_start3A_154, %mul3A_57] : memref<16x10240xf32, #tpu.memory_space<vmem_shared>> -> memref<1x640xf32, #tpu.memory_space<vmem_shared>>
    %dma_start3A_165 = tpu.memref_squeeze %dma_start3A_164 : memref<1x640xf32, #tpu.memory_space<vmem_shared>> -> memref<640xf32, #tpu.memory_space<vmem_shared>>
    tpu.enqueue_dma source(%dma_start3A_165 : memref<640xf32, #tpu.memory_space<vmem_shared>>) target(%dma_start3A_163 : memref<640xf32, #tpu.memory_space<vmem>>) target_semaphore(%arg17 : memref<!tpu.dma_semaphore, #tpu.memory_space<semaphore_mem>>)
    %dma_start3A_166 = arith.constant 9 : i32
    %dma_start3A_167 = arith.constant 9 : i32
    %dma_start3A_168 = arith.constant 0 : i32
    %dma_start3A_169 = tpu.memref_slice %arg11[%dma_start3A_167, %dma_start3A_168] : memref<16x640xf32, #tpu.memory_space<vmem>> -> memref<1x640xf32, #tpu.memory_space<vmem>>
    %dma_start3A_170 = tpu.memref_squeeze %dma_start3A_169 : memref<1x640xf32, #tpu.memory_space<vmem>> -> memref<640xf32, #tpu.memory_space<vmem>>
    %dma_start3A_171 = tpu.memref_slice %arg13[%dma_start3A_166, %mul3A_57] : memref<16x10240xf32, #tpu.memory_space<vmem_shared>> -> memref<1x640xf32, #tpu.memory_space<vmem_shared>>
    %dma_start3A_172 = tpu.memref_squeeze %dma_start3A_171 : memref<1x640xf32, #tpu.memory_space<vmem_shared>> -> memref<640xf32, #tpu.memory_space<vmem_shared>>
    %dma_start3A_173 = arith.constant 0 : i32
    %dma_start3A_174 = tpu.memref_slice %arg11[%dma_start3A_167, %dma_start3A_173] : memref<16x640xf32, #tpu.memory_space<vmem>> -> memref<1x640xf32, #tpu.memory_space<vmem>>
    %dma_start3A_175 = tpu.memref_squeeze %dma_start3A_174 : memref<1x640xf32, #tpu.memory_space<vmem>> -> memref<640xf32, #tpu.memory_space<vmem>>
    %dma_start3A_176 = tpu.memref_slice %arg13[%dma_start3A_166, %mul3A_57] : memref<16x10240xf32, #tpu.memory_space<vmem_shared>> -> memref<1x640xf32, #tpu.memory_space<vmem_shared>>
    %dma_start3A_177 = tpu.memref_squeeze %dma_start3A_176 : memref<1x640xf32, #tpu.memory_space<vmem_shared>> -> memref<640xf32, #tpu.memory_space<vmem_shared>>
    tpu.enqueue_dma source(%dma_start3A_177 : memref<640xf32, #tpu.memory_space<vmem_shared>>) target(%dma_start3A_175 : memref<640xf32, #tpu.memory_space<vmem>>) target_semaphore(%arg17 : memref<!tpu.dma_semaphore, #tpu.memory_space<semaphore_mem>>)
    %dma_start3A_178 = arith.constant 10 : i32
    %dma_start3A_179 = arith.constant 10 : i32
    %dma_start3A_180 = arith.constant 0 : i32
    %dma_start3A_181 = tpu.memref_slice %arg11[%dma_start3A_179, %dma_start3A_180] : memref<16x640xf32, #tpu.memory_space<vmem>> -> memref<1x640xf32, #tpu.memory_space<vmem>>
    %dma_start3A_182 = tpu.memref_squeeze %dma_start3A_181 : memref<1x640xf32, #tpu.memory_space<vmem>> -> memref<640xf32, #tpu.memory_space<vmem>>
    %dma_start3A_183 = tpu.memref_slice %arg13[%dma_start3A_178, %mul3A_57] : memref<16x10240xf32, #tpu.memory_space<vmem_shared>> -> memref<1x640xf32, #tpu.memory_space<vmem_shared>>
    %dma_start3A_184 = tpu.memref_squeeze %dma_start3A_183 : memref<1x640xf32, #tpu.memory_space<vmem_shared>> -> memref<640xf32, #tpu.memory_space<vmem_shared>>
    %dma_start3A_185 = arith.constant 0 : i32
    %dma_start3A_186 = tpu.memref_slice %arg11[%dma_start3A_179, %dma_start3A_185] : memref<16x640xf32, #tpu.memory_space<vmem>> -> memref<1x640xf32, #tpu.memory_space<vmem>>
    %dma_start3A_187 = tpu.memref_squeeze %dma_start3A_186 : memref<1x640xf32, #tpu.memory_space<vmem>> -> memref<640xf32, #tpu.memory_space<vmem>>
    %dma_start3A_188 = tpu.memref_slice %arg13[%dma_start3A_178, %mul3A_57] : memref<16x10240xf32, #tpu.memory_space<vmem_shared>> -> memref<1x640xf32, #tpu.memory_space<vmem_shared>>
    %dma_start3A_189 = tpu.memref_squeeze %dma_start3A_188 : memref<1x640xf32, #tpu.memory_space<vmem_shared>> -> memref<640xf32, #tpu.memory_space<vmem_shared>>
    tpu.enqueue_dma source(%dma_start3A_189 : memref<640xf32, #tpu.memory_space<vmem_shared>>) target(%dma_start3A_187 : memref<640xf32, #tpu.memory_space<vmem>>) target_semaphore(%arg17 : memref<!tpu.dma_semaphore, #tpu.memory_space<semaphore_mem>>)
    %dma_start3A_190 = arith.constant 11 : i32
    %dma_start3A_191 = arith.constant 11 : i32
    %dma_start3A_192 = arith.constant 0 : i32
    %dma_start3A_193 = tpu.memref_slice %arg11[%dma_start3A_191, %dma_start3A_192] : memref<16x640xf32, #tpu.memory_space<vmem>> -> memref<1x640xf32, #tpu.memory_space<vmem>>
    %dma_start3A_194 = tpu.memref_squeeze %dma_start3A_193 : memref<1x640xf32, #tpu.memory_space<vmem>> -> memref<640xf32, #tpu.memory_space<vmem>>
    %dma_start3A_195 = tpu.memref_slice %arg13[%dma_start3A_190, %mul3A_57] : memref<16x10240xf32, #tpu.memory_space<vmem_shared>> -> memref<1x640xf32, #tpu.memory_space<vmem_shared>>
    %dma_start3A_196 = tpu.memref_squeeze %dma_start3A_195 : memref<1x640xf32, #tpu.memory_space<vmem_shared>> -> memref<640xf32, #tpu.memory_space<vmem_shared>>
    %dma_start3A_197 = arith.constant 0 : i32
    %dma_start3A_198 = tpu.memref_slice %arg11[%dma_start3A_191, %dma_start3A_197] : memref<16x640xf32, #tpu.memory_space<vmem>> -> memref<1x640xf32, #tpu.memory_space<vmem>>
    %dma_start3A_199 = tpu.memref_squeeze %dma_start3A_198 : memref<1x640xf32, #tpu.memory_space<vmem>> -> memref<640xf32, #tpu.memory_space<vmem>>
    %dma_start3A_200 = tpu.memref_slice %arg13[%dma_start3A_190, %mul3A_57] : memref<16x10240xf32, #tpu.memory_space<vmem_shared>> -> memref<1x640xf32, #tpu.memory_space<vmem_shared>>
    %dma_start3A_201 = tpu.memref_squeeze %dma_start3A_200 : memref<1x640xf32, #tpu.memory_space<vmem_shared>> -> memref<640xf32, #tpu.memory_space<vmem_shared>>
    tpu.enqueue_dma source(%dma_start3A_201 : memref<640xf32, #tpu.memory_space<vmem_shared>>) target(%dma_start3A_199 : memref<640xf32, #tpu.memory_space<vmem>>) target_semaphore(%arg17 : memref<!tpu.dma_semaphore, #tpu.memory_space<semaphore_mem>>)
    %dma_start3A_202 = arith.constant 12 : i32
    %dma_start3A_203 = arith.constant 12 : i32
    %dma_start3A_204 = arith.constant 0 : i32
    %dma_start3A_205 = tpu.memref_slice %arg11[%dma_start3A_203, %dma_start3A_204] : memref<16x640xf32, #tpu.memory_space<vmem>> -> memref<1x640xf32, #tpu.memory_space<vmem>>
    %dma_start3A_206 = tpu.memref_squeeze %dma_start3A_205 : memref<1x640xf32, #tpu.memory_space<vmem>> -> memref<640xf32, #tpu.memory_space<vmem>>
    %dma_start3A_207 = tpu.memref_slice %arg13[%dma_start3A_202, %mul3A_57] : memref<16x10240xf32, #tpu.memory_space<vmem_shared>> -> memref<1x640xf32, #tpu.memory_space<vmem_shared>>
    %dma_start3A_208 = tpu.memref_squeeze %dma_start3A_207 : memref<1x640xf32, #tpu.memory_space<vmem_shared>> -> memref<640xf32, #tpu.memory_space<vmem_shared>>
    %dma_start3A_209 = arith.constant 0 : i32
    %dma_start3A_210 = tpu.memref_slice %arg11[%dma_start3A_203, %dma_start3A_209] : memref<16x640xf32, #tpu.memory_space<vmem>> -> memref<1x640xf32, #tpu.memory_space<vmem>>
    %dma_start3A_211 = tpu.memref_squeeze %dma_start3A_210 : memref<1x640xf32, #tpu.memory_space<vmem>> -> memref<640xf32, #tpu.memory_space<vmem>>
    %dma_start3A_212 = tpu.memref_slice %arg13[%dma_start3A_202, %mul3A_57] : memref<16x10240xf32, #tpu.memory_space<vmem_shared>> -> memref<1x640xf32, #tpu.memory_space<vmem_shared>>
    %dma_start3A_213 = tpu.memref_squeeze %dma_start3A_212 : memref<1x640xf32, #tpu.memory_space<vmem_shared>> -> memref<640xf32, #tpu.memory_space<vmem_shared>>
    tpu.enqueue_dma source(%dma_start3A_213 : memref<640xf32, #tpu.memory_space<vmem_shared>>) target(%dma_start3A_211 : memref<640xf32, #tpu.memory_space<vmem>>) target_semaphore(%arg17 : memref<!tpu.dma_semaphore, #tpu.memory_space<semaphore_mem>>)
    %dma_start3A_214 = arith.constant 13 : i32
    %dma_start3A_215 = arith.constant 13 : i32
    %dma_start3A_216 = arith.constant 0 : i32
    %dma_start3A_217 = tpu.memref_slice %arg11[%dma_start3A_215, %dma_start3A_216] : memref<16x640xf32, #tpu.memory_space<vmem>> -> memref<1x640xf32, #tpu.memory_space<vmem>>
    %dma_start3A_218 = tpu.memref_squeeze %dma_start3A_217 : memref<1x640xf32, #tpu.memory_space<vmem>> -> memref<640xf32, #tpu.memory_space<vmem>>
    %dma_start3A_219 = tpu.memref_slice %arg13[%dma_start3A_214, %mul3A_57] : memref<16x10240xf32, #tpu.memory_space<vmem_shared>> -> memref<1x640xf32, #tpu.memory_space<vmem_shared>>
    %dma_start3A_220 = tpu.memref_squeeze %dma_start3A_219 : memref<1x640xf32, #tpu.memory_space<vmem_shared>> -> memref<640xf32, #tpu.memory_space<vmem_shared>>
    %dma_start3A_221 = arith.constant 0 : i32
    %dma_start3A_222 = tpu.memref_slice %arg11[%dma_start3A_215, %dma_start3A_221] : memref<16x640xf32, #tpu.memory_space<vmem>> -> memref<1x640xf32, #tpu.memory_space<vmem>>
    %dma_start3A_223 = tpu.memref_squeeze %dma_start3A_222 : memref<1x640xf32, #tpu.memory_space<vmem>> -> memref<640xf32, #tpu.memory_space<vmem>>
    %dma_start3A_224 = tpu.memref_slice %arg13[%dma_start3A_214, %mul3A_57] : memref<16x10240xf32, #tpu.memory_space<vmem_shared>> -> memref<1x640xf32, #tpu.memory_space<vmem_shared>>
    %dma_start3A_225 = tpu.memref_squeeze %dma_start3A_224 : memref<1x640xf32, #tpu.memory_space<vmem_shared>> -> memref<640xf32, #tpu.memory_space<vmem_shared>>
    tpu.enqueue_dma source(%dma_start3A_225 : memref<640xf32, #tpu.memory_space<vmem_shared>>) target(%dma_start3A_223 : memref<640xf32, #tpu.memory_space<vmem>>) target_semaphore(%arg17 : memref<!tpu.dma_semaphore, #tpu.memory_space<semaphore_mem>>)
    %dma_start3A_226 = arith.constant 14 : i32
    %dma_start3A_227 = arith.constant 14 : i32
    %dma_start3A_228 = arith.constant 0 : i32
    %dma_start3A_229 = tpu.memref_slice %arg11[%dma_start3A_227, %dma_start3A_228] : memref<16x640xf32, #tpu.memory_space<vmem>> -> memref<1x640xf32, #tpu.memory_space<vmem>>
    %dma_start3A_230 = tpu.memref_squeeze %dma_start3A_229 : memref<1x640xf32, #tpu.memory_space<vmem>> -> memref<640xf32, #tpu.memory_space<vmem>>
    %dma_start3A_231 = tpu.memref_slice %arg13[%dma_start3A_226, %mul3A_57] : memref<16x10240xf32, #tpu.memory_space<vmem_shared>> -> memref<1x640xf32, #tpu.memory_space<vmem_shared>>
    %dma_start3A_232 = tpu.memref_squeeze %dma_start3A_231 : memref<1x640xf32, #tpu.memory_space<vmem_shared>> -> memref<640xf32, #tpu.memory_space<vmem_shared>>
    %dma_start3A_233 = arith.constant 0 : i32
    %dma_start3A_234 = tpu.memref_slice %arg11[%dma_start3A_227, %dma_start3A_233] : memref<16x640xf32, #tpu.memory_space<vmem>> -> memref<1x640xf32, #tpu.memory_space<vmem>>
    %dma_start3A_235 = tpu.memref_squeeze %dma_start3A_234 : memref<1x640xf32, #tpu.memory_space<vmem>> -> memref<640xf32, #tpu.memory_space<vmem>>
    %dma_start3A_236 = tpu.memref_slice %arg13[%dma_start3A_226, %mul3A_57] : memref<16x10240xf32, #tpu.memory_space<vmem_shared>> -> memref<1x640xf32, #tpu.memory_space<vmem_shared>>
    %dma_start3A_237 = tpu.memref_squeeze %dma_start3A_236 : memref<1x640xf32, #tpu.memory_space<vmem_shared>> -> memref<640xf32, #tpu.memory_space<vmem_shared>>
    tpu.enqueue_dma source(%dma_start3A_237 : memref<640xf32, #tpu.memory_space<vmem_shared>>) target(%dma_start3A_235 : memref<640xf32, #tpu.memory_space<vmem>>) target_semaphore(%arg17 : memref<!tpu.dma_semaphore, #tpu.memory_space<semaphore_mem>>)
    %dma_start3A_238 = arith.constant 15 : i32
    %dma_start3A_239 = arith.constant 15 : i32
    %dma_start3A_240 = arith.constant 0 : i32
    %dma_start3A_241 = tpu.memref_slice %arg11[%dma_start3A_239, %dma_start3A_240] : memref<16x640xf32, #tpu.memory_space<vmem>> -> memref<1x640xf32, #tpu.memory_space<vmem>>
    %dma_start3A_242 = tpu.memref_squeeze %dma_start3A_241 : memref<1x640xf32, #tpu.memory_space<vmem>> -> memref<640xf32, #tpu.memory_space<vmem>>
    %dma_start3A_243 = tpu.memref_slice %arg13[%dma_start3A_238, %mul3A_57] : memref<16x10240xf32, #tpu.memory_space<vmem_shared>> -> memref<1x640xf32, #tpu.memory_space<vmem_shared>>
    %dma_start3A_244 = tpu.memref_squeeze %dma_start3A_243 : memref<1x640xf32, #tpu.memory_space<vmem_shared>> -> memref<640xf32, #tpu.memory_space<vmem_shared>>
    %dma_start3A_245 = arith.constant 0 : i32
    %dma_start3A_246 = tpu.memref_slice %arg11[%dma_start3A_239, %dma_start3A_245] : memref<16x640xf32, #tpu.memory_space<vmem>> -> memref<1x640xf32, #tpu.memory_space<vmem>>
    %dma_start3A_247 = tpu.memref_squeeze %dma_start3A_246 : memref<1x640xf32, #tpu.memory_space<vmem>> -> memref<640xf32, #tpu.memory_space<vmem>>
    %dma_start3A_248 = tpu.memref_slice %arg13[%dma_start3A_238, %mul3A_57] : memref<16x10240xf32, #tpu.memory_space<vmem_shared>> -> memref<1x640xf32, #tpu.memory_space<vmem_shared>>
    %dma_start3A_249 = tpu.memref_squeeze %dma_start3A_248 : memref<1x640xf32, #tpu.memory_space<vmem_shared>> -> memref<640xf32, #tpu.memory_space<vmem_shared>>
    tpu.enqueue_dma source(%dma_start3A_249 : memref<640xf32, #tpu.memory_space<vmem_shared>>) target(%dma_start3A_247 : memref<640xf32, #tpu.memory_space<vmem>>) target_semaphore(%arg17 : memref<!tpu.dma_semaphore, #tpu.memory_space<semaphore_mem>>)
    %dma_wait3A_250 = arith.constant 0 : i32
    %dma_wait3A_251 = arith.constant 0 : i32
    %dma_wait3A_252 = arith.constant 0 : i32
    %dma_wait3A_253 = tpu.memref_slice %arg11[%dma_wait3A_251, %dma_wait3A_252] : memref<16x640xf32, #tpu.memory_space<vmem>> -> memref<1x640xf32, #tpu.memory_space<vmem>>
    %dma_wait3A_254 = tpu.memref_squeeze %dma_wait3A_253 : memref<1x640xf32, #tpu.memory_space<vmem>> -> memref<640xf32, #tpu.memory_space<vmem>>
    %dma_wait3A_255 = tpu.memref_slice %arg13[%dma_wait3A_250, %mul3A_57] : memref<16x10240xf32, #tpu.memory_space<vmem_shared>> -> memref<1x640xf32, #tpu.memory_space<vmem_shared>>
    %dma_wait3A_256 = tpu.memref_squeeze %dma_wait3A_255 : memref<1x640xf32, #tpu.memory_space<vmem_shared>> -> memref<640xf32, #tpu.memory_space<vmem_shared>>
    %dma_wait3A_257 = arith.constant 0 : i32
    %dma_wait3A_258 = tpu.memref_slice %arg11[%dma_wait3A_251, %dma_wait3A_257] : memref<16x640xf32, #tpu.memory_space<vmem>> -> memref<1x640xf32, #tpu.memory_space<vmem>>
    %dma_wait3A_259 = tpu.memref_squeeze %dma_wait3A_258 : memref<1x640xf32, #tpu.memory_space<vmem>> -> memref<640xf32, #tpu.memory_space<vmem>>
    %dma_wait3A_260 = tpu.memref_slice %arg13[%dma_wait3A_250, %mul3A_57] : memref<16x10240xf32, #tpu.memory_space<vmem_shared>> -> memref<1x640xf32, #tpu.memory_space<vmem_shared>>
    %dma_wait3A_261 = tpu.memref_squeeze %dma_wait3A_260 : memref<1x640xf32, #tpu.memory_space<vmem_shared>> -> memref<640xf32, #tpu.memory_space<vmem_shared>>
    tpu.wait_dma2 semaphore(%arg17 : memref<!tpu.dma_semaphore, #tpu.memory_space<semaphore_mem>>) src(%dma_wait3A_261 : memref<640xf32, #tpu.memory_space<vmem_shared>>) dst(%dma_wait3A_259 : memref<640xf32, #tpu.memory_space<vmem>>)
    %dma_wait3A_262 = arith.constant 1 : i32
    %dma_wait3A_263 = arith.constant 1 : i32
    %dma_wait3A_264 = arith.constant 0 : i32
    %dma_wait3A_265 = tpu.memref_slice %arg11[%dma_wait3A_263, %dma_wait3A_264] : memref<16x640xf32, #tpu.memory_space<vmem>> -> memref<1x640xf32, #tpu.memory_space<vmem>>
    %dma_wait3A_266 = tpu.memref_squeeze %dma_wait3A_265 : memref<1x640xf32, #tpu.memory_space<vmem>> -> memref<640xf32, #tpu.memory_space<vmem>>
    %dma_wait3A_267 = tpu.memref_slice %arg13[%dma_wait3A_262, %mul3A_57] : memref<16x10240xf32, #tpu.memory_space<vmem_shared>> -> memref<1x640xf32, #tpu.memory_space<vmem_shared>>
    %dma_wait3A_268 = tpu.memref_squeeze %dma_wait3A_267 : memref<1x640xf32, #tpu.memory_space<vmem_shared>> -> memref<640xf32, #tpu.memory_space<vmem_shared>>
    %dma_wait3A_269 = arith.constant 0 : i32
    %dma_wait3A_270 = tpu.memref_slice %arg11[%dma_wait3A_263, %dma_wait3A_269] : memref<16x640xf32, #tpu.memory_space<vmem>> -> memref<1x640xf32, #tpu.memory_space<vmem>>
    %dma_wait3A_271 = tpu.memref_squeeze %dma_wait3A_270 : memref<1x640xf32, #tpu.memory_space<vmem>> -> memref<640xf32, #tpu.memory_space<vmem>>
    %dma_wait3A_272 = tpu.memref_slice %arg13[%dma_wait3A_262, %mul3A_57] : memref<16x10240xf32, #tpu.memory_space<vmem_shared>> -> memref<1x640xf32, #tpu.memory_space<vmem_shared>>
    %dma_wait3A_273 = tpu.memref_squeeze %dma_wait3A_272 : memref<1x640xf32, #tpu.memory_space<vmem_shared>> -> memref<640xf32, #tpu.memory_space<vmem_shared>>
    tpu.wait_dma2 semaphore(%arg17 : memref<!tpu.dma_semaphore, #tpu.memory_space<semaphore_mem>>) src(%dma_wait3A_273 : memref<640xf32, #tpu.memory_space<vmem_shared>>) dst(%dma_wait3A_271 : memref<640xf32, #tpu.memory_space<vmem>>)
    %dma_wait3A_274 = arith.constant 2 : i32
    %dma_wait3A_275 = arith.constant 2 : i32
    %dma_wait3A_276 = arith.constant 0 : i32
    %dma_wait3A_277 = tpu.memref_slice %arg11[%dma_wait3A_275, %dma_wait3A_276] : memref<16x640xf32, #tpu.memory_space<vmem>> -> memref<1x640xf32, #tpu.memory_space<vmem>>
    %dma_wait3A_278 = tpu.memref_squeeze %dma_wait3A_277 : memref<1x640xf32, #tpu.memory_space<vmem>> -> memref<640xf32, #tpu.memory_space<vmem>>
    %dma_wait3A_279 = tpu.memref_slice %arg13[%dma_wait3A_274, %mul3A_57] : memref<16x10240xf32, #tpu.memory_space<vmem_shared>> -> memref<1x640xf32, #tpu.memory_space<vmem_shared>>
    %dma_wait3A_280 = tpu.memref_squeeze %dma_wait3A_279 : memref<1x640xf32, #tpu.memory_space<vmem_shared>> -> memref<640xf32, #tpu.memory_space<vmem_shared>>
    %dma_wait3A_281 = arith.constant 0 : i32
    %dma_wait3A_282 = tpu.memref_slice %arg11[%dma_wait3A_275, %dma_wait3A_281] : memref<16x640xf32, #tpu.memory_space<vmem>> -> memref<1x640xf32, #tpu.memory_space<vmem>>
    %dma_wait3A_283 = tpu.memref_squeeze %dma_wait3A_282 : memref<1x640xf32, #tpu.memory_space<vmem>> -> memref<640xf32, #tpu.memory_space<vmem>>
    %dma_wait3A_284 = tpu.memref_slice %arg13[%dma_wait3A_274, %mul3A_57] : memref<16x10240xf32, #tpu.memory_space<vmem_shared>> -> memref<1x640xf32, #tpu.memory_space<vmem_shared>>
    %dma_wait3A_285 = tpu.memref_squeeze %dma_wait3A_284 : memref<1x640xf32, #tpu.memory_space<vmem_shared>> -> memref<640xf32, #tpu.memory_space<vmem_shared>>
    tpu.wait_dma2 semaphore(%arg17 : memref<!tpu.dma_semaphore, #tpu.memory_space<semaphore_mem>>) src(%dma_wait3A_285 : memref<640xf32, #tpu.memory_space<vmem_shared>>) dst(%dma_wait3A_283 : memref<640xf32, #tpu.memory_space<vmem>>)
    %dma_wait3A_286 = arith.constant 3 : i32
    %dma_wait3A_287 = arith.constant 3 : i32
    %dma_wait3A_288 = arith.constant 0 : i32
    %dma_wait3A_289 = tpu.memref_slice %arg11[%dma_wait3A_287, %dma_wait3A_288] : memref<16x640xf32, #tpu.memory_space<vmem>> -> memref<1x640xf32, #tpu.memory_space<vmem>>
    %dma_wait3A_290 = tpu.memref_squeeze %dma_wait3A_289 : memref<1x640xf32, #tpu.memory_space<vmem>> -> memref<640xf32, #tpu.memory_space<vmem>>
    %dma_wait3A_291 = tpu.memref_slice %arg13[%dma_wait3A_286, %mul3A_57] : memref<16x10240xf32, #tpu.memory_space<vmem_shared>> -> memref<1x640xf32, #tpu.memory_space<vmem_shared>>
    %dma_wait3A_292 = tpu.memref_squeeze %dma_wait3A_291 : memref<1x640xf32, #tpu.memory_space<vmem_shared>> -> memref<640xf32, #tpu.memory_space<vmem_shared>>
    %dma_wait3A_293 = arith.constant 0 : i32
    %dma_wait3A_294 = tpu.memref_slice %arg11[%dma_wait3A_287, %dma_wait3A_293] : memref<16x640xf32, #tpu.memory_space<vmem>> -> memref<1x640xf32, #tpu.memory_space<vmem>>
    %dma_wait3A_295 = tpu.memref_squeeze %dma_wait3A_294 : memref<1x640xf32, #tpu.memory_space<vmem>> -> memref<640xf32, #tpu.memory_space<vmem>>
    %dma_wait3A_296 = tpu.memref_slice %arg13[%dma_wait3A_286, %mul3A_57] : memref<16x10240xf32, #tpu.memory_space<vmem_shared>> -> memref<1x640xf32, #tpu.memory_space<vmem_shared>>
    %dma_wait3A_297 = tpu.memref_squeeze %dma_wait3A_296 : memref<1x640xf32, #tpu.memory_space<vmem_shared>> -> memref<640xf32, #tpu.memory_space<vmem_shared>>
    tpu.wait_dma2 semaphore(%arg17 : memref<!tpu.dma_semaphore, #tpu.memory_space<semaphore_mem>>) src(%dma_wait3A_297 : memref<640xf32, #tpu.memory_space<vmem_shared>>) dst(%dma_wait3A_295 : memref<640xf32, #tpu.memory_space<vmem>>)
    %dma_wait3A_298 = arith.constant 4 : i32
    %dma_wait3A_299 = arith.constant 4 : i32
    %dma_wait3A_300 = arith.constant 0 : i32
    %dma_wait3A_301 = tpu.memref_slice %arg11[%dma_wait3A_299, %dma_wait3A_300] : memref<16x640xf32, #tpu.memory_space<vmem>> -> memref<1x640xf32, #tpu.memory_space<vmem>>
    %dma_wait3A_302 = tpu.memref_squeeze %dma_wait3A_301 : memref<1x640xf32, #tpu.memory_space<vmem>> -> memref<640xf32, #tpu.memory_space<vmem>>
    %dma_wait3A_303 = tpu.memref_slice %arg13[%dma_wait3A_298, %mul3A_57] : memref<16x10240xf32, #tpu.memory_space<vmem_shared>> -> memref<1x640xf32, #tpu.memory_space<vmem_shared>>
    %dma_wait3A_304 = tpu.memref_squeeze %dma_wait3A_303 : memref<1x640xf32, #tpu.memory_space<vmem_shared>> -> memref<640xf32, #tpu.memory_space<vmem_shared>>
    %dma_wait3A_305 = arith.constant 0 : i32
    %dma_wait3A_306 = tpu.memref_slice %arg11[%dma_wait3A_299, %dma_wait3A_305] : memref<16x640xf32, #tpu.memory_space<vmem>> -> memref<1x640xf32, #tpu.memory_space<vmem>>
    %dma_wait3A_307 = tpu.memref_squeeze %dma_wait3A_306 : memref<1x640xf32, #tpu.memory_space<vmem>> -> memref<640xf32, #tpu.memory_space<vmem>>
    %dma_wait3A_308 = tpu.memref_slice %arg13[%dma_wait3A_298, %mul3A_57] : memref<16x10240xf32, #tpu.memory_space<vmem_shared>> -> memref<1x640xf32, #tpu.memory_space<vmem_shared>>
    %dma_wait3A_309 = tpu.memref_squeeze %dma_wait3A_308 : memref<1x640xf32, #tpu.memory_space<vmem_shared>> -> memref<640xf32, #tpu.memory_space<vmem_shared>>
    tpu.wait_dma2 semaphore(%arg17 : memref<!tpu.dma_semaphore, #tpu.memory_space<semaphore_mem>>) src(%dma_wait3A_309 : memref<640xf32, #tpu.memory_space<vmem_shared>>) dst(%dma_wait3A_307 : memref<640xf32, #tpu.memory_space<vmem>>)
    %dma_wait3A_310 = arith.constant 5 : i32
    %dma_wait3A_311 = arith.constant 5 : i32
    %dma_wait3A_312 = arith.constant 0 : i32
    %dma_wait3A_313 = tpu.memref_slice %arg11[%dma_wait3A_311, %dma_wait3A_312] : memref<16x640xf32, #tpu.memory_space<vmem>> -> memref<1x640xf32, #tpu.memory_space<vmem>>
    %dma_wait3A_314 = tpu.memref_squeeze %dma_wait3A_313 : memref<1x640xf32, #tpu.memory_space<vmem>> -> memref<640xf32, #tpu.memory_space<vmem>>
    %dma_wait3A_315 = tpu.memref_slice %arg13[%dma_wait3A_310, %mul3A_57] : memref<16x10240xf32, #tpu.memory_space<vmem_shared>> -> memref<1x640xf32, #tpu.memory_space<vmem_shared>>
    %dma_wait3A_316 = tpu.memref_squeeze %dma_wait3A_315 : memref<1x640xf32, #tpu.memory_space<vmem_shared>> -> memref<640xf32, #tpu.memory_space<vmem_shared>>
    %dma_wait3A_317 = arith.constant 0 : i32
    %dma_wait3A_318 = tpu.memref_slice %arg11[%dma_wait3A_311, %dma_wait3A_317] : memref<16x640xf32, #tpu.memory_space<vmem>> -> memref<1x640xf32, #tpu.memory_space<vmem>>
    %dma_wait3A_319 = tpu.memref_squeeze %dma_wait3A_318 : memref<1x640xf32, #tpu.memory_space<vmem>> -> memref<640xf32, #tpu.memory_space<vmem>>
    %dma_wait3A_320 = tpu.memref_slice %arg13[%dma_wait3A_310, %mul3A_57] : memref<16x10240xf32, #tpu.memory_space<vmem_shared>> -> memref<1x640xf32, #tpu.memory_space<vmem_shared>>
    %dma_wait3A_321 = tpu.memref_squeeze %dma_wait3A_320 : memref<1x640xf32, #tpu.memory_space<vmem_shared>> -> memref<640xf32, #tpu.memory_space<vmem_shared>>
    tpu.wait_dma2 semaphore(%arg17 : memref<!tpu.dma_semaphore, #tpu.memory_space<semaphore_mem>>) src(%dma_wait3A_321 : memref<640xf32, #tpu.memory_space<vmem_shared>>) dst(%dma_wait3A_319 : memref<640xf32, #tpu.memory_space<vmem>>)
    %dma_wait3A_322 = arith.constant 6 : i32
    %dma_wait3A_323 = arith.constant 6 : i32
    %dma_wait3A_324 = arith.constant 0 : i32
    %dma_wait3A_325 = tpu.memref_slice %arg11[%dma_wait3A_323, %dma_wait3A_324] : memref<16x640xf32, #tpu.memory_space<vmem>> -> memref<1x640xf32, #tpu.memory_space<vmem>>
    %dma_wait3A_326 = tpu.memref_squeeze %dma_wait3A_325 : memref<1x640xf32, #tpu.memory_space<vmem>> -> memref<640xf32, #tpu.memory_space<vmem>>
    %dma_wait3A_327 = tpu.memref_slice %arg13[%dma_wait3A_322, %mul3A_57] : memref<16x10240xf32, #tpu.memory_space<vmem_shared>> -> memref<1x640xf32, #tpu.memory_space<vmem_shared>>
    %dma_wait3A_328 = tpu.memref_squeeze %dma_wait3A_327 : memref<1x640xf32, #tpu.memory_space<vmem_shared>> -> memref<640xf32, #tpu.memory_space<vmem_shared>>
    %dma_wait3A_329 = arith.constant 0 : i32
    %dma_wait3A_330 = tpu.memref_slice %arg11[%dma_wait3A_323, %dma_wait3A_329] : memref<16x640xf32, #tpu.memory_space<vmem>> -> memref<1x640xf32, #tpu.memory_space<vmem>>
    %dma_wait3A_331 = tpu.memref_squeeze %dma_wait3A_330 : memref<1x640xf32, #tpu.memory_space<vmem>> -> memref<640xf32, #tpu.memory_space<vmem>>
    %dma_wait3A_332 = tpu.memref_slice %arg13[%dma_wait3A_322, %mul3A_57] : memref<16x10240xf32, #tpu.memory_space<vmem_shared>> -> memref<1x640xf32, #tpu.memory_space<vmem_shared>>
    %dma_wait3A_333 = tpu.memref_squeeze %dma_wait3A_332 : memref<1x640xf32, #tpu.memory_space<vmem_shared>> -> memref<640xf32, #tpu.memory_space<vmem_shared>>
    tpu.wait_dma2 semaphore(%arg17 : memref<!tpu.dma_semaphore, #tpu.memory_space<semaphore_mem>>) src(%dma_wait3A_333 : memref<640xf32, #tpu.memory_space<vmem_shared>>) dst(%dma_wait3A_331 : memref<640xf32, #tpu.memory_space<vmem>>)
    %dma_wait3A_334 = arith.constant 7 : i32
    %dma_wait3A_335 = arith.constant 7 : i32
    %dma_wait3A_336 = arith.constant 0 : i32
    %dma_wait3A_337 = tpu.memref_slice %arg11[%dma_wait3A_335, %dma_wait3A_336] : memref<16x640xf32, #tpu.memory_space<vmem>> -> memref<1x640xf32, #tpu.memory_space<vmem>>
    %dma_wait3A_338 = tpu.memref_squeeze %dma_wait3A_337 : memref<1x640xf32, #tpu.memory_space<vmem>> -> memref<640xf32, #tpu.memory_space<vmem>>
    %dma_wait3A_339 = tpu.memref_slice %arg13[%dma_wait3A_334, %mul3A_57] : memref<16x10240xf32, #tpu.memory_space<vmem_shared>> -> memref<1x640xf32, #tpu.memory_space<vmem_shared>>
    %dma_wait3A_340 = tpu.memref_squeeze %dma_wait3A_339 : memref<1x640xf32, #tpu.memory_space<vmem_shared>> -> memref<640xf32, #tpu.memory_space<vmem_shared>>
    %dma_wait3A_341 = arith.constant 0 : i32
    %dma_wait3A_342 = tpu.memref_slice %arg11[%dma_wait3A_335, %dma_wait3A_341] : memref<16x640xf32, #tpu.memory_space<vmem>> -> memref<1x640xf32, #tpu.memory_space<vmem>>
    %dma_wait3A_343 = tpu.memref_squeeze %dma_wait3A_342 : memref<1x640xf32, #tpu.memory_space<vmem>> -> memref<640xf32, #tpu.memory_space<vmem>>
    %dma_wait3A_344 = tpu.memref_slice %arg13[%dma_wait3A_334, %mul3A_57] : memref<16x10240xf32, #tpu.memory_space<vmem_shared>> -> memref<1x640xf32, #tpu.memory_space<vmem_shared>>
    %dma_wait3A_345 = tpu.memref_squeeze %dma_wait3A_344 : memref<1x640xf32, #tpu.memory_space<vmem_shared>> -> memref<640xf32, #tpu.memory_space<vmem_shared>>
    tpu.wait_dma2 semaphore(%arg17 : memref<!tpu.dma_semaphore, #tpu.memory_space<semaphore_mem>>) src(%dma_wait3A_345 : memref<640xf32, #tpu.memory_space<vmem_shared>>) dst(%dma_wait3A_343 : memref<640xf32, #tpu.memory_space<vmem>>)
    %dma_wait3A_346 = arith.constant 8 : i32
    %dma_wait3A_347 = arith.constant 8 : i32
    %dma_wait3A_348 = arith.constant 0 : i32
    %dma_wait3A_349 = tpu.memref_slice %arg11[%dma_wait3A_347, %dma_wait3A_348] : memref<16x640xf32, #tpu.memory_space<vmem>> -> memref<1x640xf32, #tpu.memory_space<vmem>>
    %dma_wait3A_350 = tpu.memref_squeeze %dma_wait3A_349 : memref<1x640xf32, #tpu.memory_space<vmem>> -> memref<640xf32, #tpu.memory_space<vmem>>
    %dma_wait3A_351 = tpu.memref_slice %arg13[%dma_wait3A_346, %mul3A_57] : memref<16x10240xf32, #tpu.memory_space<vmem_shared>> -> memref<1x640xf32, #tpu.memory_space<vmem_shared>>
    %dma_wait3A_352 = tpu.memref_squeeze %dma_wait3A_351 : memref<1x640xf32, #tpu.memory_space<vmem_shared>> -> memref<640xf32, #tpu.memory_space<vmem_shared>>
    %dma_wait3A_353 = arith.constant 0 : i32
    %dma_wait3A_354 = tpu.memref_slice %arg11[%dma_wait3A_347, %dma_wait3A_353] : memref<16x640xf32, #tpu.memory_space<vmem>> -> memref<1x640xf32, #tpu.memory_space<vmem>>
    %dma_wait3A_355 = tpu.memref_squeeze %dma_wait3A_354 : memref<1x640xf32, #tpu.memory_space<vmem>> -> memref<640xf32, #tpu.memory_space<vmem>>
    %dma_wait3A_356 = tpu.memref_slice %arg13[%dma_wait3A_346, %mul3A_57] : memref<16x10240xf32, #tpu.memory_space<vmem_shared>> -> memref<1x640xf32, #tpu.memory_space<vmem_shared>>
    %dma_wait3A_357 = tpu.memref_squeeze %dma_wait3A_356 : memref<1x640xf32, #tpu.memory_space<vmem_shared>> -> memref<640xf32, #tpu.memory_space<vmem_shared>>
    tpu.wait_dma2 semaphore(%arg17 : memref<!tpu.dma_semaphore, #tpu.memory_space<semaphore_mem>>) src(%dma_wait3A_357 : memref<640xf32, #tpu.memory_space<vmem_shared>>) dst(%dma_wait3A_355 : memref<640xf32, #tpu.memory_space<vmem>>)
    %dma_wait3A_358 = arith.constant 9 : i32
    %dma_wait3A_359 = arith.constant 9 : i32
    %dma_wait3A_360 = arith.constant 0 : i32
    %dma_wait3A_361 = tpu.memref_slice %arg11[%dma_wait3A_359, %dma_wait3A_360] : memref<16x640xf32, #tpu.memory_space<vmem>> -> memref<1x640xf32, #tpu.memory_space<vmem>>
    %dma_wait3A_362 = tpu.memref_squeeze %dma_wait3A_361 : memref<1x640xf32, #tpu.memory_space<vmem>> -> memref<640xf32, #tpu.memory_space<vmem>>
    %dma_wait3A_363 = tpu.memref_slice %arg13[%dma_wait3A_358, %mul3A_57] : memref<16x10240xf32, #tpu.memory_space<vmem_shared>> -> memref<1x640xf32, #tpu.memory_space<vmem_shared>>
    %dma_wait3A_364 = tpu.memref_squeeze %dma_wait3A_363 : memref<1x640xf32, #tpu.memory_space<vmem_shared>> -> memref<640xf32, #tpu.memory_space<vmem_shared>>
    %dma_wait3A_365 = arith.constant 0 : i32
    %dma_wait3A_366 = tpu.memref_slice %arg11[%dma_wait3A_359, %dma_wait3A_365] : memref<16x640xf32, #tpu.memory_space<vmem>> -> memref<1x640xf32, #tpu.memory_space<vmem>>
    %dma_wait3A_367 = tpu.memref_squeeze %dma_wait3A_366 : memref<1x640xf32, #tpu.memory_space<vmem>> -> memref<640xf32, #tpu.memory_space<vmem>>
    %dma_wait3A_368 = tpu.memref_slice %arg13[%dma_wait3A_358, %mul3A_57] : memref<16x10240xf32, #tpu.memory_space<vmem_shared>> -> memref<1x640xf32, #tpu.memory_space<vmem_shared>>
    %dma_wait3A_369 = tpu.memref_squeeze %dma_wait3A_368 : memref<1x640xf32, #tpu.memory_space<vmem_shared>> -> memref<640xf32, #tpu.memory_space<vmem_shared>>
    tpu.wait_dma2 semaphore(%arg17 : memref<!tpu.dma_semaphore, #tpu.memory_space<semaphore_mem>>) src(%dma_wait3A_369 : memref<640xf32, #tpu.memory_space<vmem_shared>>) dst(%dma_wait3A_367 : memref<640xf32, #tpu.memory_space<vmem>>)
    %dma_wait3A_370 = arith.constant 10 : i32
    %dma_wait3A_371 = arith.constant 10 : i32
    %dma_wait3A_372 = arith.constant 0 : i32
    %dma_wait3A_373 = tpu.memref_slice %arg11[%dma_wait3A_371, %dma_wait3A_372] : memref<16x640xf32, #tpu.memory_space<vmem>> -> memref<1x640xf32, #tpu.memory_space<vmem>>
    %dma_wait3A_374 = tpu.memref_squeeze %dma_wait3A_373 : memref<1x640xf32, #tpu.memory_space<vmem>> -> memref<640xf32, #tpu.memory_space<vmem>>
    %dma_wait3A_375 = tpu.memref_slice %arg13[%dma_wait3A_370, %mul3A_57] : memref<16x10240xf32, #tpu.memory_space<vmem_shared>> -> memref<1x640xf32, #tpu.memory_space<vmem_shared>>
    %dma_wait3A_376 = tpu.memref_squeeze %dma_wait3A_375 : memref<1x640xf32, #tpu.memory_space<vmem_shared>> -> memref<640xf32, #tpu.memory_space<vmem_shared>>
    %dma_wait3A_377 = arith.constant 0 : i32
    %dma_wait3A_378 = tpu.memref_slice %arg11[%dma_wait3A_371, %dma_wait3A_377] : memref<16x640xf32, #tpu.memory_space<vmem>> -> memref<1x640xf32, #tpu.memory_space<vmem>>
    %dma_wait3A_379 = tpu.memref_squeeze %dma_wait3A_378 : memref<1x640xf32, #tpu.memory_space<vmem>> -> memref<640xf32, #tpu.memory_space<vmem>>
    %dma_wait3A_380 = tpu.memref_slice %arg13[%dma_wait3A_370, %mul3A_57] : memref<16x10240xf32, #tpu.memory_space<vmem_shared>> -> memref<1x640xf32, #tpu.memory_space<vmem_shared>>
    %dma_wait3A_381 = tpu.memref_squeeze %dma_wait3A_380 : memref<1x640xf32, #tpu.memory_space<vmem_shared>> -> memref<640xf32, #tpu.memory_space<vmem_shared>>
    tpu.wait_dma2 semaphore(%arg17 : memref<!tpu.dma_semaphore, #tpu.memory_space<semaphore_mem>>) src(%dma_wait3A_381 : memref<640xf32, #tpu.memory_space<vmem_shared>>) dst(%dma_wait3A_379 : memref<640xf32, #tpu.memory_space<vmem>>)
    %dma_wait3A_382 = arith.constant 11 : i32
    %dma_wait3A_383 = arith.constant 11 : i32
    %dma_wait3A_384 = arith.constant 0 : i32
    %dma_wait3A_385 = tpu.memref_slice %arg11[%dma_wait3A_383, %dma_wait3A_384] : memref<16x640xf32, #tpu.memory_space<vmem>> -> memref<1x640xf32, #tpu.memory_space<vmem>>
    %dma_wait3A_386 = tpu.memref_squeeze %dma_wait3A_385 : memref<1x640xf32, #tpu.memory_space<vmem>> -> memref<640xf32, #tpu.memory_space<vmem>>
    %dma_wait3A_387 = tpu.memref_slice %arg13[%dma_wait3A_382, %mul3A_57] : memref<16x10240xf32, #tpu.memory_space<vmem_shared>> -> memref<1x640xf32, #tpu.memory_space<vmem_shared>>
    %dma_wait3A_388 = tpu.memref_squeeze %dma_wait3A_387 : memref<1x640xf32, #tpu.memory_space<vmem_shared>> -> memref<640xf32, #tpu.memory_space<vmem_shared>>
    %dma_wait3A_389 = arith.constant 0 : i32
    %dma_wait3A_390 = tpu.memref_slice %arg11[%dma_wait3A_383, %dma_wait3A_389] : memref<16x640xf32, #tpu.memory_space<vmem>> -> memref<1x640xf32, #tpu.memory_space<vmem>>
    %dma_wait3A_391 = tpu.memref_squeeze %dma_wait3A_390 : memref<1x640xf32, #tpu.memory_space<vmem>> -> memref<640xf32, #tpu.memory_space<vmem>>
    %dma_wait3A_392 = tpu.memref_slice %arg13[%dma_wait3A_382, %mul3A_57] : memref<16x10240xf32, #tpu.memory_space<vmem_shared>> -> memref<1x640xf32, #tpu.memory_space<vmem_shared>>
    %dma_wait3A_393 = tpu.memref_squeeze %dma_wait3A_392 : memref<1x640xf32, #tpu.memory_space<vmem_shared>> -> memref<640xf32, #tpu.memory_space<vmem_shared>>
    tpu.wait_dma2 semaphore(%arg17 : memref<!tpu.dma_semaphore, #tpu.memory_space<semaphore_mem>>) src(%dma_wait3A_393 : memref<640xf32, #tpu.memory_space<vmem_shared>>) dst(%dma_wait3A_391 : memref<640xf32, #tpu.memory_space<vmem>>)
    %dma_wait3A_394 = arith.constant 12 : i32
    %dma_wait3A_395 = arith.constant 12 : i32
    %dma_wait3A_396 = arith.constant 0 : i32
    %dma_wait3A_397 = tpu.memref_slice %arg11[%dma_wait3A_395, %dma_wait3A_396] : memref<16x640xf32, #tpu.memory_space<vmem>> -> memref<1x640xf32, #tpu.memory_space<vmem>>
    %dma_wait3A_398 = tpu.memref_squeeze %dma_wait3A_397 : memref<1x640xf32, #tpu.memory_space<vmem>> -> memref<640xf32, #tpu.memory_space<vmem>>
    %dma_wait3A_399 = tpu.memref_slice %arg13[%dma_wait3A_394, %mul3A_57] : memref<16x10240xf32, #tpu.memory_space<vmem_shared>> -> memref<1x640xf32, #tpu.memory_space<vmem_shared>>
    %dma_wait3A_400 = tpu.memref_squeeze %dma_wait3A_399 : memref<1x640xf32, #tpu.memory_space<vmem_shared>> -> memref<640xf32, #tpu.memory_space<vmem_shared>>
    %dma_wait3A_401 = arith.constant 0 : i32
    %dma_wait3A_402 = tpu.memref_slice %arg11[%dma_wait3A_395, %dma_wait3A_401] : memref<16x640xf32, #tpu.memory_space<vmem>> -> memref<1x640xf32, #tpu.memory_space<vmem>>
    %dma_wait3A_403 = tpu.memref_squeeze %dma_wait3A_402 : memref<1x640xf32, #tpu.memory_space<vmem>> -> memref<640xf32, #tpu.memory_space<vmem>>
    %dma_wait3A_404 = tpu.memref_slice %arg13[%dma_wait3A_394, %mul3A_57] : memref<16x10240xf32, #tpu.memory_space<vmem_shared>> -> memref<1x640xf32, #tpu.memory_space<vmem_shared>>
    %dma_wait3A_405 = tpu.memref_squeeze %dma_wait3A_404 : memref<1x640xf32, #tpu.memory_space<vmem_shared>> -> memref<640xf32, #tpu.memory_space<vmem_shared>>
    tpu.wait_dma2 semaphore(%arg17 : memref<!tpu.dma_semaphore, #tpu.memory_space<semaphore_mem>>) src(%dma_wait3A_405 : memref<640xf32, #tpu.memory_space<vmem_shared>>) dst(%dma_wait3A_403 : memref<640xf32, #tpu.memory_space<vmem>>)
    %dma_wait3A_406 = arith.constant 13 : i32
    %dma_wait3A_407 = arith.constant 13 : i32
    %dma_wait3A_408 = arith.constant 0 : i32
    %dma_wait3A_409 = tpu.memref_slice %arg11[%dma_wait3A_407, %dma_wait3A_408] : memref<16x640xf32, #tpu.memory_space<vmem>> -> memref<1x640xf32, #tpu.memory_space<vmem>>
    %dma_wait3A_410 = tpu.memref_squeeze %dma_wait3A_409 : memref<1x640xf32, #tpu.memory_space<vmem>> -> memref<640xf32, #tpu.memory_space<vmem>>
    %dma_wait3A_411 = tpu.memref_slice %arg13[%dma_wait3A_406, %mul3A_57] : memref<16x10240xf32, #tpu.memory_space<vmem_shared>> -> memref<1x640xf32, #tpu.memory_space<vmem_shared>>
    %dma_wait3A_412 = tpu.memref_squeeze %dma_wait3A_411 : memref<1x640xf32, #tpu.memory_space<vmem_shared>> -> memref<640xf32, #tpu.memory_space<vmem_shared>>
    %dma_wait3A_413 = arith.constant 0 : i32
    %dma_wait3A_414 = tpu.memref_slice %arg11[%dma_wait3A_407, %dma_wait3A_413] : memref<16x640xf32, #tpu.memory_space<vmem>> -> memref<1x640xf32, #tpu.memory_space<vmem>>
    %dma_wait3A_415 = tpu.memref_squeeze %dma_wait3A_414 : memref<1x640xf32, #tpu.memory_space<vmem>> -> memref<640xf32, #tpu.memory_space<vmem>>
    %dma_wait3A_416 = tpu.memref_slice %arg13[%dma_wait3A_406, %mul3A_57] : memref<16x10240xf32, #tpu.memory_space<vmem_shared>> -> memref<1x640xf32, #tpu.memory_space<vmem_shared>>
    %dma_wait3A_417 = tpu.memref_squeeze %dma_wait3A_416 : memref<1x640xf32, #tpu.memory_space<vmem_shared>> -> memref<640xf32, #tpu.memory_space<vmem_shared>>
    tpu.wait_dma2 semaphore(%arg17 : memref<!tpu.dma_semaphore, #tpu.memory_space<semaphore_mem>>) src(%dma_wait3A_417 : memref<640xf32, #tpu.memory_space<vmem_shared>>) dst(%dma_wait3A_415 : memref<640xf32, #tpu.memory_space<vmem>>)
    %dma_wait3A_418 = arith.constant 14 : i32
    %dma_wait3A_419 = arith.constant 14 : i32
    %dma_wait3A_420 = arith.constant 0 : i32
    %dma_wait3A_421 = tpu.memref_slice %arg11[%dma_wait3A_419, %dma_wait3A_420] : memref<16x640xf32, #tpu.memory_space<vmem>> -> memref<1x640xf32, #tpu.memory_space<vmem>>
    %dma_wait3A_422 = tpu.memref_squeeze %dma_wait3A_421 : memref<1x640xf32, #tpu.memory_space<vmem>> -> memref<640xf32, #tpu.memory_space<vmem>>
    %dma_wait3A_423 = tpu.memref_slice %arg13[%dma_wait3A_418, %mul3A_57] : memref<16x10240xf32, #tpu.memory_space<vmem_shared>> -> memref<1x640xf32, #tpu.memory_space<vmem_shared>>
    %dma_wait3A_424 = tpu.memref_squeeze %dma_wait3A_423 : memref<1x640xf32, #tpu.memory_space<vmem_shared>> -> memref<640xf32, #tpu.memory_space<vmem_shared>>
    %dma_wait3A_425 = arith.constant 0 : i32
    %dma_wait3A_426 = tpu.memref_slice %arg11[%dma_wait3A_419, %dma_wait3A_425] : memref<16x640xf32, #tpu.memory_space<vmem>> -> memref<1x640xf32, #tpu.memory_space<vmem>>
    %dma_wait3A_427 = tpu.memref_squeeze %dma_wait3A_426 : memref<1x640xf32, #tpu.memory_space<vmem>> -> memref<640xf32, #tpu.memory_space<vmem>>
    %dma_wait3A_428 = tpu.memref_slice %arg13[%dma_wait3A_418, %mul3A_57] : memref<16x10240xf32, #tpu.memory_space<vmem_shared>> -> memref<1x640xf32, #tpu.memory_space<vmem_shared>>
    %dma_wait3A_429 = tpu.memref_squeeze %dma_wait3A_428 : memref<1x640xf32, #tpu.memory_space<vmem_shared>> -> memref<640xf32, #tpu.memory_space<vmem_shared>>
    tpu.wait_dma2 semaphore(%arg17 : memref<!tpu.dma_semaphore, #tpu.memory_space<semaphore_mem>>) src(%dma_wait3A_429 : memref<640xf32, #tpu.memory_space<vmem_shared>>) dst(%dma_wait3A_427 : memref<640xf32, #tpu.memory_space<vmem>>)
    %dma_wait3A_430 = arith.constant 15 : i32
    %dma_wait3A_431 = arith.constant 15 : i32
    %dma_wait3A_432 = arith.constant 0 : i32
    %dma_wait3A_433 = tpu.memref_slice %arg11[%dma_wait3A_431, %dma_wait3A_432] : memref<16x640xf32, #tpu.memory_space<vmem>> -> memref<1x640xf32, #tpu.memory_space<vmem>>
    %dma_wait3A_434 = tpu.memref_squeeze %dma_wait3A_433 : memref<1x640xf32, #tpu.memory_space<vmem>> -> memref<640xf32, #tpu.memory_space<vmem>>
    %dma_wait3A_435 = tpu.memref_slice %arg13[%dma_wait3A_430, %mul3A_57] : memref<16x10240xf32, #tpu.memory_space<vmem_shared>> -> memref<1x640xf32, #tpu.memory_space<vmem_shared>>
    %dma_wait3A_436 = tpu.memref_squeeze %dma_wait3A_435 : memref<1x640xf32, #tpu.memory_space<vmem_shared>> -> memref<640xf32, #tpu.memory_space<vmem_shared>>
    %dma_wait3A_437 = arith.constant 0 : i32
    %dma_wait3A_438 = tpu.memref_slice %arg11[%dma_wait3A_431, %dma_wait3A_437] : memref<16x640xf32, #tpu.memory_space<vmem>> -> memref<1x640xf32, #tpu.memory_space<vmem>>
    %dma_wait3A_439 = tpu.memref_squeeze %dma_wait3A_438 : memref<1x640xf32, #tpu.memory_space<vmem>> -> memref<640xf32, #tpu.memory_space<vmem>>
    %dma_wait3A_440 = tpu.memref_slice %arg13[%dma_wait3A_430, %mul3A_57] : memref<16x10240xf32, #tpu.memory_space<vmem_shared>> -> memref<1x640xf32, #tpu.memory_space<vmem_shared>>
    %dma_wait3A_441 = tpu.memref_squeeze %dma_wait3A_440 : memref<1x640xf32, #tpu.memory_space<vmem_shared>> -> memref<640xf32, #tpu.memory_space<vmem_shared>>
    tpu.wait_dma2 semaphore(%arg17 : memref<!tpu.dma_semaphore, #tpu.memory_space<semaphore_mem>>) src(%dma_wait3A_441 : memref<640xf32, #tpu.memory_space<vmem_shared>>) dst(%dma_wait3A_439 : memref<640xf32, #tpu.memory_space<vmem>>)
    %scan3A_442 = arith.constant 0 : i32
    %scan3A_443 = arith.constant 0 : i32
    %scan3A_444 = arith.constant 10 : i32
    %scan3A_445 = arith.addi %scan3A_443, %scan3A_444 : i32
    %scan3A_446 = arith.constant 1 : i32
    scf.for %scan3A_458 = %scan3A_443 to %scan3A_445 step %scan3A_446  : i32 {
      %mul3A_459 = arith.constant 4 : i32
      %mul3A_460 = arith.muli %scan3A_458, %mul3A_459 : i32
      %add3A_461 = arith.constant 0 : i32
      %add3A_462 = arith.addi %mul3A_460, %add3A_461 : i32
      %mul3A_463 = arith.constant 16 : i32
      %mul3A_464 = arith.muli %add3A_462, %mul3A_463 : i32
      %get3A = arith.constant 0 : i32
      %get3A_465 = arith.index_cast %get3A : i32 to index
      %get3A_466 = arith.index_cast %mul3A_464 : i32 to index
      %get3A_467 = tpu.vector_load %arg11[%get3A_465, %get3A_466] {strides = array<i32>} : memref<16x640xf32, #tpu.memory_space<vmem>>, vector<16xf32>,
      %mul3A_468 = arith.constant 16 : i32
      %mul3A_469 = arith.muli %add3A_462, %mul3A_468 : i32
      %get3A_470 = arith.constant 1 : i32
      %get3A_471 = arith.index_cast %get3A_470 : i32 to index
      %get3A_472 = arith.index_cast %mul3A_469 : i32 to index
      %get3A_473 = tpu.vector_load %arg11[%get3A_471, %get3A_472] {strides = array<i32>} : memref<16x640xf32, #tpu.memory_space<vmem>>, vector<16xf32>,
      %add3A_474 = arith.addf %get3A_467, %get3A_473 : vector<16xf32>
      %mul3A_475 = arith.constant 16 : i32
      %mul3A_476 = arith.muli %add3A_462, %mul3A_475 : i32
      %get3A_477 = arith.constant 2 : i32
      %get3A_478 = arith.index_cast %get3A_477 : i32 to index
      %get3A_479 = arith.index_cast %mul3A_476 : i32 to index
      %get3A_480 = tpu.vector_load %arg11[%get3A_478, %get3A_479] {strides = array<i32>} : memref<16x640xf32, #tpu.memory_space<vmem>>, vector<16xf32>,
      %add3A_481 = arith.addf %add3A_474, %get3A_480 : vector<16xf32>
      %mul3A_482 = arith.constant 16 : i32
      %mul3A_483 = arith.muli %add3A_462, %mul3A_482 : i32
      %get3A_484 = arith.constant 3 : i32
      %get3A_485 = arith.index_cast %get3A_484 : i32 to index
      %get3A_486 = arith.index_cast %mul3A_483 : i32 to index
      %get3A_487 = tpu.vector_load %arg11[%get3A_485, %get3A_486] {strides = array<i32>} : memref<16x640xf32, #tpu.memory_space<vmem>>, vector<16xf32>,
      %add3A_488 = arith.addf %add3A_481, %get3A_487 : vector<16xf32>
      %mul3A_489 = arith.constant 16 : i32
      %mul3A_490 = arith.muli %add3A_462, %mul3A_489 : i32
      %get3A_491 = arith.constant 4 : i32
      %get3A_492 = arith.index_cast %get3A_491 : i32 to index
      %get3A_493 = arith.index_cast %mul3A_490 : i32 to index
      %get3A_494 = tpu.vector_load %arg11[%get3A_492, %get3A_493] {strides = array<i32>} : memref<16x640xf32, #tpu.memory_space<vmem>>, vector<16xf32>,
      %add3A_495 = arith.addf %add3A_488, %get3A_494 : vector<16xf32>
      %mul3A_496 = arith.constant 16 : i32
      %mul3A_497 = arith.muli %add3A_462, %mul3A_496 : i32
      %get3A_498 = arith.constant 5 : i32
      %get3A_499 = arith.index_cast %get3A_498 : i32 to index
      %get3A_500 = arith.index_cast %mul3A_497 : i32 to index
      %get3A_501 = tpu.vector_load %arg11[%get3A_499, %get3A_500] {strides = array<i32>} : memref<16x640xf32, #tpu.memory_space<vmem>>, vector<16xf32>,
      %add3A_502 = arith.addf %add3A_495, %get3A_501 : vector<16xf32>
      %mul3A_503 = arith.constant 16 : i32
      %mul3A_504 = arith.muli %add3A_462, %mul3A_503 : i32
      %get3A_505 = arith.constant 6 : i32
      %get3A_506 = arith.index_cast %get3A_505 : i32 to index
      %get3A_507 = arith.index_cast %mul3A_504 : i32 to index
      %get3A_508 = tpu.vector_load %arg11[%get3A_506, %get3A_507] {strides = array<i32>} : memref<16x640xf32, #tpu.memory_space<vmem>>, vector<16xf32>,
      %add3A_509 = arith.addf %add3A_502, %get3A_508 : vector<16xf32>
      %mul3A_510 = arith.constant 16 : i32
      %mul3A_511 = arith.muli %add3A_462, %mul3A_510 : i32
      %get3A_512 = arith.constant 7 : i32
      %get3A_513 = arith.index_cast %get3A_512 : i32 to index
      %get3A_514 = arith.index_cast %mul3A_511 : i32 to index
      %get3A_515 = tpu.vector_load %arg11[%get3A_513, %get3A_514] {strides = array<i32>} : memref<16x640xf32, #tpu.memory_space<vmem>>, vector<16xf32>,
      %add3A_516 = arith.addf %add3A_509, %get3A_515 : vector<16xf32>
      %mul3A_517 = arith.constant 16 : i32
      %mul3A_518 = arith.muli %add3A_462, %mul3A_517 : i32
      %get3A_519 = arith.constant 8 : i32
      %get3A_520 = arith.index_cast %get3A_519 : i32 to index
      %get3A_521 = arith.index_cast %mul3A_518 : i32 to index
      %get3A_522 = tpu.vector_load %arg11[%get3A_520, %get3A_521] {strides = array<i32>} : memref<16x640xf32, #tpu.memory_space<vmem>>, vector<16xf32>,
      %add3A_523 = arith.addf %add3A_516, %get3A_522 : vector<16xf32>
      %mul3A_524 = arith.constant 16 : i32
      %mul3A_525 = arith.muli %add3A_462, %mul3A_524 : i32
      %get3A_526 = arith.constant 9 : i32
      %get3A_527 = arith.index_cast %get3A_526 : i32 to index
      %get3A_528 = arith.index_cast %mul3A_525 : i32 to index
      %get3A_529 = tpu.vector_load %arg11[%get3A_527, %get3A_528] {strides = array<i32>} : memref<16x640xf32, #tpu.memory_space<vmem>>, vector<16xf32>,
      %add3A_530 = arith.addf %add3A_523, %get3A_529 : vector<16xf32>
      %mul3A_531 = arith.constant 16 : i32
      %mul3A_532 = arith.muli %add3A_462, %mul3A_531 : i32
      %get3A_533 = arith.constant 10 : i32
      %get3A_534 = arith.index_cast %get3A_533 : i32 to index
      %get3A_535 = arith.index_cast %mul3A_532 : i32 to index
      %get3A_536 = tpu.vector_load %arg11[%get3A_534, %get3A_535] {strides = array<i32>} : memref<16x640xf32, #tpu.memory_space<vmem>>, vector<16xf32>,
      %add3A_537 = arith.addf %add3A_530, %get3A_536 : vector<16xf32>
      %mul3A_538 = arith.constant 16 : i32
      %mul3A_539 = arith.muli %add3A_462, %mul3A_538 : i32
      %get3A_540 = arith.constant 11 : i32
      %get3A_541 = arith.index_cast %get3A_540 : i32 to index
      %get3A_542 = arith.index_cast %mul3A_539 : i32 to index
      %get3A_543 = tpu.vector_load %arg11[%get3A_541, %get3A_542] {strides = array<i32>} : memref<16x640xf32, #tpu.memory_space<vmem>>, vector<16xf32>,
      %add3A_544 = arith.addf %add3A_537, %get3A_543 : vector<16xf32>
      %mul3A_545 = arith.constant 16 : i32
      %mul3A_546 = arith.muli %add3A_462, %mul3A_545 : i32
      %get3A_547 = arith.constant 12 : i32
      %get3A_548 = arith.index_cast %get3A_547 : i32 to index
      %get3A_549 = arith.index_cast %mul3A_546 : i32 to index
      %get3A_550 = tpu.vector_load %arg11[%get3A_548, %get3A_549] {strides = array<i32>} : memref<16x640xf32, #tpu.memory_space<vmem>>, vector<16xf32>,
      %add3A_551 = arith.addf %add3A_544, %get3A_550 : vector<16xf32>
      %mul3A_552 = arith.constant 16 : i32
      %mul3A_553 = arith.muli %add3A_462, %mul3A_552 : i32
      %get3A_554 = arith.constant 13 : i32
      %get3A_555 = arith.index_cast %get3A_554 : i32 to index
      %get3A_556 = arith.index_cast %mul3A_553 : i32 to index
      %get3A_557 = tpu.vector_load %arg11[%get3A_555, %get3A_556] {strides = array<i32>} : memref<16x640xf32, #tpu.memory_space<vmem>>, vector<16xf32>,
      %add3A_558 = arith.addf %add3A_551, %get3A_557 : vector<16xf32>
      %mul3A_559 = arith.constant 16 : i32
      %mul3A_560 = arith.muli %add3A_462, %mul3A_559 : i32
      %get3A_561 = arith.constant 14 : i32
      %get3A_562 = arith.index_cast %get3A_561 : i32 to index
      %get3A_563 = arith.index_cast %mul3A_560 : i32 to index
      %get3A_564 = tpu.vector_load %arg11[%get3A_562, %get3A_563] {strides = array<i32>} : memref<16x640xf32, #tpu.memory_space<vmem>>, vector<16xf32>,
      %add3A_565 = arith.addf %add3A_558, %get3A_564 : vector<16xf32>
      %mul3A_566 = arith.constant 16 : i32
      %mul3A_567 = arith.muli %add3A_462, %mul3A_566 : i32
      %get3A_568 = arith.constant 15 : i32
      %get3A_569 = arith.index_cast %get3A_568 : i32 to index
      %get3A_570 = arith.index_cast %mul3A_567 : i32 to index
      %get3A_571 = tpu.vector_load %arg11[%get3A_569, %get3A_570] {strides = array<i32>} : memref<16x640xf32, #tpu.memory_space<vmem>>, vector<16xf32>,
      %add3A_572 = arith.addf %add3A_565, %get3A_571 : vector<16xf32>
      %mul3A_573 = arith.constant 16 : i32
      %mul3A_574 = arith.muli %add3A_462, %mul3A_573 : i32
      %add3A_575 = arith.addi %mul3A_57, %mul3A_574 : i32
      %get3A_576 = arith.index_cast %add3A_575 : i32 to index
      %get3A_577 = tpu.vector_load %arg6[%get3A_576] {strides = array<i32>} : memref<10240xf32, #tpu.memory_space<vmem>>, vector<16xf32>,
      %mul3A_578 = arith.mulf %add3A_572, %get3A_577 : vector<16xf32>
      %mul3A_579 = arith.constant 16 : i32
      %mul3A_580 = arith.muli %add3A_462, %mul3A_579 : i32
      %swap3A_581 = arith.index_cast %mul3A_580 : i32 to index
      %swap3A_582 = tpu.vector_load %arg12[%swap3A_581] {strides = array<i32>} : memref<640xf32, #tpu.memory_space<vmem>>, vector<16xf32>,
      tpu.vector_store %arg12[%swap3A_581], %mul3A_578 {strides = array<i32>} : memref<640xf32, #tpu.memory_space<vmem>>, vector<16xf32>,
      %mul3A_583 = arith.constant 4 : i32
      %mul3A_584 = arith.muli %scan3A_458, %mul3A_583 : i32
      %add3A_585 = arith.constant 1 : i32
      %add3A_586 = arith.addi %mul3A_584, %add3A_585 : i32
      %mul3A_587 = arith.constant 16 : i32
      %mul3A_588 = arith.muli %add3A_586, %mul3A_587 : i32
      %get3A_589 = arith.constant 0 : i32
      %get3A_590 = arith.index_cast %get3A_589 : i32 to index
      %get3A_591 = arith.index_cast %mul3A_588 : i32 to index
      %get3A_592 = tpu.vector_load %arg11[%get3A_590, %get3A_591] {strides = array<i32>} : memref<16x640xf32, #tpu.memory_space<vmem>>, vector<16xf32>,
      %mul3A_593 = arith.constant 16 : i32
      %mul3A_594 = arith.muli %add3A_586, %mul3A_593 : i32
      %get3A_595 = arith.constant 1 : i32
      %get3A_596 = arith.index_cast %get3A_595 : i32 to index
      %get3A_597 = arith.index_cast %mul3A_594 : i32 to index
      %get3A_598 = tpu.vector_load %arg11[%get3A_596, %get3A_597] {strides = array<i32>} : memref<16x640xf32, #tpu.memory_space<vmem>>, vector<16xf32>,
      %add3A_599 = arith.addf %get3A_592, %get3A_598 : vector<16xf32>
      %mul3A_600 = arith.constant 16 : i32
      %mul3A_601 = arith.muli %add3A_586, %mul3A_600 : i32
      %get3A_602 = arith.constant 2 : i32
      %get3A_603 = arith.index_cast %get3A_602 : i32 to index
      %get3A_604 = arith.index_cast %mul3A_601 : i32 to index
      %get3A_605 = tpu.vector_load %arg11[%get3A_603, %get3A_604] {strides = array<i32>} : memref<16x640xf32, #tpu.memory_space<vmem>>, vector<16xf32>,
      %add3A_606 = arith.addf %add3A_599, %get3A_605 : vector<16xf32>
      %mul3A_607 = arith.constant 16 : i32
      %mul3A_608 = arith.muli %add3A_586, %mul3A_607 : i32
      %get3A_609 = arith.constant 3 : i32
      %get3A_610 = arith.index_cast %get3A_609 : i32 to index
      %get3A_611 = arith.index_cast %mul3A_608 : i32 to index
      %get3A_612 = tpu.vector_load %arg11[%get3A_610, %get3A_611] {strides = array<i32>} : memref<16x640xf32, #tpu.memory_space<vmem>>, vector<16xf32>,
      %add3A_613 = arith.addf %add3A_606, %get3A_612 : vector<16xf32>
      %mul3A_614 = arith.constant 16 : i32
      %mul3A_615 = arith.muli %add3A_586, %mul3A_614 : i32
      %get3A_616 = arith.constant 4 : i32
      %get3A_617 = arith.index_cast %get3A_616 : i32 to index
      %get3A_618 = arith.index_cast %mul3A_615 : i32 to index
      %get3A_619 = tpu.vector_load %arg11[%get3A_617, %get3A_618] {strides = array<i32>} : memref<16x640xf32, #tpu.memory_space<vmem>>, vector<16xf32>,
      %add3A_620 = arith.addf %add3A_613, %get3A_619 : vector<16xf32>
      %mul3A_621 = arith.constant 16 : i32
      %mul3A_622 = arith.muli %add3A_586, %mul3A_621 : i32
      %get3A_623 = arith.constant 5 : i32
      %get3A_624 = arith.index_cast %get3A_623 : i32 to index
      %get3A_625 = arith.index_cast %mul3A_622 : i32 to index
      %get3A_626 = tpu.vector_load %arg11[%get3A_624, %get3A_625] {strides = array<i32>} : memref<16x640xf32, #tpu.memory_space<vmem>>, vector<16xf32>,
      %add3A_627 = arith.addf %add3A_620, %get3A_626 : vector<16xf32>
      %mul3A_628 = arith.constant 16 : i32
      %mul3A_629 = arith.muli %add3A_586, %mul3A_628 : i32
      %get3A_630 = arith.constant 6 : i32
      %get3A_631 = arith.index_cast %get3A_630 : i32 to index
      %get3A_632 = arith.index_cast %mul3A_629 : i32 to index
      %get3A_633 = tpu.vector_load %arg11[%get3A_631, %get3A_632] {strides = array<i32>} : memref<16x640xf32, #tpu.memory_space<vmem>>, vector<16xf32>,
      %add3A_634 = arith.addf %add3A_627, %get3A_633 : vector<16xf32>
      %mul3A_635 = arith.constant 16 : i32
      %mul3A_636 = arith.muli %add3A_586, %mul3A_635 : i32
      %get3A_637 = arith.constant 7 : i32
      %get3A_638 = arith.index_cast %get3A_637 : i32 to index
      %get3A_639 = arith.index_cast %mul3A_636 : i32 to index
      %get3A_640 = tpu.vector_load %arg11[%get3A_638, %get3A_639] {strides = array<i32>} : memref<16x640xf32, #tpu.memory_space<vmem>>, vector<16xf32>,
      %add3A_641 = arith.addf %add3A_634, %get3A_640 : vector<16xf32>
      %mul3A_642 = arith.constant 16 : i32
      %mul3A_643 = arith.muli %add3A_586, %mul3A_642 : i32
      %get3A_644 = arith.constant 8 : i32
      %get3A_645 = arith.index_cast %get3A_644 : i32 to index
      %get3A_646 = arith.index_cast %mul3A_643 : i32 to index
      %get3A_647 = tpu.vector_load %arg11[%get3A_645, %get3A_646] {strides = array<i32>} : memref<16x640xf32, #tpu.memory_space<vmem>>, vector<16xf32>,
      %add3A_648 = arith.addf %add3A_641, %get3A_647 : vector<16xf32>
      %mul3A_649 = arith.constant 16 : i32
      %mul3A_650 = arith.muli %add3A_586, %mul3A_649 : i32
      %get3A_651 = arith.constant 9 : i32
      %get3A_652 = arith.index_cast %get3A_651 : i32 to index
      %get3A_653 = arith.index_cast %mul3A_650 : i32 to index
      %get3A_654 = tpu.vector_load %arg11[%get3A_652, %get3A_653] {strides = array<i32>} : memref<16x640xf32, #tpu.memory_space<vmem>>, vector<16xf32>,
      %add3A_655 = arith.addf %add3A_648, %get3A_654 : vector<16xf32>
      %mul3A_656 = arith.constant 16 : i32
      %mul3A_657 = arith.muli %add3A_586, %mul3A_656 : i32
      %get3A_658 = arith.constant 10 : i32
      %get3A_659 = arith.index_cast %get3A_658 : i32 to index
      %get3A_660 = arith.index_cast %mul3A_657 : i32 to index
      %get3A_661 = tpu.vector_load %arg11[%get3A_659, %get3A_660] {strides = array<i32>} : memref<16x640xf32, #tpu.memory_space<vmem>>, vector<16xf32>,
      %add3A_662 = arith.addf %add3A_655, %get3A_661 : vector<16xf32>
      %mul3A_663 = arith.constant 16 : i32
      %mul3A_664 = arith.muli %add3A_586, %mul3A_663 : i32
      %get3A_665 = arith.constant 11 : i32
      %get3A_666 = arith.index_cast %get3A_665 : i32 to index
      %get3A_667 = arith.index_cast %mul3A_664 : i32 to index
      %get3A_668 = tpu.vector_load %arg11[%get3A_666, %get3A_667] {strides = array<i32>} : memref<16x640xf32, #tpu.memory_space<vmem>>, vector<16xf32>,
      %add3A_669 = arith.addf %add3A_662, %get3A_668 : vector<16xf32>
      %mul3A_670 = arith.constant 16 : i32
      %mul3A_671 = arith.muli %add3A_586, %mul3A_670 : i32
      %get3A_672 = arith.constant 12 : i32
      %get3A_673 = arith.index_cast %get3A_672 : i32 to index
      %get3A_674 = arith.index_cast %mul3A_671 : i32 to index
      %get3A_675 = tpu.vector_load %arg11[%get3A_673, %get3A_674] {strides = array<i32>} : memref<16x640xf32, #tpu.memory_space<vmem>>, vector<16xf32>,
      %add3A_676 = arith.addf %add3A_669, %get3A_675 : vector<16xf32>
      %mul3A_677 = arith.constant 16 : i32
      %mul3A_678 = arith.muli %add3A_586, %mul3A_677 : i32
      %get3A_679 = arith.constant 13 : i32
      %get3A_680 = arith.index_cast %get3A_679 : i32 to index
      %get3A_681 = arith.index_cast %mul3A_678 : i32 to index
      %get3A_682 = tpu.vector_load %arg11[%get3A_680, %get3A_681] {strides = array<i32>} : memref<16x640xf32, #tpu.memory_space<vmem>>, vector<16xf32>,
      %add3A_683 = arith.addf %add3A_676, %get3A_682 : vector<16xf32>
      %mul3A_684 = arith.constant 16 : i32
      %mul3A_685 = arith.muli %add3A_586, %mul3A_684 : i32
      %get3A_686 = arith.constant 14 : i32
      %get3A_687 = arith.index_cast %get3A_686 : i32 to index
      %get3A_688 = arith.index_cast %mul3A_685 : i32 to index
      %get3A_689 = tpu.vector_load %arg11[%get3A_687, %get3A_688] {strides = array<i32>} : memref<16x640xf32, #tpu.memory_space<vmem>>, vector<16xf32>,
      %add3A_690 = arith.addf %add3A_683, %get3A_689 : vector<16xf32>
      %mul3A_691 = arith.constant 16 : i32
      %mul3A_692 = arith.muli %add3A_586, %mul3A_691 : i32
      %get3A_693 = arith.constant 15 : i32
      %get3A_694 = arith.index_cast %get3A_693 : i32 to index
      %get3A_695 = arith.index_cast %mul3A_692 : i32 to index
      %get3A_696 = tpu.vector_load %arg11[%get3A_694, %get3A_695] {strides = array<i32>} : memref<16x640xf32, #tpu.memory_space<vmem>>, vector<16xf32>,
      %add3A_697 = arith.addf %add3A_690, %get3A_696 : vector<16xf32>
      %mul3A_698 = arith.constant 16 : i32
      %mul3A_699 = arith.muli %add3A_586, %mul3A_698 : i32
      %add3A_700 = arith.addi %mul3A_57, %mul3A_699 : i32
      %get3A_701 = arith.index_cast %add3A_700 : i32 to index
      %get3A_702 = tpu.vector_load %arg6[%get3A_701] {strides = array<i32>} : memref<10240xf32, #tpu.memory_space<vmem>>, vector<16xf32>,
      %mul3A_703 = arith.mulf %add3A_697, %get3A_702 : vector<16xf32>
      %mul3A_704 = arith.constant 16 : i32
      %mul3A_705 = arith.muli %add3A_586, %mul3A_704 : i32
      %swap3A_706 = arith.index_cast %mul3A_705 : i32 to index
      %swap3A_707 = tpu.vector_load %arg12[%swap3A_706] {strides = array<i32>} : memref<640xf32, #tpu.memory_space<vmem>>, vector<16xf32>,
      tpu.vector_store %arg12[%swap3A_706], %mul3A_703 {strides = array<i32>} : memref<640xf32, #tpu.memory_space<vmem>>, vector<16xf32>,
      %mul3A_708 = arith.constant 4 : i32
      %mul3A_709 = arith.muli %scan3A_458, %mul3A_708 : i32
      %add3A_710 = arith.constant 2 : i32
      %add3A_711 = arith.addi %mul3A_709, %add3A_710 : i32
      %mul3A_712 = arith.constant 16 : i32
      %mul3A_713 = arith.muli %add3A_711, %mul3A_712 : i32
      %get3A_714 = arith.constant 0 : i32
      %get3A_715 = arith.index_cast %get3A_714 : i32 to index
      %get3A_716 = arith.index_cast %mul3A_713 : i32 to index
      %get3A_717 = tpu.vector_load %arg11[%get3A_715, %get3A_716] {strides = array<i32>} : memref<16x640xf32, #tpu.memory_space<vmem>>, vector<16xf32>,
      %mul3A_718 = arith.constant 16 : i32
      %mul3A_719 = arith.muli %add3A_711, %mul3A_718 : i32
      %get3A_720 = arith.constant 1 : i32
      %get3A_721 = arith.index_cast %get3A_720 : i32 to index
      %get3A_722 = arith.index_cast %mul3A_719 : i32 to index
      %get3A_723 = tpu.vector_load %arg11[%get3A_721, %get3A_722] {strides = array<i32>} : memref<16x640xf32, #tpu.memory_space<vmem>>, vector<16xf32>,
      %add3A_724 = arith.addf %get3A_717, %get3A_723 : vector<16xf32>
      %mul3A_725 = arith.constant 16 : i32
      %mul3A_726 = arith.muli %add3A_711, %mul3A_725 : i32
      %get3A_727 = arith.constant 2 : i32
      %get3A_728 = arith.index_cast %get3A_727 : i32 to index
      %get3A_729 = arith.index_cast %mul3A_726 : i32 to index
      %get3A_730 = tpu.vector_load %arg11[%get3A_728, %get3A_729] {strides = array<i32>} : memref<16x640xf32, #tpu.memory_space<vmem>>, vector<16xf32>,
      %add3A_731 = arith.addf %add3A_724, %get3A_730 : vector<16xf32>
      %mul3A_732 = arith.constant 16 : i32
      %mul3A_733 = arith.muli %add3A_711, %mul3A_732 : i32
      %get3A_734 = arith.constant 3 : i32
      %get3A_735 = arith.index_cast %get3A_734 : i32 to index
      %get3A_736 = arith.index_cast %mul3A_733 : i32 to index
      %get3A_737 = tpu.vector_load %arg11[%get3A_735, %get3A_736] {strides = array<i32>} : memref<16x640xf32, #tpu.memory_space<vmem>>, vector<16xf32>,
      %add3A_738 = arith.addf %add3A_731, %get3A_737 : vector<16xf32>
      %mul3A_739 = arith.constant 16 : i32
      %mul3A_740 = arith.muli %add3A_711, %mul3A_739 : i32
      %get3A_741 = arith.constant 4 : i32
      %get3A_742 = arith.index_cast %get3A_741 : i32 to index
      %get3A_743 = arith.index_cast %mul3A_740 : i32 to index
      %get3A_744 = tpu.vector_load %arg11[%get3A_742, %get3A_743] {strides = array<i32>} : memref<16x640xf32, #tpu.memory_space<vmem>>, vector<16xf32>,
      %add3A_745 = arith.addf %add3A_738, %get3A_744 : vector<16xf32>
      %mul3A_746 = arith.constant 16 : i32
      %mul3A_747 = arith.muli %add3A_711, %mul3A_746 : i32
      %get3A_748 = arith.constant 5 : i32
      %get3A_749 = arith.index_cast %get3A_748 : i32 to index
      %get3A_750 = arith.index_cast %mul3A_747 : i32 to index
      %get3A_751 = tpu.vector_load %arg11[%get3A_749, %get3A_750] {strides = array<i32>} : memref<16x640xf32, #tpu.memory_space<vmem>>, vector<16xf32>,
      %add3A_752 = arith.addf %add3A_745, %get3A_751 : vector<16xf32>
      %mul3A_753 = arith.constant 16 : i32
      %mul3A_754 = arith.muli %add3A_711, %mul3A_753 : i32
      %get3A_755 = arith.constant 6 : i32
      %get3A_756 = arith.index_cast %get3A_755 : i32 to index
      %get3A_757 = arith.index_cast %mul3A_754 : i32 to index
      %get3A_758 = tpu.vector_load %arg11[%get3A_756, %get3A_757] {strides = array<i32>} : memref<16x640xf32, #tpu.memory_space<vmem>>, vector<16xf32>,
      %add3A_759 = arith.addf %add3A_752, %get3A_758 : vector<16xf32>
      %mul3A_760 = arith.constant 16 : i32
      %mul3A_761 = arith.muli %add3A_711, %mul3A_760 : i32
      %get3A_762 = arith.constant 7 : i32
      %get3A_763 = arith.index_cast %get3A_762 : i32 to index
      %get3A_764 = arith.index_cast %mul3A_761 : i32 to index
      %get3A_765 = tpu.vector_load %arg11[%get3A_763, %get3A_764] {strides = array<i32>} : memref<16x640xf32, #tpu.memory_space<vmem>>, vector<16xf32>,
      %add3A_766 = arith.addf %add3A_759, %get3A_765 : vector<16xf32>
      %mul3A_767 = arith.constant 16 : i32
      %mul3A_768 = arith.muli %add3A_711, %mul3A_767 : i32
      %get3A_769 = arith.constant 8 : i32
      %get3A_770 = arith.index_cast %get3A_769 : i32 to index
      %get3A_771 = arith.index_cast %mul3A_768 : i32 to index
      %get3A_772 = tpu.vector_load %arg11[%get3A_770, %get3A_771] {strides = array<i32>} : memref<16x640xf32, #tpu.memory_space<vmem>>, vector<16xf32>,
      %add3A_773 = arith.addf %add3A_766, %get3A_772 : vector<16xf32>
      %mul3A_774 = arith.constant 16 : i32
      %mul3A_775 = arith.muli %add3A_711, %mul3A_774 : i32
      %get3A_776 = arith.constant 9 : i32
      %get3A_777 = arith.index_cast %get3A_776 : i32 to index
      %get3A_778 = arith.index_cast %mul3A_775 : i32 to index
      %get3A_779 = tpu.vector_load %arg11[%get3A_777, %get3A_778] {strides = array<i32>} : memref<16x640xf32, #tpu.memory_space<vmem>>, vector<16xf32>,
      %add3A_780 = arith.addf %add3A_773, %get3A_779 : vector<16xf32>
      %mul3A_781 = arith.constant 16 : i32
      %mul3A_782 = arith.muli %add3A_711, %mul3A_781 : i32
      %get3A_783 = arith.constant 10 : i32
      %get3A_784 = arith.index_cast %get3A_783 : i32 to index
      %get3A_785 = arith.index_cast %mul3A_782 : i32 to index
      %get3A_786 = tpu.vector_load %arg11[%get3A_784, %get3A_785] {strides = array<i32>} : memref<16x640xf32, #tpu.memory_space<vmem>>, vector<16xf32>,
      %add3A_787 = arith.addf %add3A_780, %get3A_786 : vector<16xf32>
      %mul3A_788 = arith.constant 16 : i32
      %mul3A_789 = arith.muli %add3A_711, %mul3A_788 : i32
      %get3A_790 = arith.constant 11 : i32
      %get3A_791 = arith.index_cast %get3A_790 : i32 to index
      %get3A_792 = arith.index_cast %mul3A_789 : i32 to index
      %get3A_793 = tpu.vector_load %arg11[%get3A_791, %get3A_792] {strides = array<i32>} : memref<16x640xf32, #tpu.memory_space<vmem>>, vector<16xf32>,
      %add3A_794 = arith.addf %add3A_787, %get3A_793 : vector<16xf32>
      %mul3A_795 = arith.constant 16 : i32
      %mul3A_796 = arith.muli %add3A_711, %mul3A_795 : i32
      %get3A_797 = arith.constant 12 : i32
      %get3A_798 = arith.index_cast %get3A_797 : i32 to index
      %get3A_799 = arith.index_cast %mul3A_796 : i32 to index
      %get3A_800 = tpu.vector_load %arg11[%get3A_798, %get3A_799] {strides = array<i32>} : memref<16x640xf32, #tpu.memory_space<vmem>>, vector<16xf32>,
      %add3A_801 = arith.addf %add3A_794, %get3A_800 : vector<16xf32>
      %mul3A_802 = arith.constant 16 : i32
      %mul3A_803 = arith.muli %add3A_711, %mul3A_802 : i32
      %get3A_804 = arith.constant 13 : i32
      %get3A_805 = arith.index_cast %get3A_804 : i32 to index
      %get3A_806 = arith.index_cast %mul3A_803 : i32 to index
      %get3A_807 = tpu.vector_load %arg11[%get3A_805, %get3A_806] {strides = array<i32>} : memref<16x640xf32, #tpu.memory_space<vmem>>, vector<16xf32>,
      %add3A_808 = arith.addf %add3A_801, %get3A_807 : vector<16xf32>
      %mul3A_809 = arith.constant 16 : i32
      %mul3A_810 = arith.muli %add3A_711, %mul3A_809 : i32
      %get3A_811 = arith.constant 14 : i32
      %get3A_812 = arith.index_cast %get3A_811 : i32 to index
      %get3A_813 = arith.index_cast %mul3A_810 : i32 to index
      %get3A_814 = tpu.vector_load %arg11[%get3A_812, %get3A_813] {strides = array<i32>} : memref<16x640xf32, #tpu.memory_space<vmem>>, vector<16xf32>,
      %add3A_815 = arith.addf %add3A_808, %get3A_814 : vector<16xf32>
      %mul3A_816 = arith.constant 16 : i32
      %mul3A_817 = arith.muli %add3A_711, %mul3A_816 : i32
      %get3A_818 = arith.constant 15 : i32
      %get3A_819 = arith.index_cast %get3A_818 : i32 to index
      %get3A_820 = arith.index_cast %mul3A_817 : i32 to index
      %get3A_821 = tpu.vector_load %arg11[%get3A_819, %get3A_820] {strides = array<i32>} : memref<16x640xf32, #tpu.memory_space<vmem>>, vector<16xf32>,
      %add3A_822 = arith.addf %add3A_815, %get3A_821 : vector<16xf32>
      %mul3A_823 = arith.constant 16 : i32
      %mul3A_824 = arith.muli %add3A_711, %mul3A_823 : i32
      %add3A_825 = arith.addi %mul3A_57, %mul3A_824 : i32
      %get3A_826 = arith.index_cast %add3A_825 : i32 to index
      %get3A_827 = tpu.vector_load %arg6[%get3A_826] {strides = array<i32>} : memref<10240xf32, #tpu.memory_space<vmem>>, vector<16xf32>,
      %mul3A_828 = arith.mulf %add3A_822, %get3A_827 : vector<16xf32>
      %mul3A_829 = arith.constant 16 : i32
      %mul3A_830 = arith.muli %add3A_711, %mul3A_829 : i32
      %swap3A_831 = arith.index_cast %mul3A_830 : i32 to index
      %swap3A_832 = tpu.vector_load %arg12[%swap3A_831] {strides = array<i32>} : memref<640xf32, #tpu.memory_space<vmem>>, vector<16xf32>,
      tpu.vector_store %arg12[%swap3A_831], %mul3A_828 {strides = array<i32>} : memref<640xf32, #tpu.memory_space<vmem>>, vector<16xf32>,
      %mul3A_833 = arith.constant 4 : i32
      %mul3A_834 = arith.muli %scan3A_458, %mul3A_833 : i32
      %add3A_835 = arith.constant 3 : i32
      %add3A_836 = arith.addi %mul3A_834, %add3A_835 : i32
      %mul3A_837 = arith.constant 16 : i32
      %mul3A_838 = arith.muli %add3A_836, %mul3A_837 : i32
      %get3A_839 = arith.constant 0 : i32
      %get3A_840 = arith.index_cast %get3A_839 : i32 to index
      %get3A_841 = arith.index_cast %mul3A_838 : i32 to index
      %get3A_842 = tpu.vector_load %arg11[%get3A_840, %get3A_841] {strides = array<i32>} : memref<16x640xf32, #tpu.memory_space<vmem>>, vector<16xf32>,
      %mul3A_843 = arith.constant 16 : i32
      %mul3A_844 = arith.muli %add3A_836, %mul3A_843 : i32
      %get3A_845 = arith.constant 1 : i32
      %get3A_846 = arith.index_cast %get3A_845 : i32 to index
      %get3A_847 = arith.index_cast %mul3A_844 : i32 to index
      %get3A_848 = tpu.vector_load %arg11[%get3A_846, %get3A_847] {strides = array<i32>} : memref<16x640xf32, #tpu.memory_space<vmem>>, vector<16xf32>,
      %add3A_849 = arith.addf %get3A_842, %get3A_848 : vector<16xf32>
      %mul3A_850 = arith.constant 16 : i32
      %mul3A_851 = arith.muli %add3A_836, %mul3A_850 : i32
      %get3A_852 = arith.constant 2 : i32
      %get3A_853 = arith.index_cast %get3A_852 : i32 to index
      %get3A_854 = arith.index_cast %mul3A_851 : i32 to index
      %get3A_855 = tpu.vector_load %arg11[%get3A_853, %get3A_854] {strides = array<i32>} : memref<16x640xf32, #tpu.memory_space<vmem>>, vector<16xf32>,
      %add3A_856 = arith.addf %add3A_849, %get3A_855 : vector<16xf32>
      %mul3A_857 = arith.constant 16 : i32
      %mul3A_858 = arith.muli %add3A_836, %mul3A_857 : i32
      %get3A_859 = arith.constant 3 : i32
      %get3A_860 = arith.index_cast %get3A_859 : i32 to index
      %get3A_861 = arith.index_cast %mul3A_858 : i32 to index
      %get3A_862 = tpu.vector_load %arg11[%get3A_860, %get3A_861] {strides = array<i32>} : memref<16x640xf32, #tpu.memory_space<vmem>>, vector<16xf32>,
      %add3A_863 = arith.addf %add3A_856, %get3A_862 : vector<16xf32>
      %mul3A_864 = arith.constant 16 : i32
      %mul3A_865 = arith.muli %add3A_836, %mul3A_864 : i32
      %get3A_866 = arith.constant 4 : i32
      %get3A_867 = arith.index_cast %get3A_866 : i32 to index
      %get3A_868 = arith.index_cast %mul3A_865 : i32 to index
      %get3A_869 = tpu.vector_load %arg11[%get3A_867, %get3A_868] {strides = array<i32>} : memref<16x640xf32, #tpu.memory_space<vmem>>, vector<16xf32>,
      %add3A_870 = arith.addf %add3A_863, %get3A_869 : vector<16xf32>
      %mul3A_871 = arith.constant 16 : i32
      %mul3A_872 = arith.muli %add3A_836, %mul3A_871 : i32
      %get3A_873 = arith.constant 5 : i32
      %get3A_874 = arith.index_cast %get3A_873 : i32 to index
      %get3A_875 = arith.index_cast %mul3A_872 : i32 to index
      %get3A_876 = tpu.vector_load %arg11[%get3A_874, %get3A_875] {strides = array<i32>} : memref<16x640xf32, #tpu.memory_space<vmem>>, vector<16xf32>,
      %add3A_877 = arith.addf %add3A_870, %get3A_876 : vector<16xf32>
      %mul3A_878 = arith.constant 16 : i32
      %mul3A_879 = arith.muli %add3A_836, %mul3A_878 : i32
      %get3A_880 = arith.constant 6 : i32
      %get3A_881 = arith.index_cast %get3A_880 : i32 to index
      %get3A_882 = arith.index_cast %mul3A_879 : i32 to index
      %get3A_883 = tpu.vector_load %arg11[%get3A_881, %get3A_882] {strides = array<i32>} : memref<16x640xf32, #tpu.memory_space<vmem>>, vector<16xf32>,
      %add3A_884 = arith.addf %add3A_877, %get3A_883 : vector<16xf32>
      %mul3A_885 = arith.constant 16 : i32
      %mul3A_886 = arith.muli %add3A_836, %mul3A_885 : i32
      %get3A_887 = arith.constant 7 : i32
      %get3A_888 = arith.index_cast %get3A_887 : i32 to index
      %get3A_889 = arith.index_cast %mul3A_886 : i32 to index
      %get3A_890 = tpu.vector_load %arg11[%get3A_888, %get3A_889] {strides = array<i32>} : memref<16x640xf32, #tpu.memory_space<vmem>>, vector<16xf32>,
      %add3A_891 = arith.addf %add3A_884, %get3A_890 : vector<16xf32>
      %mul3A_892 = arith.constant 16 : i32
      %mul3A_893 = arith.muli %add3A_836, %mul3A_892 : i32
      %get3A_894 = arith.constant 8 : i32
      %get3A_895 = arith.index_cast %get3A_894 : i32 to index
      %get3A_896 = arith.index_cast %mul3A_893 : i32 to index
      %get3A_897 = tpu.vector_load %arg11[%get3A_895, %get3A_896] {strides = array<i32>} : memref<16x640xf32, #tpu.memory_space<vmem>>, vector<16xf32>,
      %add3A_898 = arith.addf %add3A_891, %get3A_897 : vector<16xf32>
      %mul3A_899 = arith.constant 16 : i32
      %mul3A_900 = arith.muli %add3A_836, %mul3A_899 : i32
      %get3A_901 = arith.constant 9 : i32
      %get3A_902 = arith.index_cast %get3A_901 : i32 to index
      %get3A_903 = arith.index_cast %mul3A_900 : i32 to index
      %get3A_904 = tpu.vector_load %arg11[%get3A_902, %get3A_903] {strides = array<i32>} : memref<16x640xf32, #tpu.memory_space<vmem>>, vector<16xf32>,
      %add3A_905 = arith.addf %add3A_898, %get3A_904 : vector<16xf32>
      %mul3A_906 = arith.constant 16 : i32
      %mul3A_907 = arith.muli %add3A_836, %mul3A_906 : i32
      %get3A_908 = arith.constant 10 : i32
      %get3A_909 = arith.index_cast %get3A_908 : i32 to index
      %get3A_910 = arith.index_cast %mul3A_907 : i32 to index
      %get3A_911 = tpu.vector_load %arg11[%get3A_909, %get3A_910] {strides = array<i32>} : memref<16x640xf32, #tpu.memory_space<vmem>>, vector<16xf32>,
      %add3A_912 = arith.addf %add3A_905, %get3A_911 : vector<16xf32>
      %mul3A_913 = arith.constant 16 : i32
      %mul3A_914 = arith.muli %add3A_836, %mul3A_913 : i32
      %get3A_915 = arith.constant 11 : i32
      %get3A_916 = arith.index_cast %get3A_915 : i32 to index
      %get3A_917 = arith.index_cast %mul3A_914 : i32 to index
      %get3A_918 = tpu.vector_load %arg11[%get3A_916, %get3A_917] {strides = array<i32>} : memref<16x640xf32, #tpu.memory_space<vmem>>, vector<16xf32>,
      %add3A_919 = arith.addf %add3A_912, %get3A_918 : vector<16xf32>
      %mul3A_920 = arith.constant 16 : i32
      %mul3A_921 = arith.muli %add3A_836, %mul3A_920 : i32
      %get3A_922 = arith.constant 12 : i32
      %get3A_923 = arith.index_cast %get3A_922 : i32 to index
      %get3A_924 = arith.index_cast %mul3A_921 : i32 to index
      %get3A_925 = tpu.vector_load %arg11[%get3A_923, %get3A_924] {strides = array<i32>} : memref<16x640xf32, #tpu.memory_space<vmem>>, vector<16xf32>,
      %add3A_926 = arith.addf %add3A_919, %get3A_925 : vector<16xf32>
      %mul3A_927 = arith.constant 16 : i32
      %mul3A_928 = arith.muli %add3A_836, %mul3A_927 : i32
      %get3A_929 = arith.constant 13 : i32
      %get3A_930 = arith.index_cast %get3A_929 : i32 to index
      %get3A_931 = arith.index_cast %mul3A_928 : i32 to index
      %get3A_932 = tpu.vector_load %arg11[%get3A_930, %get3A_931] {strides = array<i32>} : memref<16x640xf32, #tpu.memory_space<vmem>>, vector<16xf32>,
      %add3A_933 = arith.addf %add3A_926, %get3A_932 : vector<16xf32>
      %mul3A_934 = arith.constant 16 : i32
      %mul3A_935 = arith.muli %add3A_836, %mul3A_934 : i32
      %get3A_936 = arith.constant 14 : i32
      %get3A_937 = arith.index_cast %get3A_936 : i32 to index
      %get3A_938 = arith.index_cast %mul3A_935 : i32 to index
      %get3A_939 = tpu.vector_load %arg11[%get3A_937, %get3A_938] {strides = array<i32>} : memref<16x640xf32, #tpu.memory_space<vmem>>, vector<16xf32>,
      %add3A_940 = arith.addf %add3A_933, %get3A_939 : vector<16xf32>
      %mul3A_941 = arith.constant 16 : i32
      %mul3A_942 = arith.muli %add3A_836, %mul3A_941 : i32
      %get3A_943 = arith.constant 15 : i32
      %get3A_944 = arith.index_cast %get3A_943 : i32 to index
      %get3A_945 = arith.index_cast %mul3A_942 : i32 to index
      %get3A_946 = tpu.vector_load %arg11[%get3A_944, %get3A_945] {strides = array<i32>} : memref<16x640xf32, #tpu.memory_space<vmem>>, vector<16xf32>,
      %add3A_947 = arith.addf %add3A_940, %get3A_946 : vector<16xf32>
      %mul3A_948 = arith.constant 16 : i32
      %mul3A_949 = arith.muli %add3A_836, %mul3A_948 : i32
      %add3A_950 = arith.addi %mul3A_57, %mul3A_949 : i32
      %get3A_951 = arith.index_cast %add3A_950 : i32 to index
      %get3A_952 = tpu.vector_load %arg6[%get3A_951] {strides = array<i32>} : memref<10240xf32, #tpu.memory_space<vmem>>, vector<16xf32>,
      %mul3A_953 = arith.mulf %add3A_947, %get3A_952 : vector<16xf32>
      %mul3A_954 = arith.constant 16 : i32
      %mul3A_955 = arith.muli %add3A_836, %mul3A_954 : i32
      %swap3A_956 = arith.index_cast %mul3A_955 : i32 to index
      %swap3A_957 = tpu.vector_load %arg12[%swap3A_956] {strides = array<i32>} : memref<640xf32, #tpu.memory_space<vmem>>, vector<16xf32>,
      tpu.vector_store %arg12[%swap3A_956], %mul3A_953 {strides = array<i32>} : memref<640xf32, #tpu.memory_space<vmem>>, vector<16xf32>,
    }
    %scan3A_447 = arith.constant 10 : i32
    "tpu.region"() ({
      %run_scoped3A = tpu.sem_alloc : memref<!tpu.dma_semaphore, #tpu.memory_space<semaphore_mem>>
      %dma_start3A_458 = tpu.memref_slice %arg14[%mul3A_57] : memref<10240xf32, #tpu.memory_space<vmem_shared>> -> memref<640xf32, #tpu.memory_space<vmem_shared>>
      %dma_start3A_459 = tpu.memref_slice %arg14[%mul3A_57] : memref<10240xf32, #tpu.memory_space<vmem_shared>> -> memref<640xf32, #tpu.memory_space<vmem_shared>>
      tpu.enqueue_dma source(%arg12 : memref<640xf32, #tpu.memory_space<vmem>>) target(%dma_start3A_459 : memref<640xf32, #tpu.memory_space<vmem_shared>>) target_semaphore(%run_scoped3A : memref<!tpu.dma_semaphore, #tpu.memory_space<semaphore_mem>>)
      %dma_wait3A_460 = tpu.memref_slice %arg14[%mul3A_57] : memref<10240xf32, #tpu.memory_space<vmem_shared>> -> memref<640xf32, #tpu.memory_space<vmem_shared>>
      %dma_wait3A_461 = tpu.memref_slice %arg14[%mul3A_57] : memref<10240xf32, #tpu.memory_space<vmem_shared>> -> memref<640xf32, #tpu.memory_space<vmem_shared>>
      tpu.wait_dma2 semaphore(%run_scoped3A : memref<!tpu.dma_semaphore, #tpu.memory_space<semaphore_mem>>) src(%arg12 : memref<640xf32, #tpu.memory_space<vmem>>) dst(%dma_wait3A_461 : memref<640xf32, #tpu.memory_space<vmem_shared>>)
      tpu.yield
    }) : () -> ()
    %barrier3A_448 = arith.constant 0 : index
    tpu.barrier barrier_id(%barrier3A_448)
    "tpu.region"() ({
      %run_scoped3A = tpu.sem_alloc : memref<!tpu.dma_semaphore, #tpu.memory_space<semaphore_mem>>
      tpu.enqueue_dma source(%arg14 : memref<10240xf32, #tpu.memory_space<vmem_shared>>) target(%arg7 : memref<10240xf32, #tpu.memory_space<vmem>>) target_semaphore(%run_scoped3A : memref<!tpu.dma_semaphore, #tpu.memory_space<semaphore_mem>>)
      tpu.wait_dma2 semaphore(%run_scoped3A : memref<!tpu.dma_semaphore, #tpu.memory_space<semaphore_mem>>) src(%arg14 : memref<10240xf32, #tpu.memory_space<vmem_shared>>) dst(%arg7 : memref<10240xf32, #tpu.memory_space<vmem>>)
      tpu.yield
    }) : () -> ()
    %dma_wait3A_449 = arith.constant 0 : i32
    %dma_wait3A_450 = tpu.memref_slice %arg3[%dma_wait3A_449, %multiple_of3A_36] : memref<2x160000xi32, #tpu.memory_space<hbm>> -> memref<2x10112xi32, #tpu.memory_space<hbm>>
    %dma_wait3A_451 = arith.constant 0 : i32
    %dma_wait3A_452 = tpu.memref_slice %arg3[%dma_wait3A_451, %multiple_of3A_36] : memref<2x160000xi32, #tpu.memory_space<hbm>> -> memref<2x10112xi32, #tpu.memory_space<hbm>>
    tpu.wait_dma2 semaphore(%arg16 : memref<!tpu.dma_semaphore, #tpu.memory_space<semaphore_mem>>) src(%dma_wait3A_452 : memref<2x10112xi32, #tpu.memory_space<hbm>>) dst(%arg9 : memref<2x10112xi32, #tpu.memory_space<vmem>>)
    %broadcast_in_dim3A = arith.constant 0.000000e+00 : f32
    %broadcast_in_dim3A_453 = vector.broadcast %broadcast_in_dim3A : f32 to vector<16xf32>
    %parallel_loop3A = arith.constant 0 : i32
    %parallel_loop3A_454 = arith.constant 625 : i32
    %parallel_loop3A_455 = arith.constant 1 : i32
    %parallel_loop3A_456 = scf.for %parallel_loop3A_458 = %parallel_loop3A to %parallel_loop3A_454 step %parallel_loop3A_455 iter_args(%parallel_loop3A_459 = %broadcast_in_dim3A_453) -> (vector<16xf32>)  : i32 {
      %parallel_loop3A_460 = arith.constant 16 : i32
      %parallel_loop3A_461 = arith.muli %parallel_loop3A_458, %parallel_loop3A_460 : i32
      %parallel_loop3A_462 = arith.addi %sub3A_37, %parallel_loop3A_461 : i32
      %parallel_loop3A_463 = arith.constant 0 : i32
      %parallel_loop3A_464 = arith.index_cast %parallel_loop3A_463 : i32 to index
      %parallel_loop3A_465 = arith.index_cast %parallel_loop3A_462 : i32 to index
      %parallel_loop3A_466 = tpu.vector_load %arg9[%parallel_loop3A_464, %parallel_loop3A_465] {strides = array<i32>} : memref<2x10112xi32, #tpu.memory_space<vmem>>, vector<16xi32>,
      %parallel_loop3A_467 = arith.constant 16 : i32
      %parallel_loop3A_468 = arith.muli %parallel_loop3A_458, %parallel_loop3A_467 : i32
      %parallel_loop3A_469 = arith.addi %sub3A_37, %parallel_loop3A_468 : i32
      %parallel_loop3A_470 = arith.constant 1 : i32
      %parallel_loop3A_471 = arith.index_cast %parallel_loop3A_470 : i32 to index
      %parallel_loop3A_472 = arith.index_cast %parallel_loop3A_469 : i32 to index
      %parallel_loop3A_473 = tpu.vector_load %arg9[%parallel_loop3A_471, %parallel_loop3A_472] {strides = array<i32>} : memref<2x10112xi32, #tpu.memory_space<vmem>>, vector<16xi32>,
      %parallel_loop3A_474 = tpu.vector_load_idx %arg6[%parallel_loop3A_466] : memref<10240xf32, #tpu.memory_space<vmem>>[vector<16xi32>], vector<16xf32>,
      %parallel_loop3A_475 = tpu.vector_load_idx %arg7[%parallel_loop3A_473] : memref<10240xf32, #tpu.memory_space<vmem>>[vector<16xi32>], vector<16xf32>,
      %parallel_loop3A_476 = arith.mulf %parallel_loop3A_474, %parallel_loop3A_475 : vector<16xf32>
      %parallel_loop3A_477 = arith.addf %parallel_loop3A_459, %parallel_loop3A_476 : vector<16xf32>
      scf.yield %parallel_loop3A_477 : vector<16xf32>
    } {sc.loop_unroll_factor = 8 : i64, sc.parallel_access}
    %swap3A = arith.constant 0 : index
    %swap3A_457 = tpu.vector_load %arg10[%swap3A] {strides = array<i32>} : memref<16xf32, #tpu.memory_space<vmem>>, vector<16xf32>,
    tpu.vector_store %arg10[%swap3A], %parallel_loop3A_456 {strides = array<i32>} : memref<16xf32, #tpu.memory_space<vmem>>, vector<16xf32>,
    "tpu.region"() ({
      %run_scoped3A = tpu.sem_alloc : memref<!tpu.dma_semaphore, #tpu.memory_space<semaphore_mem>>
      %dma_start3A_458 = arith.constant 0 : i32
      %dma_start3A_459 = tpu.memref_slice %arg5[%add3A, %dma_start3A_458] : memref<32x16xf32, #tpu.memory_space<hbm>> -> memref<1x16xf32, #tpu.memory_space<hbm>>
      %dma_start3A_460 = tpu.memref_squeeze %dma_start3A_459 : memref<1x16xf32, #tpu.memory_space<hbm>> -> memref<16xf32, #tpu.memory_space<hbm>>
      %dma_start3A_461 = arith.constant 0 : i32
      %dma_start3A_462 = tpu.memref_slice %arg5[%add3A, %dma_start3A_461] : memref<32x16xf32, #tpu.memory_space<hbm>> -> memref<1x16xf32, #tpu.memory_space<hbm>>
      %dma_start3A_463 = tpu.memref_squeeze %dma_start3A_462 : memref<1x16xf32, #tpu.memory_space<hbm>> -> memref<16xf32, #tpu.memory_space<hbm>>
      tpu.enqueue_dma source(%arg10 : memref<16xf32, #tpu.memory_space<vmem>>) target(%dma_start3A_463 : memref<16xf32, #tpu.memory_space<hbm>>) target_semaphore(%run_scoped3A : memref<!tpu.dma_semaphore, #tpu.memory_space<semaphore_mem>>)
      %dma_wait3A_464 = arith.constant 0 : i32
      %dma_wait3A_465 = tpu.memref_slice %arg5[%add3A, %dma_wait3A_464] : memref<32x16xf32, #tpu.memory_space<hbm>> -> memref<1x16xf32, #tpu.memory_space<hbm>>
      %dma_wait3A_466 = tpu.memref_squeeze %dma_wait3A_465 : memref<1x16xf32, #tpu.memory_space<hbm>> -> memref<16xf32, #tpu.memory_space<hbm>>
      %dma_wait3A_467 = arith.constant 0 : i32
      %dma_wait3A_468 = tpu.memref_slice %arg5[%add3A, %dma_wait3A_467] : memref<32x16xf32, #tpu.memory_space<hbm>> -> memref<1x16xf32, #tpu.memory_space<hbm>>
      %dma_wait3A_469 = tpu.memref_squeeze %dma_wait3A_468 : memref<1x16xf32, #tpu.memory_space<hbm>> -> memref<16xf32, #tpu.memory_space<hbm>>
      tpu.wait_dma2 semaphore(%run_scoped3A : memref<!tpu.dma_semaphore, #tpu.memory_space<semaphore_mem>>) src(%arg10 : memref<16xf32, #tpu.memory_space<vmem>>) dst(%dma_wait3A_469 : memref<16xf32, #tpu.memory_space<hbm>>)
      tpu.yield
    }) : () -> ()
    return
  }
}

module attributes {stable_mosaic.version = 14 : i64} {
  func.func @_b_body(%arg0: i32, %arg1: memref<2048x256xf32, #tpu.memory_space<vmem>>, %arg2: memref<256x256xf32, #tpu.memory_space<vmem>>, %arg3: memref<1x256xf32, #tpu.memory_space<vmem>>, %arg4: memref<2048xf32, #tpu.memory_space<vmem>>) attributes {dimension_semantics = [#tpu.dimension_semantics<arbitrary>], iteration_bounds = array<i64: 5>, scalar_prefetch = 0 : i64, scratch_operands = 0 : i64, tpu.core_type = #tpu.core_type<tc>, window_params = [{transform_indices = @transform_0, window_bounds = array<i64: 2048, 256>}, {pipeline_mode = #tpu.pipeline_mode<synchronous>, transform_indices = @transform_1, window_bounds = array<i64: 256, 256>}, {pipeline_mode = #tpu.pipeline_mode<synchronous>, transform_indices = @transform_2, window_bounds = array<i64: 1, 256>}, {transform_indices = @transform_3, window_bounds = array<i64: 2048>}]} {
    %get3A = arith.constant 0 : index
    %get3A_0 = arith.constant 0 : index
    %get3A_1 = vector.load %arg2[%get3A, %get3A_0] : memref<256x256xf32, #tpu.memory_space<vmem>>, vector<256x256xf32>
    %get3A_2 = arith.constant 0 : index
    %get3A_3 = arith.constant 0 : index
    %get3A_4 = vector.load %arg1[%get3A_2, %get3A_3] : memref<2048x256xf32, #tpu.memory_space<vmem>>, vector<2048x256xf32>
    %dot_general3A = arith.constant dense<0.000000e+00> : vector<256x2048xf32>
    %dot_general3A_5 = tpu.matmul %get3A_1, %get3A_4, %dot_general3A {dimension_numbers = #tpu.dot_dimension_numbers<[1], [1], [0], [0], [0, 0, 1, 0], [], []>, transpose_lhs_hint = false} : vector<256x256xf32>, vector<2048x256xf32>, vector<256x2048xf32> -> vector<256x2048xf32>
    %get3A_6 = arith.constant 0 : index
    %get3A_7 = arith.constant 0 : index
    %get3A_8 = vector.load %arg3[%get3A_6, %get3A_7] : memref<1x256xf32, #tpu.memory_space<vmem>>, vector<1x256xf32>
    %transpose3A = tpu.transpose %get3A_8, [1, 0] : vector<1x256xf32> -> vector<256x1xf32>
    %add3A = vector.broadcast %transpose3A : vector<256x1xf32> to vector<256x2048xf32>
    %add3A_9 = arith.addf %dot_general3A_5, %add3A : vector<256x2048xf32>
    %max3A = arith.constant 0.000000e+00 : f32
    %max3A_10 = vector.broadcast %max3A : f32 to vector<256x2048xf32>
    %max3A_11 = arith.maximumf %add3A_9, %max3A_10 : vector<256x2048xf32>
    %broadcast_in_dim3A = arith.constant 1.000000e+00 : f32
    %broadcast_in_dim3A_12 = vector.broadcast %broadcast_in_dim3A : f32 to vector<1x256xf32>
    %dot_general3A_13 = arith.constant dense<0.000000e+00> : vector<1x2048xf32>
    %dot_general3A_14 = tpu.matmul %broadcast_in_dim3A_12, %max3A_11, %dot_general3A_13 {dimension_numbers = #tpu.dot_dimension_numbers<[1], [0], [0], [1], [0, 0, 1, 1], [], []>, transpose_lhs_hint = false} : vector<1x256xf32>, vector<256x2048xf32>, vector<1x2048xf32> -> vector<1x2048xf32>
    %mul3A = arith.constant 2048 : i32
    %mul3A_15 = arith.muli %arg0, %mul3A : i32
    %iota3A = tpu.iota {dimensions = array<i32: 1>} : vector<1x2048xi32>
    %add3A_16 = vector.broadcast %mul3A_15 : i32 to vector<1x2048xi32>
    %add3A_17 = arith.addi %add3A_16, %iota3A : vector<1x2048xi32>
    %lt3A = arith.constant 10000 : i32
    %lt3A_18 = vector.broadcast %lt3A : i32 to vector<1x2048xi32>
    %lt3A_19 = arith.cmpi slt, %add3A_17, %lt3A_18 : vector<1x2048xi32>
    %jit3A = arith.constant 0.000000e+00 : f32
    %broadcast_in_dim3A_20 = vector.broadcast %jit3A : f32 to vector<1x2048xf32>
    %select_n3A = arith.select %lt3A_19, %dot_general3A_14, %broadcast_in_dim3A_20 : vector<1x2048xi1>, vector<1x2048xf32>
    %reshape3A = vector.shape_cast %select_n3A : vector<1x2048xf32> to vector<2048xf32>
    %swap3A = arith.constant 0 : index
    %swap3A_21 = vector.load %arg4[%swap3A] : memref<2048xf32, #tpu.memory_space<vmem>>, vector<2048xf32>
    tpu.vector_store %arg4[%swap3A], %reshape3A {strides = array<i32>} : memref<2048xf32, #tpu.memory_space<vmem>>, vector<2048xf32>,
    return
  }
  func.func @transform_0(%arg0: i32) -> (i32, i32) {
    %c0_i32 = arith.constant 0 : i32
    %c0_i32_0 = arith.constant 0 : i32
    return %arg0, %c0_i32 : i32, i32
  }
  func.func @transform_1(%arg0: i32) -> (i32, i32) {
    %c0_i32 = arith.constant 0 : i32
    %c0_i32_0 = arith.constant 0 : i32
    %c0_i32_1 = arith.constant 0 : i32
    return %c0_i32, %c0_i32_0 : i32, i32
  }
  func.func @transform_2(%arg0: i32) -> (i32, i32) {
    %c0_i32 = arith.constant 0 : i32
    %c0_i32_0 = arith.constant 0 : i32
    %c0_i32_1 = arith.constant 0 : i32
    return %c0_i32, %c0_i32_0 : i32, i32
  }
  func.func @transform_3(%arg0: i32) -> i32 {
    %c0_i32 = arith.constant 0 : i32
    return %arg0 : i32
  }
}

</mosaic_0001>

<sc_bundles>
// kernel: kernel.4.cloned.1.call-start
scs
__scs_entry_jumppad:
0x0: {  	(pc) =	sbr.rel $0x88, $3  }
0x1: {  	(tag) =	ssettag $0x0;
	lr =	simm.s32 $0x1  }
0x2: {  	[smem:$0x3F9D] =	sst lr;
	_ =	strace $0xD0000000  }
0x3: {  	_ = 	snop  }
0x4: {  	_ = 	snop  }
0x5: {  	_ = 	snop  }
0x6: {  	_ = 	snop  }
0x7: {  	_ = 	snop  }
__scs_overlays_trampoline_lowered:
0x8: {  	[smem:$0x3FAC] =	sst s0  }
0x9: {  	[smem:$0x3FAD] =	sst s1  }
0xa: {  	[smem:$0x3FAE] =	sst s2  }
0xb: {  	[smem:$0x3FAF] =	sst s3  }
0xc: {  	[smem:$0x3FB0] =	sst s4  }
0xd: {  	[smem:$0x3FB1] =	sst s5  }
0xe: {  	[smem:$0x3FB2] =	sst s6  }
0xf: {  	[smem:$0x3FB3] =	sst s7  }
0x10: {  	[smem:$0x3FB4] =	sst s8  }
0x11: {  	[smem:$0x3FB5] =	sst s9;
	s0 =	simm.s32 @!p0 $0x0  }
0x12: {  	s1 =	sld [smem:$0x3F9B];
	s0 =	simm.s32 @p0 $0x1  }
0x13: {  	[smem:$0x3FB6] =	sst s0;
	s0 =	simm.s32 @!p1 $0x0  }
0x14: {  	s2 =	sld [smem:$0x3F9A];
	s0 =	simm.s32 @p1 $0x1  }
0x15: {  	[smem:$0x3FB7] =	sst s0;
	s0 =	simm.s32 @!p2 $0x0  }
0x16: {  	s3 =	sld [smem:$0x3FDB];
	s0 =	simm.s32 @p2 $0x1  }
0x17: {  	s4 =	simm.s32 $0x1BF5;
	[smem:$0x3FB9] =	sst s0  }
0x18: {  	s0 =	sld [smem:$0x3F9C];
	_ =	swait.ge [sflag:s4], $0x0  }
0x19: {  	s7 =	sld [smem:$0x3F9D]  }
0x1a: {  	s8 =	sadd.s32 $0xFFFFE003, lr  }
0x1b: {  	s9 =	sadd.s32 $0xFFFFFEF7, lr;
	s5 =	simm.s32 $0xFFFFFFFF;
	p2 =	slt.u32 s8, $0xFFFFF086  }
0x1c: {  	p1 =	slt.u32 s9, $0xF7A;
	s5 =	simm.s32 @!p2 $0x0  }
0x1d: {  	s5 =	simm.s32 @p1 $0x1;
	p0 =	seq.s32 s7, s2  }
0x1e: {  	s7 =	smul.u32 @!p0 $0xF7A, s2;
	p2 =	seq.s32 @!p0 s5, $0x0  }
0x1f: {  	s9 =	smul.u32 $0xF7A, s1;
	s8 =	simm.s32 @!p0 $0x1BF5;
	p2 =	por !p2, p0  }
0x20: {  	[sflag:s8] =	ssyncset.s32 @!p0 $0xFFFFF086;
	s6 =	sadd.s32 @!p0 s3, s7;
	s7 =	simm.s32 @!p0 $0x108  }
0x21: {  	s3 =	sadd.s32 s3, s9;
	s6 =	sadd.s32 @!p0 $0x88, s6;
	s7 =	simm.s32 @p2 $0x1082  }
0x22: {  	[simem:s7], [sflag:s8] =	dma.local @!p0 [hbm:s6], $0xF7A  }
0x23: {  	s9 =	sor.u32 $0xD0000000, s2;
	s6 =	simm.s32 $0x108;
	_ =	swait.ge @!p0 [sflag:s8], $0x0  }
0x24: {  	s3 =	sadd.s32 $0x88, s3;
	s6 =	simm.s32 @!p1 $0x1082;
	[sflag:s4] =	ssyncset.s32 $0xFFFFF086  }
0x25: {  	[simem:s6], [sflag:s4] =	dma.local [hbm:s3], $0xF7A  }
0x26: {  	[smem:$0x3F9D] =	sst s1;
	(tag) =	ssettag s2;
	_ =	strace s9  }
0x27: {  	s1 =	sld [smem:$0x3FAD]  }
0x28: {  	s2 =	sld [smem:$0x3FAE]  }
0x29: {  	s4 =	sld [smem:$0x3FB0]  }
0x2a: {  	p0 =	seq.s32 s5, $0x0;
	s5 =	sld [smem:$0x3FB1]  }
0x2b: {  	s6 =	sld [smem:$0x3FB2]  }
0x2c: {  	s7 =	sld [smem:$0x3FB3]  }
0x2d: {  	s3 =	simm.s32 $0x108;
	s8 =	sld [smem:$0x3FB4]  }
0x2e: {  	s3 =	simm.s32 @!p0 $0x1082;
	s9 =	sld [smem:$0x3FB5]  }
0x2f: {  	lr =	sadd.s32 s0, s3;
	s0 =	sld [smem:$0x3FAC]  }
0x30: {  	s3 =	sld [smem:$0x3FAF]  }
0x31: {  	[smem:$0x3FB8] =	sst s10  }
0x32: {  	s10 =	sld [smem:$0x3FB6];
	_ =	sdelay $0x3  }
0x33: {  	p0 =	seq.s32 s10, $0x1;
	s10 =	sld [smem:$0x3FB8];
	_ =	sdelay $0x3  }
0x34: {  	[smem:$0x3FB8] =	sst s10  }
0x35: {  	s10 =	sld [smem:$0x3FB7];
	_ =	sdelay $0x3  }
0x36: {  	p1 =	seq.s32 s10, $0x1;
	s10 =	sld [smem:$0x3FB8];
	_ =	sdelay $0x3  }
0x37: {  	[smem:$0x3FB8] =	sst s10  }
0x38: {  	s10 =	sld [smem:$0x3FB9]  }
0x39: {  	_ = 	snop;
	(pc) =	sbr.ind lr, $3  }
0x3a: {  	_ = 	snop  }
0x3b: {  	_ = 	snop  }
0x3c: {  	p2 =	seq.s32 s10, $0x1;
	s10 =	sld [smem:$0x3FB8]  }
0x3d: {  	_ =	shalt  }
0x3e: {  	_ =	shalt  }
0x3f: {  	_ =	shalt  }
0x40: {  	_ =	shalt  }
0x41: {  	_ =	shalt  }
0x42: {  	_ =	shalt  }
0x43: {  	_ =	shalt  }
0x44: {  	_ =	shalt  }
0x45: {  	_ =	shalt  }
0x46: {  	_ =	shalt  }
0x47: {  	_ =	shalt  }
0x48: {  	_ =	shalt  }
0x49: {  	_ =	shalt  }
0x4a: {  	_ =	shalt  }
0x4b: {  	_ =	shalt  }
0x4c: {  	_ =	shalt  }
0x4d: {  	_ =	shalt  }
0x4e: {  	_ =	shalt  }
0x4f: {  	_ =	shalt  }
0x50: {  	_ =	shalt  }
0x51: {  	_ =	shalt  }
0x52: {  	_ =	shalt  }
0x53: {  	_ =	shalt  }
0x54: {  	_ =	shalt  }
0x55: {  	_ =	shalt  }
0x56: {  	_ =	shalt  }
0x57: {  	_ =	shalt  }
0x58: {  	_ =	shalt  }
0x59: {  	_ =	shalt  }
0x5a: {  	_ =	shalt  }
0x5b: {  	_ =	shalt  }
0x5c: {  	_ =	shalt  }
0x5d: {  	_ =	shalt  }
0x5e: {  	_ =	shalt  }
0x5f: {  	_ =	shalt  }
0x60: {  	_ =	shalt  }
0x61: {  	_ =	shalt  }
0x62: {  	_ =	shalt  }
0x63: {  	_ =	shalt  }
0x64: {  	_ =	shalt  }
0x65: {  	_ =	shalt  }
0x66: {  	_ =	shalt  }
0x67: {  	_ =	shalt  }
0x68: {  	_ =	shalt  }
0x69: {  	_ =	shalt  }
0x6a: {  	_ =	shalt  }
0x6b: {  	_ =	shalt  }
0x6c: {  	_ =	shalt  }
0x6d: {  	_ =	shalt  }
0x6e: {  	_ =	shalt  }
0x6f: {  	_ =	shalt  }
0x70: {  	_ =	shalt  }
0x71: {  	_ =	shalt  }
0x72: {  	_ =	shalt  }
0x73: {  	_ =	shalt  }
0x74: {  	_ =	shalt  }
0x75: {  	_ =	shalt  }
0x76: {  	_ =	shalt  }
0x77: {  	_ =	shalt  }
0x78: {  	_ =	shalt  }
0x79: {  	_ =	shalt  }
0x7a: {  	_ =	shalt  }
0x7b: {  	_ =	shalt  }
0x7c: {  	_ =	shalt  }
0x7d: {  	_ =	shalt  }
0x7e: {  	_ =	shalt  }
0x7f: {  	_ =	shalt  }
0x80: {  	_ =	shalt  }
0x81: {  	_ =	shalt  }
0x82: {  	_ =	shalt  }
0x83: {  	_ =	shalt  }
0x84: {  	_ =	shalt  }
0x85: {  	_ =	shalt  }
0x86: {  	_ =	shalt  }
0x87: {  	_ =	shalt  }
.Lfunc_end0:
.L_simem_size_0:
called_computation_lowered:
.L_overlay_start_0:
0x88: {  	s2 =	sld [smem:$0x3FD9]  }
0x89: {  	s3 =	sld [smem:$0x3FFE];
	_ =	sdelay $0x1  }
0x8a: {  	s1 =	srdreg.scid  }
0x8b: {  	s0 =	sand.u32 $0x1, s1  }
0x8c: {  	s17 =	sshll.u32 s0, $0xA;
	s2 =	sadd.s32 s3, s2  }
0x8d: {  	s2 =	sadd.s32 s2, s17  }
0x8e: {  	[smem:$0x3FC4] =	sst s2  }
0x8f: {  	_ = 	snop  }
0x90: {  	s2 =	sld [smem:$0x3FC8];
	(tm) =	ssettm $0x1  }
0x91: {  	s18 =	sld [smem:$0x3FFB];
	_ =	sdelay $0x3  }
0x92: {  	_ =	strace s18  }
0x93: {  	s3 =	sld [smem:$0x3FFC];
	_ =	sdelay $0x3  }
0x94: {  	_ =	strace s3  }
0x95: {  	s3 =	sld [smem:$0x3FFD];
	_ =	sdelay $0x3  }
0x96: {  	_ =	strace s3  }
0x97: {  	_ =	strace $0x8FFFFFFF  }
0x98: {  	s19 =	sld [smem:$0x3FDB];
	_ =	sdelay $0x1  }
0x99: {  	s4 =	simm.s32 $_scs_section_size  }
0x9a: {  	s5 =	simm.s32 $_size__tile_overlayer_lowered;
	s6 =	simm.s32 $_tile_overlayer_lowered  }
0x9b: {  	s22 =	simm.s32 $0x1BFF;
	s21 =	sshll.u32 s6, $0x1;
	s3 =	sadd.s32 s4, s19  }
0x9c: {  	s7 =	simm.s32 $0x0;
	s20 =	sshll.u32 s5, $0x1;
	s5 =	sadd.s32 s21, s3  }
0x9d: {  	[timem:s7], [sflag:s22] =	dma.local [hbm:s5], s20  }
0x9e: {  	_ =	swait.ge [sflag:s22], s20  }
0x9f: {  	s4 =	ssub.s32 $0x0, s20;
	[sflag:s22] =	ssyncset.done $0x0  }
0xa0: {  	[sflag:s22] =	ssyncadd.s32 s4;
	_ =	sdelay $0x1  }
0xa1: {  	s23 =	simm.s32 $0x1B8B  }
0xa2: {  	_ =	swait.ge [sflag:s23], $0x1  }
0xa3: {  	[sflag:s23] =	ssyncset.done $0x0  }
0xa4: {  	s25 =	simm.s32 $0x1B8E;
	s24 =	sld [smem:$0x3FFE];
	[sflag:s23] =	ssyncadd.s32 $0xFFFFFFFF  }
0xa5: {  	s26 =	simm.s32 $execute0_lowered;
	[smem:$0x3FD2] =	sst s25  }
0xa6: {  	s5 =	sshll.u32 s26, $0x1;
	_ =	strace $0x80000046;
	[dreg:$0x1] =	wrdreg $0xFFFFFFFF  }
0xa7: {  	s28 =	simm.s32 $_size_execute0_lowered;
	s3 =	sadd.s32 s3, s5;
	[dreg:$0x0] =	wrdreg $0x0  }
0xa8: {  	s5 =	sshll.u32 s28, $0x1;
	[dreg:$0x2] =	wrdreg s3  }
0xa9: {  	[dreg:$0x3] =	wrdreg s5  }
0xaa: {  	[dreg:$0x4] =	wrdreg $0xC0  }
0xab: {  	_ =	task [dreg:s7], $0x5FFFF  }
0xac: {  	[dreg:$0x1] =	wrdreg $0xFFFFFFFF  }
0xad: {  	[dreg:$0x0] =	wrdreg $0x60  }
0xae: {  	[dreg:$0x2] =	wrdreg s24  }
0xaf: {  	[dreg:$0x3] =	wrdreg s2  }
0xb0: {  	[dreg:$0x4] =	wrdreg $0xF2000  }
0xb1: {  	[dreg:$0x5] =	wrdreg $0x11A000  }
0xb2: {  	[dreg:$0x6] =	wrdreg $0x9  }
0xb3: {  	_ =	task.clear_ibuf [dreg:s7], $0x7FFFF;
	_ =	strace $0x90000046  }
0xb4: {  	s29 =	simm.s32 $0x9;
	_ =	strace $0x80000048  }
0xb5: {  	_ =	swait.ge [sflag:s29], $0x1  }
0xb6: {  	[sflag:s29] =	ssyncadd.s32 $0xFFFFFFFF  }
0xb7: {  	_ =	strace $0x90000048  }
0xb8: {  	_ =	sfence  }
0xb9: {  	s30 =	sld [smem:$0x0];
	_ =	sdelay $0x2  }
0xba: {  	s31 =	sshll.u32 s1, $0xD;
	s1 =	sshrl.u32 s1, $0x2  }
0xbb: {  	s3 =	sand.u32 $0x4000, s31;
	s1 =	sadd.s32 s1, s30  }
0xbc: {  	s0 =	sor.u32 s3, s0;
	s1 =	sshll.u32 s1, $0x11  }
0xbd: {  	s0 =	sor.u32 s1, s0  }
0xbe: {  	s0 =	sadd.s32 $0x8F2B, s0  }
0xbf: {  	[sflag:s0] =	ssyncadd.remote.s32 $0x1  }
0xc0: {  	_ =	sfence.sel $0xFFFF  }
0xc1: {  	[dreg:$0x0] =	wrdreg $0xFFFFFFFF;
	(pc) =	sbr.abs _section_cstart, $3  }
0xc2: {  	[dreg:$0x1] =	wrdreg $0xFFFFFFFF  }
0xc3: {  	_ =	task.clear_ibuf [dreg:s7], $0x2FFFF;
	_ =	strace $0x9FFFFFFF  }
0xc4: {  	(tm) =	ssettm $0x7FFFFFFF  }
0xc5: {  	_ =	shalt  }
tec
execute0_lowered:
.L_overlay_start_1:
0x0: {  	(tag) =	ssettag $0x1  }
0x1: {  	s0 =	srdreg.scid  }
0x2: {  	s1 =	sand.u32 $0x1, s0  }
0x3: {  	s14 =	stileid.u32;
	s0 =	sshll.u32 s1, $0x4  }
0x4: {  	s7 =	rddreg [dreg:$0x1];
	s8 =	smul.u32 $0x9C4, s14;
	s0 =	sor.u32 s14, s0  }
0x5: {  	s2 =	sshll.u32 s14, $0x7;
	s5 =	ssub.s32 $0x2, s1;
	s6 =	smul.u32 $0x1390, s0  }
0x6: {  	s3 =	sand.u32 $0x380, s2;
	s15 =	sshrl.u32 s5, $0x1;
	s8 =	sand.u32 $0xFFE0, s8  }
0x7: {  	s4 =	sshll.u32 s0, $0x7;
	p0 =	seq.s32 s0, $0x1F;
	s2 =	sand.u32 $0x3FF80, s6  }
0x8: {  	s0 =	ssub.s32 s5, s15;
	s4 =	sand.u32 $0xC00, s4;
	s2 =	simm.s32 @p0 $0x25D00  }
0x9: {  	s4 =	sor.u32 s3, s4;
	s5 =	ssub.s32 s6, s2;
	s9 =	sshrl.u32 s2, $0x2  }
0xa: {  	s6 =	sand.u32 $0x70, s6;
	s9 =	sadd.s32 s7, s9;
	s16 =	sadd.s32 $0x1290, s5  }
0xb: {  	s7 =	sadd.s32 s7, s8;
	s18 =	sadd.s32 $0x12A0, s5;
	s11 =	sadd.s32 $0x12B0, s5  }
0xc: {  	s21 =	sadd.s32 $0x12C0, s5;
	s23 =	sadd.s32 $0x12D0, s5;
	s28 =	sadd.s32 $0x12E0, s5  }
0xd: {  	s29 =	sadd.s32 $0x12F0, s5;
	s12 =	sadd.s32 $0x1320, s5;
	[dreg:$0x5] =	wrdreg s9  }
0xe: {  	[dreg:$0x6] =	wrdreg s7;
	s17 =	sshll.u32 s16, $0x1;
	s9 =	sand.u32 $0x70, s16  }
0xf: {  	s10 =	sshll.u32 s18, $0x1;
	s8 =	sand.u32 $0x70, s18;
	s19 =	sshll.u32 s11, $0x1  }
0x10: {  	s20 =	sand.u32 $0x70, s11;
	s22 =	sshll.u32 s21, $0x1;
	s24 =	sshll.u32 s23, $0x1  }
0x11: {  	s25 =	sand.u32 $0x70, s23;
	s30 =	sand.u32 $0x70, s28;
	s31 =	sshll.u32 s29, $0x1  }
0x12: {  	s13 =	sshll.u32 s12, $0x1;
	s7 =	sand.u32 $0xFFFFFF00, s17;
	s10 =	sand.u32 $0xFFFFFF00, s10  }
0x13: {  	s26 =	sand.u32 $0xFFFFFF00, s24;
	s7 =	sor.u32 s9, s7;
	s16 =	sor.u32 s8, s10  }
0x14: {  	s9 =	sand.u32 $0x70, s21;
	s8 =	sand.u32 $0x70, s29;
	s10 =	sand.u32 $0xFFFFFF00, s31  }
0x15: {  	s29 =	sadd.s32 $0x1350, s5;
	s31 =	sadd.s32 $0x1360, s5;
	[dreg:$0x7] =	wrdreg s7  }
0x16: {  	s7 =	sand.u32 $0xFFFFFF00, s19;
	s19 =	sor.u32 s25, s26;
	s15 =	sor.u32 s8, s10  }
0x17: {  	s10 =	sadd.s32 $0x1310, s5;
	s26 =	sadd.s32 $0x1340, s5;
	s17 =	sor.u32 s20, s7  }
0x18: {  	s7 =	sand.u32 $0xFFFFFF00, s22;
	s11 =	sshll.u32 s10, $0x1;
	s8 =	sand.u32 $0x70, s10  }
0x19: {  	s20 =	sadd.s32 $0x1330, s5;
	s10 =	sshll.u32 s31, $0x1;
	s18 =	sor.u32 s9, s7  }
0x1a: {  	s7 =	sshll.u32 s28, $0x1;
	s9 =	sshll.u32 s5, $0x1;
	s21 =	sshll.u32 s20, $0x1  }
0x1b: {  	s25 =	sand.u32 $0x70, s20;
	s28 =	sshll.u32 s26, $0x1;
	s5 =	sadd.s32 $0x1370, s5  }
0x1c: {  	s7 =	sand.u32 $0xFFFFFF00, s7;
	s20 =	sand.u32 $0x70, s5;
	s5 =	sshll.u32 s5, $0x1  }
0x1d: {  	s22 =	sor.u32 s30, s7;
	s7 =	sand.u32 $0xFFFFFF00, s9;
	s9 =	sand.u32 $0xFFFFFF00, s13  }
0x1e: {  	s30 =	sshll.u32 s29, $0x1;
	s5 =	sand.u32 $0xFFFFFF00, s5;
	s6 =	sor.u32 s6, s7  }
0x1f: {  	s7 =	sand.u32 $0x70, s12;
	s12 =	sshrl.u32 s14, $0x3;
	[dreg:$0xe] =	wrdreg s6  }
0x20: {  	s6 =	sand.u32 $0xFFFFFF00, s11;
	s24 =	sor.u32 s7, s9;
	s7 =	sand.u32 $0x70, s29  }
0x21: {  	s9 =	sand.u32 $0xFFFFFF00, s30;
	s11 =	sand.u32 $0x70, s31;
	s13 =	smul.u32 $0x50000, s12  }
0x22: {  	s31 =	rddreg [dreg:$0x2];
	s12 =	smul.u32 $0x2720, s14;
	s30 =	sor.u32 s20, s5  }
0x23: {  	s20 =	sshll.u32 s2, $0x1;
	s23 =	sor.u32 s8, s6;
	s6 =	sand.u32 $0xFFFFFF00, s21  }
0x24: {  	s8 =	sand.u32 $0x70, s26;
	s21 =	smul.u32 $0x5000, s14;
	s25 =	sor.u32 s25, s6  }
0x25: {  	s6 =	sand.u32 $0xFFFFFF00, s28;
	s28 =	sor.u32 s7, s9;
	s9 =	sadd.s32 $0xFFFFFFFF, s14  }
0x26: {  	s26 =	sor.u32 s8, s6;
	s6 =	sand.u32 $0xFFFFFF00, s10;
	s10 =	smul.u32 $0x27200, s1  }
0x27: {  	s1 =	smul.u32 $0x13900, s1;
	s8 =	sand.u32 $0x7, s14;
	s29 =	sor.u32 s11, s6  }
0x28: {  	s6 =	sshrl.u32 s13, $0x2;
	s13 =	sshrl.u32 s21, $0x2;
	s21 =	smul.u32 $0x1390, s14  }
0x29: {  	s11 =	sand.u32 $0x7, s9;
	s6 =	sadd.s32 s6, s31;
	s12 =	sadd.s32 s12, s10  }
0x2a: {  	s31 =	sadd.s32 s13, s31;
	s5 =	sshll.u32 s11, $0x6;
	s13 =	sadd.s32 $0x1, s14  }
0x2b: {  	s3 =	sadd.s32 s3, s6;
	s20 =	ssub.s32 s12, s20;
	s1 =	sadd.s32 s21, s1  }
0x2c: {  	[dreg:$0x16] =	wrdreg s3;
	s3 =	sshll.u32 s8, $0x7;
	s1 =	ssub.s32 s1, s2  }
0x2d: {  	s7 =	sadd.s32 $0x3FC, s3;
	s12 =	sadd.s32 $0x80, s3;
	s9 =	sadd.s32 $0x300, s3  }
0x2e: {  	s10 =	sand.u32 $0x400, s7;
	s21 =	sand.u32 $0x400, s12;
	s7 =	sand.u32 $0x7, s13  }
0x2f: {  	s11 =	sand.u32 $0x400, s9;
	s13 =	sadd.s32 $0x100, s3;
	s6 =	sshll.u32 s7, $0x6  }
0x30: {  	s2 =	sor.u32 s5, s10;
	s10 =	sadd.s32 $0x6, s14;
	s5 =	sor.u32 s6, s21  }
0x31: {  	s12 =	sand.u32 $0x7, s10;
	s21 =	sadd.s32 $0x2, s14;
	s10 =	sand.u32 $0x400, s13  }
0x32: {  	s13 =	sadd.s32 $0x5, s14;
	s7 =	sshll.u32 s12, $0x6;
	s12 =	sadd.s32 $0x280, s3  }
0x33: {  	s6 =	sor.u32 s7, s11;
	s11 =	sand.u32 $0x7, s21;
	s21 =	sand.u32 $0x7, s13  }
0x34: {  	s13 =	sadd.s32 $0x3, s14;
	s9 =	sshll.u32 s11, $0x6;
	s11 =	sshll.u32 s21, $0x6  }
0x35: {  	s21 =	sand.u32 $0x7, s13;
	s7 =	sor.u32 s9, s10;
	s9 =	sand.u32 $0x400, s12  }
0x36: {  	s10 =	sadd.s32 $0x180, s3;
	s12 =	sshll.u32 s21, $0x6;
	s21 =	simm.s32 $0x0  }
0x37: {  	s9 =	sor.u32 s11, s9;
	s11 =	sand.u32 $0x400, s10;
	[smem:$0x7FF] =	sst s21  }
0x38: {  	s10 =	sshll.u32 s14, $0x4;
	s12 =	sor.u32 s12, s11;
	s11 =	rddreg [dreg:$0x0]  }
0x39: {  	s13 =	sand.u32 $0x70, s10;
	s10 =	rddreg [dreg:$0x3]  }
0x3a: {  	s0 =	smax.u32 s0, $0x1;
	[dreg:$0x18] =	wrdreg s13  }
0x3b: {  	_ =	strace $0x80000047;
	[dreg:$0x1c] =	wrdreg s0  }
0x3c: {  	[dreg:$0x8] =	wrdreg s16  }
0x3d: {  	[dreg:$0x9] =	wrdreg s17  }
0x3e: {  	[dreg:$0xa] =	wrdreg s18  }
0x3f: {  	[dreg:$0xb] =	wrdreg s19  }
0x40: {  	[dreg:$0xc] =	wrdreg s22  }
0x41: {  	[dreg:$0xd] =	wrdreg s15  }
0x42: {  	[dreg:$0xf] =	wrdreg s23  }
0x43: {  	[dreg:$0x10] =	wrdreg s24  }
0x44: {  	[dreg:$0x11] =	wrdreg s25  }
0x45: {  	[dreg:$0x12] =	wrdreg s26  }
0x46: {  	[dreg:$0x13] =	wrdreg s28  }
0x47: {  	s4 =	sshrl.u32 s4, $0x3;
	[dreg:$0x14] =	wrdreg s29  }
0x48: {  	s4 =	sadd.s32 s4, s11;
	[dreg:$0x15] =	wrdreg s30  }
0x49: {  	s4 =	sadd.s32 $0x1400, s4;
	[dreg:$0x17] =	wrdreg s31  }
0x4a: {  	s3 =	sadd.s32 $0x200, s3;
	s16 =	sadd.s32 $0x5000, s16;
	[dreg:$0x1b] =	wrdreg s4  }
0x4b: {  	s3 =	sand.u32 $0x400, s3;
	s17 =	sadd.s32 $0x5000, s17;
	[dreg:$0x1f] =	wrdreg s16  }
0x4c: {  	s13 =	sxor.u32 $0x40, s13;
	s18 =	sadd.s32 $0x5000, s18;
	[smem:$0x7A2] =	sst s17  }
0x4d: {  	s13 =	sshll.u32 s13, $0x2;
	s19 =	sadd.s32 $0x5000, s19;
	[smem:$0x7A3] =	sst s18  }
0x4e: {  	s3 =	sor.u32 s13, s3;
	s13 =	sadd.s32 $0x800, s11;
	[smem:$0x7A4] =	sst s19  }
0x4f: {  	s11 =	sadd.s32 $0xE00, s11;
	[dreg:$0x19] =	wrdreg s13  }
0x50: {  	s4 =	sadd.s32 $0x20, s1;
	[dreg:$0x1a] =	wrdreg s11  }
0x51: {  	s16 =	sadd.s32 $0x5000, s26;
	[dreg:$0x1d] =	wrdreg s4  }
0x52: {  	s17 =	sadd.s32 $0x5000, s28;
	[smem:$0x7AA] =	sst s16  }
0x53: {  	s18 =	sadd.s32 $0x5000, s29;
	[smem:$0x7AB] =	sst s17  }
0x54: {  	s19 =	sadd.s32 $0x5000, s30;
	[smem:$0x7AC] =	sst s18  }
0x55: {  	s26 =	sadd.s32 $0x280, s31;
	[smem:$0x7AD] =	sst s19  }
0x56: {  	s28 =	sadd.s32 $0x300, s31;
	[smem:$0x7B2] =	sst s26  }
0x57: {  	s29 =	sadd.s32 $0x380, s31;
	[smem:$0x7B3] =	sst s28  }
0x58: {  	s30 =	sadd.s32 $0x14000, s31;
	s11 =	sshll.u32 s8, $0x6;
	[smem:$0x7B4] =	sst s29  }
0x59: {  	s4 =	sor.u32 $0x200, s2;
	s13 =	sor.u32 $0x200, s6;
	[smem:$0x7B5] =	sst s30  }
0x5a: {  	s16 =	sadd.s32 $0x14300, s31;
	s2 =	sshrl.u32 s13, $0x2;
	s13 =	rddreg [dreg:$0x7]  }
0x5b: {  	s6 =	sor.u32 $0x200, s9;
	s17 =	sadd.s32 $0x14380, s31;
	[smem:$0x7BB] =	sst s16  }
0x5c: {  	s3 =	sor.u32 $0x200, s3;
	s19 =	sadd.s32 $0x400, s31;
	[smem:$0x7BC] =	sst s17  }
0x5d: {  	s26 =	sadd.s32 $0x880, s31;
	s28 =	sadd.s32 $0xC80, s31;
	[smem:$0x7BE] =	sst s19  }
0x5e: {  	s29 =	sadd.s32 $0x1080, s31;
	s30 =	sadd.s32 $0x500, s31;
	[smem:$0x7C3] =	sst s26  }
0x5f: {  	s9 =	sshrl.u32 s11, $0x2;
	s11 =	sshrl.u32 s5, $0x2;
	[smem:$0x7C4] =	sst s28  }
0x60: {  	s5 =	sshrl.u32 s7, $0x2;
	s8 =	sshrl.u32 s3, $0x2;
	[smem:$0x7C5] =	sst s29  }
0x61: {  	s1 =	sshrl.u32 s6, $0x2;
	s3 =	sadd.s32 $0x5000, s22;
	[smem:$0x7C6] =	sst s30  }
0x62: {  	s6 =	sshrl.u32 s4, $0x2;
	s4 =	sadd.s32 $0x5000, s15;
	[smem:$0x7A5] =	sst s3  }
0x63: {  	s7 =	sshrl.u32 s12, $0x2;
	s12 =	sadd.s32 $0x5000, s23;
	[smem:$0x7A6] =	sst s4  }
0x64: {  	s15 =	sadd.s32 $0x5000, s25;
	[smem:$0x7A7] =	sst s12  }
0x65: {  	s22 =	sadd.s32 $0x80, s31;
	[smem:$0x7A9] =	sst s15  }
0x66: {  	s23 =	sadd.s32 $0x100, s31;
	[smem:$0x7AE] =	sst s22  }
0x67: {  	s25 =	sadd.s32 $0x200, s31;
	[smem:$0x7AF] =	sst s23  }
0x68: {  	s16 =	sadd.s32 $0x1180, s31;
	[smem:$0x7B1] =	sst s25  }
0x69: {  	s17 =	sadd.s32 $0x600, s31;
	[smem:$0x7CD] =	sst s16  }
0x6a: {  	s19 =	sadd.s32 $0xE00, s31;
	[smem:$0x7CE] =	sst s17  }
0x6b: {  	s26 =	sadd.s32 $0x1280, s31;
	[smem:$0x7D0] =	sst s19  }
0x6c: {  	s28 =	sadd.s32 $0x700, s31;
	[smem:$0x7D5] =	sst s26  }
0x6d: {  	s29 =	sadd.s32 $0xB00, s31;
	[smem:$0x7D6] =	sst s28  }
0x6e: {  	s30 =	sadd.s32 $0xF00, s31;
	[smem:$0x7D7] =	sst s29  }
0x6f: {  	s0 =	sadd.s32 $0x5000, s13;
	[smem:$0x7D8] =	sst s30  }
0x70: {  	s13 =	sadd.s32 $0x5000, s24;
	[dreg:$0x1e] =	wrdreg s0  }
0x71: {  	s24 =	sadd.s32 $0x180, s31;
	[smem:$0x7A8] =	sst s13  }
0x72: {  	s3 =	sadd.s32 $0x14080, s31;
	[smem:$0x7B0] =	sst s24  }
0x73: {  	s4 =	sadd.s32 $0x14100, s31;
	[smem:$0x7B6] =	sst s3  }
0x74: {  	s12 =	sadd.s32 $0x14180, s31;
	[smem:$0x7B7] =	sst s4  }
0x75: {  	s15 =	smul.u32 $0x280, s14;
	s14 =	sadd.s32 $0x14280, s31;
	[smem:$0x7B8] =	sst s12  }
0x76: {  	s22 =	sadd.s32 $0x800, s31;
	[smem:$0x7BA] =	sst s14  }
0x77: {  	s23 =	sadd.s32 $0xC00, s31;
	[smem:$0x7BF] =	sst s22  }
0x78: {  	s25 =	sadd.s32 $0x480, s31;
	[smem:$0x7C0] =	sst s23  }
0x79: {  	s16 =	sadd.s32 $0x14800, s31;
	[smem:$0x7C2] =	sst s25  }
0x7a: {  	s17 =	sadd.s32 $0x14C00, s31;
	[smem:$0x7DF] =	sst s16  }
0x7b: {  	s19 =	sadd.s32 $0x14480, s31;
	[smem:$0x7E0] =	sst s17  }
0x7c: {  	s26 =	sadd.s32 $0x14900, s31;
	[smem:$0x7E2] =	sst s19  }
0x7d: {  	s28 =	sadd.s32 $0x14D00, s31;
	[smem:$0x7E7] =	sst s26  }
0x7e: {  	s29 =	sadd.s32 $0x15100, s31;
	[smem:$0x7E8] =	sst s28  }
0x7f: {  	s30 =	sadd.s32 $0x14580, s31;
	[smem:$0x7E9] =	sst s29  }
0x80: {  	s13 =	sadd.s32 $0x14200, s31;
	[smem:$0x7EA] =	sst s30  }
0x81: {  	s24 =	sadd.s32 $0x1000, s31;
	[smem:$0x7B9] =	sst s13  }
0x82: {  	s3 =	sadd.s32 $0x900, s31;
	[smem:$0x7C1] =	sst s24  }
0x83: {  	s4 =	sadd.s32 $0xD00, s31;
	[smem:$0x7C7] =	sst s3  }
0x84: {  	s12 =	sadd.s32 $0x580, s31;
	[smem:$0x7C8] =	sst s4  }
0x85: {  	s14 =	sadd.s32 $0xD80, s31;
	[smem:$0x7CA] =	sst s12  }
0x86: {  	s22 =	sadd.s32 $0x1200, s31;
	[smem:$0x7CC] =	sst s14  }
0x87: {  	s23 =	sadd.s32 $0x680, s31;
	[smem:$0x7D1] =	sst s22  }
0x88: {  	s25 =	sadd.s32 $0xE80, s31;
	[smem:$0x7D2] =	sst s23  }
0x89: {  	s16 =	sadd.s32 $0x15200, s31;
	[smem:$0x7D4] =	sst s25  }
0x8a: {  	s17 =	sadd.s32 $0x14680, s31;
	[smem:$0x7F1] =	sst s16  }
0x8b: {  	s19 =	sadd.s32 $0x14E80, s31;
	[smem:$0x7F2] =	sst s17  }
0x8c: {  	s26 =	sadd.s32 $0x15300, s31;
	[smem:$0x7F4] =	sst s19  }
0x8d: {  	s28 =	sadd.s32 $0x14780, s31;
	[smem:$0x7F9] =	sst s26  }
0x8e: {  	s29 =	sadd.s32 $0x14B80, s31;
	[smem:$0x7FA] =	sst s28  }
0x8f: {  	s30 =	sadd.s32 $0x14F80, s31;
	[smem:$0x7FB] =	sst s29  }
0x90: {  	s18 =	sadd.s32 s15, s10;
	[smem:$0x7FC] =	sst s30  }
0x91: {  	s10 =	sadd.s32 $0x1100, s31;
	[smem:$0x7BD] =	sst s18  }
0x92: {  	s13 =	sadd.s32 $0x980, s31;
	[smem:$0x7C9] =	sst s10  }
0x93: {  	s24 =	sadd.s32 $0xA80, s31;
	[smem:$0x7CB] =	sst s13  }
0x94: {  	s3 =	sadd.s32 $0x1300, s31;
	[smem:$0x7D3] =	sst s24  }
0x95: {  	s4 =	sadd.s32 $0x780, s31;
	[smem:$0x7D9] =	sst s3  }
0x96: {  	s12 =	sadd.s32 $0xF80, s31;
	[smem:$0x7DA] =	sst s4  }
0x97: {  	s14 =	sadd.s32 $0x14400, s31;
	[smem:$0x7DC] =	sst s12  }
0x98: {  	s22 =	sadd.s32 $0x14880, s31;
	[smem:$0x7DE] =	sst s14  }
0x99: {  	s23 =	sadd.s32 $0x14C80, s31;
	[smem:$0x7E3] =	sst s22  }
0x9a: {  	s25 =	sadd.s32 $0x14500, s31;
	[smem:$0x7E4] =	sst s23  }
0x9b: {  	s18 =	sadd.s32 $0xA00, s31;
	[smem:$0x7E6] =	sst s25  }
0x9c: {  	s10 =	sadd.s32 $0xB80, s31;
	[smem:$0x7CF] =	sst s18  }
0x9d: {  	s13 =	sadd.s32 $0x1380, s31;
	[smem:$0x7DB] =	sst s10  }
0x9e: {  	s24 =	sadd.s32 $0x15080, s31;
	[smem:$0x7DD] =	sst s13  }
0x9f: {  	s3 =	sadd.s32 $0x14980, s31;
	[smem:$0x7E5] =	sst s24  }
0xa0: {  	s4 =	sadd.s32 $0x14D80, s31;
	[smem:$0x7EB] =	sst s3  }
0xa1: {  	s12 =	sadd.s32 $0x14600, s31;
	[smem:$0x7EC] =	sst s4  }
0xa2: {  	s14 =	sadd.s32 $0x14E00, s31;
	[smem:$0x7EE] =	sst s12  }
0xa3: {  	s22 =	sadd.s32 $0x15280, s31;
	[smem:$0x7F0] =	sst s14  }
0xa4: {  	s23 =	sadd.s32 $0x14700, s31;
	[smem:$0x7F5] =	sst s22  }
0xa5: {  	s25 =	sadd.s32 $0x14F00, s31;
	[smem:$0x7F6] =	sst s23  }
0xa6: {  	s18 =	sadd.s32 $0x15000, s31;
	[smem:$0x7F8] =	sst s25  }
0xa7: {  	s10 =	sadd.s32 $0x15180, s31;
	[smem:$0x7E1] =	sst s18  }
0xa8: {  	v7 =	vmov s6;
	s13 =	sadd.s32 $0x14A00, s31;
	[smem:$0x7ED] =	sst s10  }
0xa9: {  	s24 =	sadd.s32 $0x14B00, s31;
	[smem:$0x7EF] =	sst s13  }
0xaa: {  	v2 =	vmov s5;
	s5 =	simm.s32 $0x3;
	v6 =	vmov s2;
	s18 =	sadd.s32 $0x14A80, s31;
	[smem:$0x7F7] =	sst s24  }
0xab: {  	v0 =	vmov s9;
	v3 =	vmov s7;
	s7 =	simm.s32 $0x0;
	s31 =	sadd.s32 $0x15380, s31;
	[smem:$0x7F3] =	sst s18  }
0xac: {  	v1 =	vmov s11;
	v4 =	vmov s8;
	v5 =	vmov s1;
	s0 =	simm.s32 $0x2800;
	s4 =	simm.s32 $0x4;
	[smem:$0x7FD] =	sst s31  }
.LBB2_1:
0xad: {  	s1 =	rddreg [dreg:$0x19]  }
0xae: {  	[tilespmem:s21], [sflag:$0x1] =	stream.linear.gather [hbm4b:s1+s21], $0x2800, $0x38;
	[tilespmem:$0x11C80] =	vst v63  }
0xaf: {  	s26 =	rddreg [dreg:$0x5];
	s2 =	simm.s32 $0x5000  }
0xb0: {  	[tilespmem:s2], [sflag:$0x1] =	stream.linear.gather [hbm4b:s26+s21], $0x2800, $0x38;
	[tilespmem:$0x11C80] =	vst v63  }
0xb1: {  	s28 =	rddreg [dreg:$0x1a]  }
0xb2: {  	[tilespmem:s0], [sflag:$0x1] =	stream.linear.gather [hbm4b:s28+s21], $0x2800, $0x38;
	[tilespmem:$0x11C80] =	vst v63  }
0xb3: {  	s29 =	rddreg [dreg:$0x6];
	s30 =	simm.s32 $0x7800;
	s31 =	simm.s32 $0x1  }
0xb4: {  	[tilespmem:s30], [sflag:$0x2] =	stream.linear.gather [hbm4b:s29+s21], $0x4F00, $0x38;
	[tilespmem:$0x11C80] =	vst v63  }
0xb5: {  	_ =	swait.ge [sflag:s31], $0x2800  }
0xb6: {  	[sflag:s31] =	ssyncset.done $0x0  }
0xb7: {  	[sflag:s31] =	ssyncadd.s32 $0xFFFFD800  }
0xb8: {  	_ =	swait.ge [sflag:s31], $0x2800  }
0xb9: {  	[sflag:s31] =	ssyncset.done $0x0  }
0xba: {  	[sflag:s31] =	ssyncadd.s32 $0xFFFFD800  }
0xbb: {  	_ =	swait.ge [sflag:s31], $0x2800  }
0xbc: {  	[sflag:s31] =	ssyncset.done $0x0  }
0xbd: {  	s2 =	simm.s32 $0x0;
	s1 =	rddreg [dreg:$0x1d];
	[sflag:s31] =	ssyncadd.s32 $0xFFFFD800  }
.LBB2_2:
0xbe: {  	s8 =	sadd.s32 $0xFFFFFFE0, s1;
	s9 =	sadd.s32 s2, s20  }
0xbf: {  	s8 =	sand.u32 $0x70, s8;
	s11 =	sand.u32 $0xFFFFFF00, s9  }
0xc0: {  	s8 =	sor.u32 s8, s11  }
0xc1: {  	v8 =	vld [tilespmem:s8+$0x5080];
	_ =	sdelay $0x4  }
0xc2: {  	v9 =	vld [tilespmem:s8+$0x5000];
	_ =	sdelay $0x2  }
0xc3: {  	v8 =	vld.idx.msk [tilespmem:v8+s21+$0x0], $0xffff;
	_ =	sdelay $0x2  }
0xc4: {  	s28 =	sadd.s32 $0xFFFFFFF0, s1;
	s29 =	sadd.s32 $0x20, s9  }
0xc5: {  	s11 =	sand.u32 $0xFFFFFF00, s29;
	s8 =	sand.u32 $0x70, s28  }
0xc6: {  	s8 =	sor.u32 s8, s11;
	[tilespmem:v9+s0+$0x0] =	vst.idx.add.f32.msk $0xffff, v8  }
0xc7: {  	v8 =	vld [tilespmem:s8+$0x5080];
	_ =	sdelay $0x4  }
0xc8: {  	v9 =	vld [tilespmem:s8+$0x5000];
	_ =	sdelay $0x2  }
0xc9: {  	v8 =	vld.idx.msk [tilespmem:v8+s21+$0x0], $0xffff;
	_ =	sdelay $0x2  }
0xca: {  	s30 =	sadd.s32 $0x40, s9  }
0xcb: {  	s31 =	sand.u32 $0x70, s1;
	s8 =	sand.u32 $0xFFFFFF00, s30  }
0xcc: {  	s8 =	sor.u32 s31, s8;
	[tilespmem:v9+s0+$0x0] =	vst.idx.add.f32.msk $0xffff, v8  }
0xcd: {  	v8 =	vld [tilespmem:s8+$0x5080];
	_ =	sdelay $0x4  }
0xce: {  	v9 =	vld [tilespmem:s8+$0x5000];
	_ =	sdelay $0x2  }
0xcf: {  	p1 =	sne.s32 s2, $0x24C0;
	v8 =	vld.idx.msk [tilespmem:v8+s21+$0x0], $0xffff  }
.Ltmp0:
0xd0: {  	_ = 	snop;
	(pc) =	sbr.rel @p1 .LBB2_2-.Ltmp0, $2  }
0xd1: {  	_ =	sdelay $0x2  }
0xd2: {  	s1 =	sadd.s32 $0x30, s1;
	s2 =	sadd.s32 $0x60, s2;
	[tilespmem:v9+s0+$0x0] =	vst.idx.add.f32.msk $0xffff, v8  }
.Ltmp1:
0xd3: {  	(pc) =	sbr.rel @p0 .LBB2_5-.Ltmp1, $1  }
0xd4: {  	_ =	sdelay $0x3  }
0xd5: {  	s1 =	rddreg [dreg:$0x1e]  }
0xd6: {  	v8 =	vld [tilespmem:s1+$0x80];
	_ =	sdelay $0x3  }
0xd7: {  	s28 =	rddreg [dreg:$0x7]  }
0xd8: {  	v9 =	vld [tilespmem:s28+$0x5000];
	_ =	sdelay $0x2  }
0xd9: {  	v8 =	vld.idx.msk [tilespmem:v8+s21+$0x0], $0xffff;
	_ =	sdelay $0x4  }
0xda: {  	s29 =	rddreg [dreg:$0x1f];
	[tilespmem:v9+s0+$0x0] =	vst.idx.add.f32.msk $0xffff, v8  }
0xdb: {  	v8 =	vld [tilespmem:s29+$0x80];
	_ =	sdelay $0x3  }
0xdc: {  	s30 =	rddreg [dreg:$0x8]  }
0xdd: {  	v9 =	vld [tilespmem:s30+$0x5000];
	_ =	sdelay $0x2  }
0xde: {  	v8 =	vld.idx.msk [tilespmem:v8+s21+$0x0], $0xffff;
	_ =	sdelay $0x2  }
0xdf: {  	s31 =	sld [smem:$0x7A2];
	_ =	sdelay $0x1  }
0xe0: {  	[tilespmem:v9+s0+$0x0] =	vst.idx.add.f32.msk $0xffff, v8  }
0xe1: {  	v8 =	vld [tilespmem:s31+$0x80];
	_ =	sdelay $0x3  }
0xe2: {  	s2 =	rddreg [dreg:$0x9]  }
0xe3: {  	v9 =	vld [tilespmem:s2+$0x5000];
	_ =	sdelay $0x2  }
0xe4: {  	v8 =	vld.idx.msk [tilespmem:v8+s21+$0x0], $0xffff;
	_ =	sdelay $0x2  }
0xe5: {  	s3 =	sld [smem:$0x7A3];
	_ =	sdelay $0x1  }
0xe6: {  	[tilespmem:v9+s0+$0x0] =	vst.idx.add.f32.msk $0xffff, v8  }
0xe7: {  	v8 =	vld [tilespmem:s3+$0x80];
	_ =	sdelay $0x3  }
0xe8: {  	s6 =	rddreg [dreg:$0xa]  }
0xe9: {  	v9 =	vld [tilespmem:s6+$0x5000];
	_ =	sdelay $0x2  }
0xea: {  	v8 =	vld.idx.msk [tilespmem:v8+s21+$0x0], $0xffff;
	_ =	sdelay $0x2  }
0xeb: {  	s8 =	sld [smem:$0x7A4];
	_ =	sdelay $0x1  }
0xec: {  	[tilespmem:v9+s0+$0x0] =	vst.idx.add.f32.msk $0xffff, v8  }
0xed: {  	v8 =	vld [tilespmem:s8+$0x80];
	_ =	sdelay $0x3  }
0xee: {  	s9 =	rddreg [dreg:$0xb]  }
0xef: {  	v9 =	vld [tilespmem:s9+$0x5000];
	_ =	sdelay $0x2  }
0xf0: {  	v8 =	vld.idx.msk [tilespmem:v8+s21+$0x0], $0xffff;
	_ =	sdelay $0x2  }
0xf1: {  	s10 =	sld [smem:$0x7A5];
	_ =	sdelay $0x1  }
0xf2: {  	[tilespmem:v9+s0+$0x0] =	vst.idx.add.f32.msk $0xffff, v8  }
0xf3: {  	v8 =	vld [tilespmem:s10+$0x80];
	_ =	sdelay $0x3  }
0xf4: {  	s11 =	rddreg [dreg:$0xc]  }
0xf5: {  	v9 =	vld [tilespmem:s11+$0x5000];
	_ =	sdelay $0x2  }
0xf6: {  	v8 =	vld.idx.msk [tilespmem:v8+s21+$0x0], $0xffff;
	_ =	sdelay $0x2  }
0xf7: {  	s12 =	sld [smem:$0x7A6];
	_ =	sdelay $0x1  }
0xf8: {  	[tilespmem:v9+s0+$0x0] =	vst.idx.add.f32.msk $0xffff, v8  }
0xf9: {  	v8 =	vld [tilespmem:s12+$0x80];
	_ =	sdelay $0x3  }
0xfa: {  	s13 =	rddreg [dreg:$0xd]  }
0xfb: {  	v9 =	vld [tilespmem:s13+$0x5000];
	_ =	sdelay $0x2  }
0xfc: {  	v8 =	vld.idx.msk [tilespmem:v8+s21+$0x0], $0xffff;
	_ =	sdelay $0x4  }
0xfd: {  	s14 =	rddreg [dreg:$0xe];
	[tilespmem:v9+s0+$0x0] =	vst.idx.add.f32.msk $0xffff, v8  }
0xfe: {  	v8 =	vld [tilespmem:s14+$0x7680];
	_ =	sdelay $0x4  }
0xff: {  	v9 =	vld [tilespmem:s14+$0x7600];
	_ =	sdelay $0x2  }
0x100: {  	v8 =	vld.idx.msk [tilespmem:v8+s21+$0x0], $0xffff;
	_ =	sdelay $0x2  }
0x101: {  	s2 =	sld [smem:$0x7A7];
	_ =	sdelay $0x1  }
0x102: {  	[tilespmem:v9+s0+$0x0] =	vst.idx.add.f32.msk $0xffff, v8  }
0x103: {  	v8 =	vld [tilespmem:s2+$0x80];
	_ =	sdelay $0x3  }
0x104: {  	s16 =	rddreg [dreg:$0xf]  }
0x105: {  	v9 =	vld [tilespmem:s16+$0x5000];
	_ =	sdelay $0x2  }
0x106: {  	v8 =	vld.idx.msk [tilespmem:v8+s21+$0x0], $0xffff;
	_ =	sdelay $0x2  }
0x107: {  	s17 =	sld [smem:$0x7A8];
	_ =	sdelay $0x1  }
0x108: {  	[tilespmem:v9+s0+$0x0] =	vst.idx.add.f32.msk $0xffff, v8  }
0x109: {  	v8 =	vld [tilespmem:s17+$0x80];
	_ =	sdelay $0x3  }
0x10a: {  	s18 =	rddreg [dreg:$0x10]  }
0x10b: {  	v9 =	vld [tilespmem:s18+$0x5000];
	_ =	sdelay $0x2  }
0x10c: {  	v8 =	vld.idx.msk [tilespmem:v8+s21+$0x0], $0xffff;
	_ =	sdelay $0x2  }
0x10d: {  	s19 =	sld [smem:$0x7A9];
	_ =	sdelay $0x1  }
0x10e: {  	[tilespmem:v9+s0+$0x0] =	vst.idx.add.f32.msk $0xffff, v8  }
0x10f: {  	v8 =	vld [tilespmem:s19+$0x80];
	_ =	sdelay $0x3  }
0x110: {  	s22 =	rddreg [dreg:$0x11]  }
0x111: {  	v9 =	vld [tilespmem:s22+$0x5000];
	_ =	sdelay $0x2  }
0x112: {  	v8 =	vld.idx.msk [tilespmem:v8+s21+$0x0], $0xffff;
	_ =	sdelay $0x2  }
0x113: {  	s23 =	sld [smem:$0x7AA];
	_ =	sdelay $0x1  }
0x114: {  	[tilespmem:v9+s0+$0x0] =	vst.idx.add.f32.msk $0xffff, v8  }
0x115: {  	v8 =	vld [tilespmem:s23+$0x80];
	_ =	sdelay $0x3  }
0x116: {  	s24 =	rddreg [dreg:$0x12]  }
0x117: {  	v9 =	vld [tilespmem:s24+$0x5000];
	_ =	sdelay $0x2  }
0x118: {  	v8 =	vld.idx.msk [tilespmem:v8+s21+$0x0], $0xffff;
	_ =	sdelay $0x2  }
0x119: {  	s25 =	sld [smem:$0x7AB];
	_ =	sdelay $0x1  }
0x11a: {  	[tilespmem:v9+s0+$0x0] =	vst.idx.add.f32.msk $0xffff, v8  }
0x11b: {  	v8 =	vld [tilespmem:s25+$0x80];
	_ =	sdelay $0x3  }
0x11c: {  	s26 =	rddreg [dreg:$0x13]  }
0x11d: {  	v9 =	vld [tilespmem:s26+$0x5000];
	_ =	sdelay $0x2  }
0x11e: {  	v8 =	vld.idx.msk [tilespmem:v8+s21+$0x0], $0xffff;
	_ =	sdelay $0x2  }
0x11f: {  	s28 =	sld [smem:$0x7AC];
	_ =	sdelay $0x1  }
0x120: {  	[tilespmem:v9+s0+$0x0] =	vst.idx.add.f32.msk $0xffff, v8  }
0x121: {  	v8 =	vld [tilespmem:s28+$0x80];
	_ =	sdelay $0x3  }
0x122: {  	s29 =	rddreg [dreg:$0x14]  }
0x123: {  	v9 =	vld [tilespmem:s29+$0x5000];
	_ =	sdelay $0x2  }
0x124: {  	v8 =	vld.idx.msk [tilespmem:v8+s21+$0x0], $0xffff;
	_ =	sdelay $0x2  }
0x125: {  	s30 =	sld [smem:$0x7AD];
	_ =	sdelay $0x1  }
0x126: {  	[tilespmem:v9+s0+$0x0] =	vst.idx.add.f32.msk $0xffff, v8  }
0x127: {  	v8 =	vld [tilespmem:s30+$0x80];
	_ =	sdelay $0x3  }
0x128: {  	s31 =	rddreg [dreg:$0x15]  }
0x129: {  	v9 =	vld [tilespmem:s31+$0x5000];
	_ =	sdelay $0x2  }
0x12a: {  	v8 =	vld.idx.msk [tilespmem:v8+s21+$0x0], $0xffff;
	_ =	sdelay $0x4  }
0x12b: {  	[tilespmem:v9+s0+$0x0] =	vst.idx.add.f32.msk $0xffff, v8  }
0x12c: {  	v8 =	vld [tilespmem:s14+$0x7780];
	_ =	sdelay $0x4  }
0x12d: {  	v9 =	vld [tilespmem:s14+$0x7700];
	_ =	sdelay $0x2  }
0x12e: {  	v8 =	vld.idx.msk [tilespmem:v8+s21+$0x0], $0xffff;
	_ =	sdelay $0x4  }
0x12f: {  	[tilespmem:v9+s0+$0x0] =	vst.idx.add.f32.msk $0xffff, v8  }
.LBB2_5:
0x130: {  	s1 =	rddreg [dreg:$0x16];
	s2 =	simm.s32 $0x80;
	s3 =	simm.s32 $0x400  }
0x131: {  	[spmem:s1] =	stream.strided.scatter [tilespmem:s0], [sflag:$0x4], $0x2800, s3, s2, $0x38;
	[tilespmem:$0x11C80] =	vst v63  }
0x132: {  	_ =	swait.ge [sflag:s4], $0x2800  }
0x133: {  	[sflag:s4] =	ssyncset.done $0x0  }
0x134: {  	[sflag:s4] =	ssyncadd.s32 $0xFFFFD800  }
0x135: {  	[bflag:$0x0] =	sbarrier.arrive $0xFFFF  }
0x136: {  	s19 =	rddreg [dreg:$0x17]  }
0x137: {  	s22 =	simm.s32 $0xC780;
	s23 =	sld [smem:$0x7BE]  }
0x138: {  	[tilespmem:s22], [sflag:$0x3] =	stream.linear.gather [spmem:s19], $0x80, $0x38;
	[tilespmem:$0x11C80] =	vst v63  }
0x139: {  	s24 =	simm.s32 $0xCB80;
	s25 =	sld [smem:$0x7BF]  }
0x13a: {  	[tilespmem:s24], [sflag:$0x3] =	stream.linear.gather [spmem:s23], $0x80, $0x38;
	[tilespmem:$0x11C80] =	vst v63  }
0x13b: {  	s26 =	simm.s32 $0xCF80;
	s28 =	sld [smem:$0x7C0]  }
0x13c: {  	[tilespmem:s26], [sflag:$0x3] =	stream.linear.gather [spmem:s25], $0x80, $0x38;
	[tilespmem:$0x11C80] =	vst v63  }
0x13d: {  	s29 =	simm.s32 $0xD380;
	s30 =	sld [smem:$0x7C1]  }
0x13e: {  	[tilespmem:s29], [sflag:$0x3] =	stream.linear.gather [spmem:s28], $0x80, $0x38;
	[tilespmem:$0x11C80] =	vst v63  }
0x13f: {  	s31 =	simm.s32 $0xD780;
	s2 =	sld [smem:$0x7AE]  }
0x140: {  	[tilespmem:s31], [sflag:$0x3] =	stream.linear.gather [spmem:s30], $0x80, $0x38;
	[tilespmem:$0x11C80] =	vst v63  }
0x141: {  	s3 =	simm.s32 $0xC800;
	s4 =	sld [smem:$0x7C2]  }
0x142: {  	[tilespmem:s3], [sflag:$0x3] =	stream.linear.gather [spmem:s2], $0x80, $0x38;
	[tilespmem:$0x11C80] =	vst v63  }
0x143: {  	s6 =	simm.s32 $0xCC00;
	s8 =	sld [smem:$0x7C3]  }
0x144: {  	[tilespmem:s6], [sflag:$0x3] =	stream.linear.gather [spmem:s4], $0x80, $0x38;
	[tilespmem:$0x11C80] =	vst v63  }
0x145: {  	s9 =	simm.s32 $0xD000;
	s10 =	sld [smem:$0x7C4]  }
0x146: {  	[tilespmem:s9], [sflag:$0x3] =	stream.linear.gather [spmem:s8], $0x80, $0x38;
	[tilespmem:$0x11C80] =	vst v63  }
0x147: {  	s11 =	simm.s32 $0xD400;
	s12 =	sld [smem:$0x7C5]  }
0x148: {  	[tilespmem:s11], [sflag:$0x3] =	stream.linear.gather [spmem:s10], $0x80, $0x38;
	[tilespmem:$0x11C80] =	vst v63  }
0x149: {  	s13 =	simm.s32 $0xD800;
	s14 =	sld [smem:$0x7AF]  }
0x14a: {  	[tilespmem:s13], [sflag:$0x3] =	stream.linear.gather [spmem:s12], $0x80, $0x38;
	[tilespmem:$0x11C80] =	vst v63  }
0x14b: {  	s16 =	simm.s32 $0xC880;
	s17 =	sld [smem:$0x7C6]  }
0x14c: {  	[tilespmem:s16], [sflag:$0x3] =	stream.linear.gather [spmem:s14], $0x80, $0x38;
	[tilespmem:$0x11C80] =	vst v63  }
0x14d: {  	s18 =	simm.s32 $0xCC80;
	s19 =	sld [smem:$0x7C7]  }
0x14e: {  	[tilespmem:s18], [sflag:$0x3] =	stream.linear.gather [spmem:s17], $0x80, $0x38;
	[tilespmem:$0x11C80] =	vst v63  }
0x14f: {  	s22 =	simm.s32 $0xD080;
	s23 =	sld [smem:$0x7C8]  }
0x150: {  	[tilespmem:s22], [sflag:$0x3] =	stream.linear.gather [spmem:s19], $0x80, $0x38;
	[tilespmem:$0x11C80] =	vst v63  }
0x151: {  	s24 =	simm.s32 $0xD480;
	s25 =	sld [smem:$0x7C9]  }
0x152: {  	[tilespmem:s24], [sflag:$0x3] =	stream.linear.gather [spmem:s23], $0x80, $0x38;
	[tilespmem:$0x11C80] =	vst v63  }
0x153: {  	s26 =	simm.s32 $0xD880;
	s28 =	sld [smem:$0x7B0]  }
0x154: {  	[tilespmem:s26], [sflag:$0x3] =	stream.linear.gather [spmem:s25], $0x80, $0x38;
	[tilespmem:$0x11C80] =	vst v63  }
0x155: {  	s29 =	simm.s32 $0xC900;
	s30 =	sld [smem:$0x7CA]  }
0x156: {  	[tilespmem:s29], [sflag:$0x3] =	stream.linear.gather [spmem:s28], $0x80, $0x38;
	[tilespmem:$0x11C80] =	vst v63  }
0x157: {  	s31 =	simm.s32 $0xCD00;
	s2 =	sld [smem:$0x7CB]  }
0x158: {  	[tilespmem:s31], [sflag:$0x3] =	stream.linear.gather [spmem:s30], $0x80, $0x38;
	[tilespmem:$0x11C80] =	vst v63  }
0x159: {  	s3 =	simm.s32 $0xD100;
	s4 =	sld [smem:$0x7CC]  }
0x15a: {  	[tilespmem:s3], [sflag:$0x3] =	stream.linear.gather [spmem:s2], $0x80, $0x38;
	[tilespmem:$0x11C80] =	vst v63  }
0x15b: {  	s6 =	simm.s32 $0xD500;
	s8 =	sld [smem:$0x7CD]  }
0x15c: {  	[tilespmem:s6], [sflag:$0x3] =	stream.linear.gather [spmem:s4], $0x80, $0x38;
	[tilespmem:$0x11C80] =	vst v63  }
0x15d: {  	s9 =	simm.s32 $0xD900;
	s10 =	sld [smem:$0x7B1]  }
0x15e: {  	[tilespmem:s9], [sflag:$0x3] =	stream.linear.gather [spmem:s8], $0x80, $0x38;
	[tilespmem:$0x11C80] =	vst v63  }
0x15f: {  	s11 =	simm.s32 $0xC980;
	s12 =	sld [smem:$0x7CE]  }
0x160: {  	[tilespmem:s11], [sflag:$0x3] =	stream.linear.gather [spmem:s10], $0x80, $0x38;
	[tilespmem:$0x11C80] =	vst v63  }
0x161: {  	s13 =	simm.s32 $0xCD80;
	s14 =	sld [smem:$0x7CF]  }
0x162: {  	[tilespmem:s13], [sflag:$0x3] =	stream.linear.gather [spmem:s12], $0x80, $0x38;
	[tilespmem:$0x11C80] =	vst v63  }
0x163: {  	s16 =	simm.s32 $0xD180;
	s17 =	sld [smem:$0x7D0]  }
0x164: {  	[tilespmem:s16], [sflag:$0x3] =	stream.linear.gather [spmem:s14], $0x80, $0x38;
	[tilespmem:$0x11C80] =	vst v63  }
0x165: {  	s18 =	simm.s32 $0xD580;
	s19 =	sld [smem:$0x7D1]  }
0x166: {  	[tilespmem:s18], [sflag:$0x3] =	stream.linear.gather [spmem:s17], $0x80, $0x38;
	[tilespmem:$0x11C80] =	vst v63  }
0x167: {  	s22 =	simm.s32 $0xD980;
	s23 =	sld [smem:$0x7B2]  }
0x168: {  	[tilespmem:s22], [sflag:$0x3] =	stream.linear.gather [spmem:s19], $0x80, $0x38;
	[tilespmem:$0x11C80] =	vst v63  }
0x169: {  	s24 =	simm.s32 $0xCA00;
	s25 =	sld [smem:$0x7D2]  }
0x16a: {  	[tilespmem:s24], [sflag:$0x3] =	stream.linear.gather [spmem:s23], $0x80, $0x38;
	[tilespmem:$0x11C80] =	vst v63  }
0x16b: {  	s26 =	simm.s32 $0xCE00;
	s28 =	sld [smem:$0x7D3]  }
0x16c: {  	[tilespmem:s26], [sflag:$0x3] =	stream.linear.gather [spmem:s25], $0x80, $0x38;
	[tilespmem:$0x11C80] =	vst v63  }
0x16d: {  	s29 =	simm.s32 $0xD200;
	s30 =	sld [smem:$0x7D4]  }
0x16e: {  	[tilespmem:s29], [sflag:$0x3] =	stream.linear.gather [spmem:s28], $0x80, $0x38;
	[tilespmem:$0x11C80] =	vst v63  }
0x16f: {  	s31 =	simm.s32 $0xD600;
	s2 =	sld [smem:$0x7D5]  }
0x170: {  	[tilespmem:s31], [sflag:$0x3] =	stream.linear.gather [spmem:s30], $0x80, $0x38;
	[tilespmem:$0x11C80] =	vst v63  }
0x171: {  	s3 =	simm.s32 $0xDA00;
	s4 =	sld [smem:$0x7B3]  }
0x172: {  	[tilespmem:s3], [sflag:$0x3] =	stream.linear.gather [spmem:s2], $0x80, $0x38;
	[tilespmem:$0x11C80] =	vst v63  }
0x173: {  	s6 =	simm.s32 $0xCA80;
	s8 =	sld [smem:$0x7D6]  }
0x174: {  	[tilespmem:s6], [sflag:$0x3] =	stream.linear.gather [spmem:s4], $0x80, $0x38;
	[tilespmem:$0x11C80] =	vst v63  }
0x175: {  	s9 =	simm.s32 $0xCE80;
	s10 =	sld [smem:$0x7D7]  }
0x176: {  	[tilespmem:s9], [sflag:$0x3] =	stream.linear.gather [spmem:s8], $0x80, $0x38;
	[tilespmem:$0x11C80] =	vst v63  }
0x177: {  	s11 =	simm.s32 $0xD280;
	s12 =	sld [smem:$0x7D8]  }
0x178: {  	[tilespmem:s11], [sflag:$0x3] =	stream.linear.gather [spmem:s10], $0x80, $0x38;
	[tilespmem:$0x11C80] =	vst v63  }
0x179: {  	s13 =	simm.s32 $0xD680;
	s14 =	sld [smem:$0x7D9]  }
0x17a: {  	[tilespmem:s13], [sflag:$0x3] =	stream.linear.gather [spmem:s12], $0x80, $0x38;
	[tilespmem:$0x11C80] =	vst v63  }
0x17b: {  	s16 =	simm.s32 $0xDA80;
	s17 =	sld [smem:$0x7B4]  }
0x17c: {  	[tilespmem:s16], [sflag:$0x3] =	stream.linear.gather [spmem:s14], $0x80, $0x38;
	[tilespmem:$0x11C80] =	vst v63  }
0x17d: {  	s18 =	simm.s32 $0xCB00;
	s19 =	sld [smem:$0x7DA]  }
0x17e: {  	[tilespmem:s18], [sflag:$0x3] =	stream.linear.gather [spmem:s17], $0x80, $0x38;
	[tilespmem:$0x11C80] =	vst v63  }
0x17f: {  	s22 =	simm.s32 $0xCF00;
	s23 =	sld [smem:$0x7DB]  }
0x180: {  	[tilespmem:s22], [sflag:$0x3] =	stream.linear.gather [spmem:s19], $0x80, $0x38;
	[tilespmem:$0x11C80] =	vst v63  }
0x181: {  	s24 =	simm.s32 $0xD300;
	s25 =	sld [smem:$0x7DC]  }
0x182: {  	[tilespmem:s24], [sflag:$0x3] =	stream.linear.gather [spmem:s23], $0x80, $0x38;
	[tilespmem:$0x11C80] =	vst v63  }
0x183: {  	s26 =	simm.s32 $0xD700;
	s28 =	sld [smem:$0x7DD]  }
0x184: {  	[tilespmem:s26], [sflag:$0x3] =	stream.linear.gather [spmem:s25], $0x80, $0x38;
	[tilespmem:$0x11C80] =	vst v63  }
0x185: {  	s29 =	simm.s32 $0xDB00;
	s30 =	sld [smem:$0x7B5]  }
0x186: {  	[tilespmem:s29], [sflag:$0x3] =	stream.linear.gather [spmem:s28], $0x80, $0x38;
	[tilespmem:$0x11C80] =	vst v63  }
0x187: {  	s31 =	simm.s32 $0xDB80;
	s2 =	sld [smem:$0x7DE]  }
0x188: {  	[tilespmem:s31], [sflag:$0x3] =	stream.linear.gather [spmem:s30], $0x80, $0x38;
	[tilespmem:$0x11C80] =	vst v63  }
0x189: {  	s3 =	simm.s32 $0xDF80;
	s4 =	sld [smem:$0x7DF]  }
0x18a: {  	[tilespmem:s3], [sflag:$0x3] =	stream.linear.gather [spmem:s2], $0x80, $0x38;
	[tilespmem:$0x11C80] =	vst v63  }
0x18b: {  	s6 =	simm.s32 $0xE380;
	s8 =	sld [smem:$0x7E0]  }
0x18c: {  	[tilespmem:s6], [sflag:$0x3] =	stream.linear.gather [spmem:s4], $0x80, $0x38;
	[tilespmem:$0x11C80] =	vst v63  }
0x18d: {  	s9 =	simm.s32 $0xE780;
	s10 =	sld [smem:$0x7E1]  }
0x18e: {  	[tilespmem:s9], [sflag:$0x3] =	stream.linear.gather [spmem:s8], $0x80, $0x38;
	[tilespmem:$0x11C80] =	vst v63  }
0x18f: {  	s11 =	simm.s32 $0xEB80;
	s12 =	sld [smem:$0x7B6]  }
0x190: {  	[tilespmem:s11], [sflag:$0x3] =	stream.linear.gather [spmem:s10], $0x80, $0x38;
	[tilespmem:$0x11C80] =	vst v63  }
0x191: {  	s13 =	simm.s32 $0xDC00;
	s14 =	sld [smem:$0x7E2]  }
0x192: {  	[tilespmem:s13], [sflag:$0x3] =	stream.linear.gather [spmem:s12], $0x80, $0x38;
	[tilespmem:$0x11C80] =	vst v63  }
0x193: {  	s16 =	simm.s32 $0xE000;
	s17 =	sld [smem:$0x7E3]  }
0x194: {  	[tilespmem:s16], [sflag:$0x3] =	stream.linear.gather [spmem:s14], $0x80, $0x38;
	[tilespmem:$0x11C80] =	vst v63  }
0x195: {  	s18 =	simm.s32 $0xE400;
	s19 =	sld [smem:$0x7E4]  }
0x196: {  	[tilespmem:s18], [sflag:$0x3] =	stream.linear.gather [spmem:s17], $0x80, $0x38;
	[tilespmem:$0x11C80] =	vst v63  }
0x197: {  	s22 =	simm.s32 $0xE800;
	s23 =	sld [smem:$0x7E5]  }
0x198: {  	[tilespmem:s22], [sflag:$0x3] =	stream.linear.gather [spmem:s19], $0x80, $0x38;
	[tilespmem:$0x11C80] =	vst v63  }
0x199: {  	s24 =	simm.s32 $0xEC00;
	s25 =	sld [smem:$0x7B7]  }
0x19a: {  	[tilespmem:s24], [sflag:$0x3] =	stream.linear.gather [spmem:s23], $0x80, $0x38;
	[tilespmem:$0x11C80] =	vst v63  }
0x19b: {  	s26 =	simm.s32 $0xDC80;
	s28 =	sld [smem:$0x7E6]  }
0x19c: {  	[tilespmem:s26], [sflag:$0x3] =	stream.linear.gather [spmem:s25], $0x80, $0x38;
	[tilespmem:$0x11C80] =	vst v63  }
0x19d: {  	s29 =	simm.s32 $0xE080;
	s30 =	sld [smem:$0x7E7]  }
0x19e: {  	[tilespmem:s29], [sflag:$0x3] =	stream.linear.gather [spmem:s28], $0x80, $0x38;
	[tilespmem:$0x11C80] =	vst v63  }
0x19f: {  	s31 =	simm.s32 $0xE480;
	s2 =	sld [smem:$0x7E8]  }
0x1a0: {  	[tilespmem:s31], [sflag:$0x3] =	stream.linear.gather [spmem:s30], $0x80, $0x38;
	[tilespmem:$0x11C80] =	vst v63  }
0x1a1: {  	s3 =	simm.s32 $0xE880;
	s4 =	sld [smem:$0x7E9]  }
0x1a2: {  	[tilespmem:s3], [sflag:$0x3] =	stream.linear.gather [spmem:s2], $0x80, $0x38;
	[tilespmem:$0x11C80] =	vst v63  }
0x1a3: {  	s6 =	simm.s32 $0xEC80;
	s8 =	sld [smem:$0x7B8]  }
0x1a4: {  	[tilespmem:s6], [sflag:$0x3] =	stream.linear.gather [spmem:s4], $0x80, $0x38;
	[tilespmem:$0x11C80] =	vst v63  }
0x1a5: {  	s9 =	simm.s32 $0xDD00;
	s10 =	sld [smem:$0x7EA]  }
0x1a6: {  	[tilespmem:s9], [sflag:$0x3] =	stream.linear.gather [spmem:s8], $0x80, $0x38;
	[tilespmem:$0x11C80] =	vst v63  }
0x1a7: {  	s11 =	simm.s32 $0xE100;
	s12 =	sld [smem:$0x7EB]  }
0x1a8: {  	[tilespmem:s11], [sflag:$0x3] =	stream.linear.gather [spmem:s10], $0x80, $0x38;
	[tilespmem:$0x11C80] =	vst v63  }
0x1a9: {  	s13 =	simm.s32 $0xE500;
	s14 =	sld [smem:$0x7EC]  }
0x1aa: {  	[tilespmem:s13], [sflag:$0x3] =	stream.linear.gather [spmem:s12], $0x80, $0x38;
	[tilespmem:$0x11C80] =	vst v63  }
0x1ab: {  	s16 =	simm.s32 $0xE900;
	s17 =	sld [smem:$0x7ED]  }
0x1ac: {  	[tilespmem:s16], [sflag:$0x3] =	stream.linear.gather [spmem:s14], $0x80, $0x38;
	[tilespmem:$0x11C80] =	vst v63  }
0x1ad: {  	s18 =	simm.s32 $0xED00;
	s19 =	sld [smem:$0x7B9]  }
0x1ae: {  	[tilespmem:s18], [sflag:$0x3] =	stream.linear.gather [spmem:s17], $0x80, $0x38;
	[tilespmem:$0x11C80] =	vst v63  }
0x1af: {  	s22 =	simm.s32 $0xDD80;
	s23 =	sld [smem:$0x7EE]  }
0x1b0: {  	[tilespmem:s22], [sflag:$0x3] =	stream.linear.gather [spmem:s19], $0x80, $0x38;
	[tilespmem:$0x11C80] =	vst v63  }
0x1b1: {  	s24 =	simm.s32 $0xE180;
	s25 =	sld [smem:$0x7EF]  }
0x1b2: {  	[tilespmem:s24], [sflag:$0x3] =	stream.linear.gather [spmem:s23], $0x80, $0x38;
	[tilespmem:$0x11C80] =	vst v63  }
0x1b3: {  	s26 =	simm.s32 $0xE580;
	s28 =	sld [smem:$0x7F0]  }
0x1b4: {  	[tilespmem:s26], [sflag:$0x3] =	stream.linear.gather [spmem:s25], $0x80, $0x38;
	[tilespmem:$0x11C80] =	vst v63  }
0x1b5: {  	s29 =	simm.s32 $0xE980;
	s30 =	sld [smem:$0x7F1]  }
0x1b6: {  	[tilespmem:s29], [sflag:$0x3] =	stream.linear.gather [spmem:s28], $0x80, $0x38;
	[tilespmem:$0x11C80] =	vst v63  }
0x1b7: {  	s31 =	simm.s32 $0xED80;
	s2 =	sld [smem:$0x7BA]  }
0x1b8: {  	[tilespmem:s31], [sflag:$0x3] =	stream.linear.gather [spmem:s30], $0x80, $0x38;
	[tilespmem:$0x11C80] =	vst v63  }
0x1b9: {  	s3 =	simm.s32 $0xDE00;
	s4 =	sld [smem:$0x7F2]  }
0x1ba: {  	[tilespmem:s3], [sflag:$0x3] =	stream.linear.gather [spmem:s2], $0x80, $0x38;
	[tilespmem:$0x11C80] =	vst v63  }
0x1bb: {  	s6 =	simm.s32 $0xE200;
	s8 =	sld [smem:$0x7F3]  }
0x1bc: {  	[tilespmem:s6], [sflag:$0x3] =	stream.linear.gather [spmem:s4], $0x80, $0x38;
	[tilespmem:$0x11C80] =	vst v63  }
0x1bd: {  	s9 =	simm.s32 $0xE600;
	s10 =	sld [smem:$0x7F4]  }
0x1be: {  	[tilespmem:s9], [sflag:$0x3] =	stream.linear.gather [spmem:s8], $0x80, $0x38;
	[tilespmem:$0x11C80] =	vst v63  }
0x1bf: {  	s11 =	simm.s32 $0xEA00;
	s12 =	sld [smem:$0x7F5]  }
0x1c0: {  	[tilespmem:s11], [sflag:$0x3] =	stream.linear.gather [spmem:s10], $0x80, $0x38;
	[tilespmem:$0x11C80] =	vst v63  }
0x1c1: {  	s13 =	simm.s32 $0xEE00;
	s14 =	sld [smem:$0x7BB]  }
0x1c2: {  	[tilespmem:s13], [sflag:$0x3] =	stream.linear.gather [spmem:s12], $0x80, $0x38;
	[tilespmem:$0x11C80] =	vst v63  }
0x1c3: {  	s16 =	simm.s32 $0xDE80;
	s17 =	sld [smem:$0x7F6]  }
0x1c4: {  	[tilespmem:s16], [sflag:$0x3] =	stream.linear.gather [spmem:s14], $0x80, $0x38;
	[tilespmem:$0x11C80] =	vst v63  }
0x1c5: {  	s18 =	simm.s32 $0xE280;
	s19 =	sld [smem:$0x7F7]  }
0x1c6: {  	[tilespmem:s18], [sflag:$0x3] =	stream.linear.gather [spmem:s17], $0x80, $0x38;
	[tilespmem:$0x11C80] =	vst v63  }
0x1c7: {  	s22 =	simm.s32 $0xE680;
	s23 =	sld [smem:$0x7F8]  }
0x1c8: {  	[tilespmem:s22], [sflag:$0x3] =	stream.linear.gather [spmem:s19], $0x80, $0x38;
	[tilespmem:$0x11C80] =	vst v63  }
0x1c9: {  	s24 =	simm.s32 $0xEA80;
	s25 =	sld [smem:$0x7F9]  }
0x1ca: {  	[tilespmem:s24], [sflag:$0x3] =	stream.linear.gather [spmem:s23], $0x80, $0x38;
	[tilespmem:$0x11C80] =	vst v63  }
0x1cb: {  	s26 =	simm.s32 $0xEE80;
	s28 =	sld [smem:$0x7BC]  }
0x1cc: {  	[tilespmem:s26], [sflag:$0x3] =	stream.linear.gather [spmem:s25], $0x80, $0x38;
	[tilespmem:$0x11C80] =	vst v63  }
0x1cd: {  	s29 =	simm.s32 $0xDF00;
	s30 =	sld [smem:$0x7FA]  }
0x1ce: {  	[tilespmem:s29], [sflag:$0x3] =	stream.linear.gather [spmem:s28], $0x80, $0x38;
	[tilespmem:$0x11C80] =	vst v63  }
0x1cf: {  	s31 =	simm.s32 $0xE300;
	s2 =	sld [smem:$0x7FB]  }
0x1d0: {  	[tilespmem:s31], [sflag:$0x3] =	stream.linear.gather [spmem:s30], $0x80, $0x38;
	[tilespmem:$0x11C80] =	vst v63  }
0x1d1: {  	s3 =	simm.s32 $0xE700;
	s4 =	sld [smem:$0x7FC]  }
0x1d2: {  	[tilespmem:s3], [sflag:$0x3] =	stream.linear.gather [spmem:s2], $0x80, $0x38;
	[tilespmem:$0x11C80] =	vst v63  }
0x1d3: {  	s6 =	simm.s32 $0xEB00;
	s8 =	sld [smem:$0x7FD]  }
0x1d4: {  	[tilespmem:s6], [sflag:$0x3] =	stream.linear.gather [spmem:s4], $0x80, $0x38;
	[tilespmem:$0x11C80] =	vst v63  }
0x1d5: {  	s9 =	simm.s32 $0xEF00  }
0x1d6: {  	[tilespmem:s9], [sflag:$0x3] =	stream.linear.gather [spmem:s8], $0x80, $0x38;
	[tilespmem:$0x11C80] =	vst v63  }
0x1d7: {  	_ =	swait.ge [sflag:s5], $0x280  }
0x1d8: {  	[sflag:s5] =	ssyncset.done $0x0  }
0x1d9: {  	[sflag:s5] =	ssyncadd.s32 $0xFFFFFD80  }
0x1da: {  	_ =	swait.ge [sflag:s5], $0x280  }
0x1db: {  	[sflag:s5] =	ssyncset.done $0x0  }
0x1dc: {  	[sflag:s5] =	ssyncadd.s32 $0xFFFFFD80  }
0x1dd: {  	_ =	swait.ge [sflag:s5], $0x280  }
0x1de: {  	[sflag:s5] =	ssyncset.done $0x0  }
0x1df: {  	[sflag:s5] =	ssyncadd.s32 $0xFFFFFD80  }
0x1e0: {  	_ =	swait.ge [sflag:s5], $0x280  }
0x1e1: {  	[sflag:s5] =	ssyncset.done $0x0  }
0x1e2: {  	[sflag:s5] =	ssyncadd.s32 $0xFFFFFD80  }
0x1e3: {  	_ =	swait.ge [sflag:s5], $0x280  }
0x1e4: {  	[sflag:s5] =	ssyncset.done $0x0  }
0x1e5: {  	[sflag:s5] =	ssyncadd.s32 $0xFFFFFD80  }
0x1e6: {  	_ =	swait.ge [sflag:s5], $0x280  }
0x1e7: {  	[sflag:s5] =	ssyncset.done $0x0  }
0x1e8: {  	[sflag:s5] =	ssyncadd.s32 $0xFFFFFD80  }
0x1e9: {  	_ =	swait.ge [sflag:s5], $0x280  }
0x1ea: {  	[sflag:s5] =	ssyncset.done $0x0  }
0x1eb: {  	[sflag:s5] =	ssyncadd.s32 $0xFFFFFD80  }
0x1ec: {  	_ =	swait.ge [sflag:s5], $0x280  }
0x1ed: {  	[sflag:s5] =	ssyncset.done $0x0  }
0x1ee: {  	[sflag:s5] =	ssyncadd.s32 $0xFFFFFD80  }
0x1ef: {  	_ =	swait.ge [sflag:s5], $0x280  }
0x1f0: {  	[sflag:s5] =	ssyncset.done $0x0  }
0x1f1: {  	[sflag:s5] =	ssyncadd.s32 $0xFFFFFD80  }
0x1f2: {  	_ =	swait.ge [sflag:s5], $0x280  }
0x1f3: {  	[sflag:s5] =	ssyncset.done $0x0  }
0x1f4: {  	[sflag:s5] =	ssyncadd.s32 $0xFFFFFD80  }
0x1f5: {  	_ =	swait.ge [sflag:s5], $0x280  }
0x1f6: {  	[sflag:s5] =	ssyncset.done $0x0  }
0x1f7: {  	[sflag:s5] =	ssyncadd.s32 $0xFFFFFD80  }
0x1f8: {  	_ =	swait.ge [sflag:s5], $0x280  }
0x1f9: {  	[sflag:s5] =	ssyncset.done $0x0  }
0x1fa: {  	[sflag:s5] =	ssyncadd.s32 $0xFFFFFD80  }
0x1fb: {  	_ =	swait.ge [sflag:s5], $0x280  }
0x1fc: {  	[sflag:s5] =	ssyncset.done $0x0  }
0x1fd: {  	[sflag:s5] =	ssyncadd.s32 $0xFFFFFD80  }
0x1fe: {  	_ =	swait.ge [sflag:s5], $0x280  }
0x1ff: {  	[sflag:s5] =	ssyncset.done $0x0  }
0x200: {  	[sflag:s5] =	ssyncadd.s32 $0xFFFFFD80  }
0x201: {  	_ =	swait.ge [sflag:s5], $0x280  }
0x202: {  	[sflag:s5] =	ssyncset.done $0x0  }
0x203: {  	s8 =	simm.s32 $0x0;
	[sflag:s5] =	ssyncadd.s32 $0xFFFFFD80  }
0x204: {  	s9 =	sand.u32 $0x1C00, s8;
	_ =	swait.ge [sflag:s5], $0x280  }
0x205: {  	s16 =	sand.u32 $0x40, s8;
	s1 =	sadd.s32 $0xC780, s9;
	[sflag:s5] =	ssyncset.done $0x0  }
0x206: {  	s11 =	sor.u32 s16, s1;
	[sflag:s5] =	ssyncadd.s32 $0xFFFFFD80  }
0x207: {  	v8 =	vld [tilespmem:s11+$0x0]  }
0x208: {  	v9 =	vld [tilespmem:s11+$0x80];
	_ =	sdelay $0x1  }
0x209: {  	v10 =	vld [tilespmem:s11+$0x100];
	_ =	sdelay $0x1  }
0x20a: {  	v11 =	vld [tilespmem:s11+$0x180]  }
0x20b: {  	v8 =	vadd.f32 v9, v8  }
0x20c: {  	v9 =	vld [tilespmem:s11+$0x200]  }
0x20d: {  	v8 =	vadd.f32 v10, v8  }
0x20e: {  	v10 =	vld [tilespmem:s11+$0x280]  }
0x20f: {  	v8 =	vadd.f32 v11, v8  }
0x210: {  	v11 =	vld [tilespmem:s11+$0x300]  }
0x211: {  	v8 =	vadd.f32 v9, v8  }
0x212: {  	s2 =	sadd.s32 $0xDB80, s9;
	v9 =	vld [tilespmem:s11+$0x380]  }
0x213: {  	s12 =	sor.u32 s16, s2;
	v8 =	vadd.f32 v10, v8  }
0x214: {  	s11 =	sadd.s32 $0xDC00, s9;
	v10 =	vld [tilespmem:s12+$0x0]  }
0x215: {  	s13 =	sor.u32 s16, s11;
	v8 =	vadd.f32 v11, v8  }
0x216: {  	s12 =	sadd.s32 $0xDC80, s9;
	v11 =	vld [tilespmem:s13+$0x0]  }
0x217: {  	s14 =	sor.u32 s16, s12;
	v8 =	vadd.f32 v9, v8  }
0x218: {  	s13 =	sadd.s32 $0xDD00, s9;
	v9 =	vld [tilespmem:s14+$0x0]  }
0x219: {  	s18 =	sor.u32 s16, s13;
	v8 =	vadd.f32 v10, v8  }
0x21a: {  	s14 =	sadd.s32 $0xDD80, s9;
	v10 =	vld [tilespmem:s18+$0x0]  }
0x21b: {  	s24 =	sor.u32 s16, s14;
	v8 =	vadd.f32 v11, v8  }
0x21c: {  	s18 =	sadd.s32 $0xDE00, s9;
	v11 =	vld [tilespmem:s24+$0x0]  }
0x21d: {  	s25 =	sor.u32 s16, s18;
	v8 =	vadd.f32 v9, v8  }
0x21e: {  	s24 =	sadd.s32 $0xDE80, s9;
	v9 =	vld [tilespmem:s25+$0x0]  }
0x21f: {  	s26 =	sor.u32 s16, s24;
	v8 =	vadd.f32 v10, v8  }
0x220: {  	s25 =	sadd.s32 $0xDF00, s9;
	v10 =	vld [tilespmem:s26+$0x0]  }
0x221: {  	s10 =	sadd.s32 $0x0, s15;
	s9 =	sor.u32 s16, s25;
	v8 =	vadd.f32 v11, v8  }
0x222: {  	s26 =	sand.u32 $0x7F80, s10;
	v11 =	vld [tilespmem:s9+$0x0]  }
0x223: {  	s17 =	sor.u32 s16, s26;
	v8 =	vadd.f32 v9, v8  }
0x224: {  	v9 =	vld [tilespmem:s17+$0x0]  }
0x225: {  	v8 =	vadd.f32 v10, v8;
	_ =	sdelay $0x1  }
0x226: {  	v8 =	vadd.f32 v11, v8;
	_ =	sdelay $0x1  }
0x227: {  	s19 =	simm.s32 $0x10;
	v8 =	vmul.f32 v9, v8  }
0x228: {  	s16 =	sand.u32 $0x50, s19;
	s9 =	simm.s32 $0xEFA0  }
0x229: {  	s28 =	sor.u32 s16, s1;
	[tilespmem:s9+$0xFFFFFFE0] =	vst v8  }
0x22a: {  	v8 =	vld [tilespmem:s28+$0x0]  }
0x22b: {  	v9 =	vld [tilespmem:s28+$0x80];
	_ =	sdelay $0x1  }
0x22c: {  	v10 =	vld [tilespmem:s28+$0x100];
	_ =	sdelay $0x1  }
0x22d: {  	v11 =	vld [tilespmem:s28+$0x180]  }
0x22e: {  	v8 =	vadd.f32 v9, v8  }
0x22f: {  	v9 =	vld [tilespmem:s28+$0x200]  }
0x230: {  	v8 =	vadd.f32 v10, v8  }
0x231: {  	v10 =	vld [tilespmem:s28+$0x280]  }
0x232: {  	v8 =	vadd.f32 v11, v8  }
0x233: {  	v11 =	vld [tilespmem:s28+$0x300]  }
0x234: {  	v8 =	vadd.f32 v9, v8  }
0x235: {  	v9 =	vld [tilespmem:s28+$0x380]  }
0x236: {  	s22 =	sor.u32 s16, s2;
	v8 =	vadd.f32 v10, v8  }
0x237: {  	v10 =	vld [tilespmem:s22+$0x0]  }
0x238: {  	s23 =	sor.u32 s16, s11;
	v8 =	vadd.f32 v11, v8  }
0x239: {  	v11 =	vld [tilespmem:s23+$0x0]  }
0x23a: {  	s29 =	sor.u32 s16, s12;
	v8 =	vadd.f32 v9, v8  }
0x23b: {  	v9 =	vld [tilespmem:s29+$0x0]  }
0x23c: {  	s30 =	sor.u32 s16, s13;
	v8 =	vadd.f32 v10, v8  }
0x23d: {  	v10 =	vld [tilespmem:s30+$0x0]  }
0x23e: {  	s31 =	sor.u32 s16, s14;
	v8 =	vadd.f32 v11, v8  }
0x23f: {  	v11 =	vld [tilespmem:s31+$0x0]  }
0x240: {  	s3 =	sor.u32 s16, s18;
	v8 =	vadd.f32 v9, v8  }
0x241: {  	v9 =	vld [tilespmem:s3+$0x0]  }
0x242: {  	s4 =	sor.u32 s16, s24;
	v8 =	vadd.f32 v10, v8  }
0x243: {  	v10 =	vld [tilespmem:s4+$0x0]  }
0x244: {  	s6 =	sor.u32 s16, s25;
	v8 =	vadd.f32 v11, v8  }
0x245: {  	v11 =	vld [tilespmem:s6+$0x0]  }
0x246: {  	s16 =	sor.u32 s16, s26;
	v8 =	vadd.f32 v9, v8  }
0x247: {  	v9 =	vld [tilespmem:s16+$0x0]  }
0x248: {  	v8 =	vadd.f32 v10, v8;
	_ =	sdelay $0x1  }
0x249: {  	v8 =	vadd.f32 v11, v8;
	_ =	sdelay $0x1  }
0x24a: {  	s10 =	simm.s32 $0x20;
	v8 =	vmul.f32 v9, v8  }
0x24b: {  	s16 =	sand.u32 $0x60, s10  }
0x24c: {  	s17 =	sor.u32 s16, s1;
	[tilespmem:s9+$0xFFFFFFF0] =	vst v8  }
0x24d: {  	v8 =	vld [tilespmem:s17+$0x0]  }
0x24e: {  	v9 =	vld [tilespmem:s17+$0x80];
	_ =	sdelay $0x1  }
0x24f: {  	v10 =	vld [tilespmem:s17+$0x100];
	_ =	sdelay $0x1  }
0x250: {  	v11 =	vld [tilespmem:s17+$0x180]  }
0x251: {  	v8 =	vadd.f32 v9, v8  }
0x252: {  	v9 =	vld [tilespmem:s17+$0x200]  }
0x253: {  	v8 =	vadd.f32 v10, v8  }
0x254: {  	v10 =	vld [tilespmem:s17+$0x280]  }
0x255: {  	v8 =	vadd.f32 v11, v8  }
0x256: {  	v11 =	vld [tilespmem:s17+$0x300]  }
0x257: {  	v8 =	vadd.f32 v9, v8  }
0x258: {  	v9 =	vld [tilespmem:s17+$0x380]  }
0x259: {  	s19 =	sor.u32 s16, s2;
	v8 =	vadd.f32 v10, v8  }
0x25a: {  	v10 =	vld [tilespmem:s19+$0x0]  }
0x25b: {  	s22 =	sor.u32 s16, s11;
	v8 =	vadd.f32 v11, v8  }
0x25c: {  	v11 =	vld [tilespmem:s22+$0x0]  }
0x25d: {  	s23 =	sor.u32 s16, s12;
	v8 =	vadd.f32 v9, v8  }
0x25e: {  	v9 =	vld [tilespmem:s23+$0x0]  }
0x25f: {  	s29 =	sor.u32 s16, s13;
	v8 =	vadd.f32 v10, v8  }
0x260: {  	v10 =	vld [tilespmem:s29+$0x0]  }
0x261: {  	s30 =	sor.u32 s16, s14;
	v8 =	vadd.f32 v11, v8  }
0x262: {  	v11 =	vld [tilespmem:s30+$0x0]  }
0x263: {  	s31 =	sor.u32 s16, s18;
	v8 =	vadd.f32 v9, v8  }
0x264: {  	v9 =	vld [tilespmem:s31+$0x0]  }
0x265: {  	s3 =	sor.u32 s16, s24;
	v8 =	vadd.f32 v10, v8  }
0x266: {  	v10 =	vld [tilespmem:s3+$0x0]  }
0x267: {  	s4 =	sor.u32 s16, s25;
	v8 =	vadd.f32 v11, v8  }
0x268: {  	v11 =	vld [tilespmem:s4+$0x0]  }
0x269: {  	s16 =	sor.u32 s16, s26;
	v8 =	vadd.f32 v9, v8  }
0x26a: {  	v9 =	vld [tilespmem:s16+$0x0]  }
0x26b: {  	v8 =	vadd.f32 v10, v8;
	_ =	sdelay $0x1  }
0x26c: {  	v8 =	vadd.f32 v11, v8;
	_ =	sdelay $0x1  }
0x26d: {  	s6 =	simm.s32 $0x30;
	v8 =	vmul.f32 v9, v8  }
0x26e: {  	s16 =	sand.u32 $0x70, s6  }
0x26f: {  	s1 =	sor.u32 s16, s1;
	[tilespmem:s9+$0x0] =	vst v8  }
0x270: {  	v8 =	vld [tilespmem:s1+$0x0]  }
0x271: {  	v9 =	vld [tilespmem:s1+$0x80];
	_ =	sdelay $0x1  }
0x272: {  	v10 =	vld [tilespmem:s1+$0x100];
	_ =	sdelay $0x1  }
0x273: {  	v11 =	vld [tilespmem:s1+$0x180]  }
0x274: {  	v8 =	vadd.f32 v9, v8  }
0x275: {  	v9 =	vld [tilespmem:s1+$0x200]  }
0x276: {  	v8 =	vadd.f32 v10, v8  }
0x277: {  	v10 =	vld [tilespmem:s1+$0x280]  }
0x278: {  	v8 =	vadd.f32 v11, v8  }
0x279: {  	v11 =	vld [tilespmem:s1+$0x300]  }
0x27a: {  	v8 =	vadd.f32 v9, v8  }
0x27b: {  	v9 =	vld [tilespmem:s1+$0x380]  }
0x27c: {  	s10 =	sor.u32 s16, s2;
	v8 =	vadd.f32 v10, v8  }
0x27d: {  	v10 =	vld [tilespmem:s10+$0x0]  }
0x27e: {  	s17 =	sor.u32 s16, s11;
	v8 =	vadd.f32 v11, v8  }
0x27f: {  	v11 =	vld [tilespmem:s17+$0x0]  }
0x280: {  	s19 =	sor.u32 s16, s12;
	v8 =	vadd.f32 v9, v8  }
0x281: {  	v9 =	vld [tilespmem:s19+$0x0]  }
0x282: {  	s22 =	sor.u32 s16, s13;
	v8 =	vadd.f32 v10, v8  }
0x283: {  	v10 =	vld [tilespmem:s22+$0x0]  }
0x284: {  	s23 =	sor.u32 s16, s14;
	v8 =	vadd.f32 v11, v8  }
0x285: {  	v11 =	vld [tilespmem:s23+$0x0]  }
0x286: {  	s28 =	sor.u32 s16, s18;
	v8 =	vadd.f32 v9, v8  }
0x287: {  	v9 =	vld [tilespmem:s28+$0x0]  }
0x288: {  	v8 =	vadd.f32 v10, v8  }
0x289: {  	s29 =	sor.u32 s16, s24  }
0x28a: {  	v10 =	vld [tilespmem:s29+$0x0];
	v8 =	vadd.f32 v11, v8  }
0x28b: {  	s30 =	sor.u32 s16, s25  }
0x28c: {  	v11 =	vadd.f32 v9, v8;
	v9 =	vld [tilespmem:s30+$0x0]  }
0x28d: {  	s31 =	sor.u32 s16, s26  }
0x28e: {  	v8 =	vld [tilespmem:s31+$0x0]  }
0x28f: {  	s11 =	simm.s32 $0x40;
	s12 =	simm.s32 $0xEFA0;
	v10 =	vadd.f32 v10, v11  }
.LBB2_6:
0x290: {  	p1 =	sne.s32 s11, $0x240;
	s8 =	sadd.s32 $0x200, s8;
	s9 =	sadd.s32 $0x40, s9  }
0x291: {  	s13 =	smov.u32 s11;
	s11 =	sadd.s32 $0x40, s11;
	v9 =	vadd.f32 v9, v10  }
0x292: {  	s24 =	sand.u32 $0x1C00, s8  }
0x293: {  	s16 =	sand.u32 $0x40, s13;
	s14 =	sadd.s32 $0xC780, s24;
	s1 =	sadd.s32 $0xDB80, s24;
	v8 =	vmul.f32 v8, v9  }
0x294: {  	s2 =	sadd.s32 $0xDC00, s24;
	s17 =	sor.u32 s16, s14;
	s31 =	sor.u32 s16, s1  }
0x295: {  	s18 =	sadd.s32 $0xDC80, s24;
	s25 =	sadd.s32 $0xDD00, s24;
	s23 =	sor.u32 s16, s2;
	[tilespmem:s12+$0x10] =	vst v8  }
0x296: {  	s26 =	sadd.s32 $0xDD80, s24;
	s6 =	sor.u32 s16, s18;
	s10 =	sor.u32 s16, s25;
	v8 =	vld [tilespmem:s17+$0x0]  }
0x297: {  	s28 =	sadd.s32 $0xDE00, s24;
	s29 =	sadd.s32 $0xDE80, s24;
	s22 =	sor.u32 s16, s26;
	v9 =	vld [tilespmem:s17+$0x80]  }
0x298: {  	s30 =	sadd.s32 $0xDF00, s24;
	s19 =	sor.u32 s16, s28;
	s3 =	sor.u32 s16, s29  }
0x299: {  	s24 =	sor.u32 s16, s30;
	s12 =	smov.u32 s9;
	v10 =	vld [tilespmem:s17+$0x100];
	_ =	sdelay $0x1  }
0x29a: {  	v11 =	vld [tilespmem:s17+$0x180]  }
0x29b: {  	v8 =	vadd.f32 v9, v8  }
0x29c: {  	v9 =	vld [tilespmem:s17+$0x200]  }
0x29d: {  	v8 =	vadd.f32 v10, v8  }
0x29e: {  	v10 =	vld [tilespmem:s17+$0x280]  }
0x29f: {  	v8 =	vadd.f32 v11, v8  }
0x2a0: {  	v11 =	vld [tilespmem:s17+$0x300]  }
0x2a1: {  	v8 =	vadd.f32 v9, v8  }
0x2a2: {  	v9 =	vld [tilespmem:s17+$0x380]  }
0x2a3: {  	v8 =	vadd.f32 v10, v8  }
0x2a4: {  	v10 =	vld [tilespmem:s31+$0x0]  }
0x2a5: {  	v8 =	vadd.f32 v11, v8  }
0x2a6: {  	v11 =	vld [tilespmem:s23+$0x0]  }
0x2a7: {  	v8 =	vadd.f32 v9, v8  }
0x2a8: {  	v9 =	vld [tilespmem:s6+$0x0]  }
0x2a9: {  	v8 =	vadd.f32 v10, v8  }
0x2aa: {  	v10 =	vld [tilespmem:s10+$0x0]  }
0x2ab: {  	v8 =	vadd.f32 v11, v8  }
0x2ac: {  	v11 =	vld [tilespmem:s22+$0x0]  }
0x2ad: {  	v8 =	vadd.f32 v9, v8  }
0x2ae: {  	v9 =	vld [tilespmem:s19+$0x0]  }
0x2af: {  	v8 =	vadd.f32 v10, v8  }
0x2b0: {  	v10 =	vld [tilespmem:s3+$0x0]  }
0x2b1: {  	s3 =	sadd.s32 s13, s15;
	v8 =	vadd.f32 v11, v8  }
0x2b2: {  	v11 =	vld [tilespmem:s24+$0x0];
	s24 =	sand.u32 $0x7F80, s3  }
0x2b3: {  	v8 =	vadd.f32 v9, v8;
	s3 =	sor.u32 s16, s24  }
0x2b4: {  	v9 =	vld [tilespmem:s3+$0x0]  }
0x2b5: {  	v8 =	vadd.f32 v10, v8;
	_ =	sdelay $0x1  }
0x2b6: {  	v8 =	vadd.f32 v11, v8;
	_ =	sdelay $0x1  }
0x2b7: {  	s3 =	sadd.s32 $0x10, s13;
	v8 =	vmul.f32 v9, v8  }
0x2b8: {  	s3 =	sand.u32 $0x50, s3  }
0x2b9: {  	s6 =	sor.u32 s3, s14;
	s10 =	sor.u32 s3, s1;
	s16 =	sor.u32 s3, s2;
	[tilespmem:s9+$0xFFFFFFE0] =	vst v8  }
0x2ba: {  	s17 =	sor.u32 s3, s18;
	s19 =	sor.u32 s3, s25;
	s22 =	sor.u32 s3, s26;
	v8 =	vld [tilespmem:s6+$0x0]  }
0x2bb: {  	s23 =	sor.u32 s3, s28;
	s31 =	sor.u32 s3, s29;
	s4 =	sor.u32 s3, s30;
	v9 =	vld [tilespmem:s6+$0x80]  }
0x2bc: {  	s3 =	sor.u32 s3, s24  }
0x2bd: {  	v10 =	vld [tilespmem:s6+$0x100];
	_ =	sdelay $0x1  }
0x2be: {  	v11 =	vld [tilespmem:s6+$0x180]  }
0x2bf: {  	v8 =	vadd.f32 v9, v8  }
0x2c0: {  	v9 =	vld [tilespmem:s6+$0x200]  }
0x2c1: {  	v8 =	vadd.f32 v10, v8  }
0x2c2: {  	v10 =	vld [tilespmem:s6+$0x280]  }
0x2c3: {  	v8 =	vadd.f32 v11, v8  }
0x2c4: {  	v11 =	vld [tilespmem:s6+$0x300]  }
0x2c5: {  	v8 =	vadd.f32 v9, v8  }
0x2c6: {  	v9 =	vld [tilespmem:s6+$0x380]  }
0x2c7: {  	v8 =	vadd.f32 v10, v8  }
0x2c8: {  	v10 =	vld [tilespmem:s10+$0x0]  }
0x2c9: {  	v8 =	vadd.f32 v11, v8  }
0x2ca: {  	v11 =	vld [tilespmem:s16+$0x0]  }
0x2cb: {  	v8 =	vadd.f32 v9, v8  }
0x2cc: {  	v9 =	vld [tilespmem:s17+$0x0]  }
0x2cd: {  	v8 =	vadd.f32 v10, v8  }
0x2ce: {  	v10 =	vld [tilespmem:s19+$0x0]  }
0x2cf: {  	v8 =	vadd.f32 v11, v8  }
0x2d0: {  	v11 =	vld [tilespmem:s22+$0x0]  }
0x2d1: {  	v8 =	vadd.f32 v9, v8  }
0x2d2: {  	v9 =	vld [tilespmem:s23+$0x0]  }
0x2d3: {  	v8 =	vadd.f32 v10, v8  }
0x2d4: {  	v10 =	vld [tilespmem:s31+$0x0]  }
0x2d5: {  	v8 =	vadd.f32 v11, v8  }
0x2d6: {  	v11 =	vld [tilespmem:s4+$0x0]  }
0x2d7: {  	v8 =	vadd.f32 v9, v8  }
0x2d8: {  	v9 =	vld [tilespmem:s3+$0x0]  }
0x2d9: {  	v8 =	vadd.f32 v10, v8;
	_ =	sdelay $0x1  }
0x2da: {  	v8 =	vadd.f32 v11, v8;
	_ =	sdelay $0x1  }
0x2db: {  	s3 =	sadd.s32 $0x20, s13;
	v8 =	vmul.f32 v9, v8  }
0x2dc: {  	s3 =	sand.u32 $0x60, s3  }
0x2dd: {  	s4 =	sor.u32 s3, s14;
	s6 =	sor.u32 s3, s1;
	s10 =	sor.u32 s3, s2;
	[tilespmem:s9+$0xFFFFFFF0] =	vst v8  }
0x2de: {  	s16 =	sor.u32 s3, s18;
	s17 =	sor.u32 s3, s26;
	s19 =	sor.u32 s3, s28;
	v8 =	vld [tilespmem:s4+$0x0]  }
0x2df: {  	s22 =	sor.u32 s3, s29;
	s23 =	sor.u32 s3, s30;
	s31 =	sor.u32 s3, s24;
	v9 =	vld [tilespmem:s4+$0x80]  }
0x2e0: {  	s3 =	sor.u32 s3, s25  }
0x2e1: {  	v10 =	vld [tilespmem:s4+$0x100];
	_ =	sdelay $0x1  }
0x2e2: {  	v11 =	vld [tilespmem:s4+$0x180]  }
0x2e3: {  	v8 =	vadd.f32 v9, v8  }
0x2e4: {  	v9 =	vld [tilespmem:s4+$0x200]  }
0x2e5: {  	v8 =	vadd.f32 v10, v8  }
0x2e6: {  	v10 =	vld [tilespmem:s4+$0x280]  }
0x2e7: {  	v8 =	vadd.f32 v11, v8  }
0x2e8: {  	v11 =	vld [tilespmem:s4+$0x300]  }
0x2e9: {  	v8 =	vadd.f32 v9, v8  }
0x2ea: {  	v9 =	vld [tilespmem:s4+$0x380]  }
0x2eb: {  	v8 =	vadd.f32 v10, v8  }
0x2ec: {  	v10 =	vld [tilespmem:s6+$0x0]  }
0x2ed: {  	v8 =	vadd.f32 v11, v8  }
0x2ee: {  	v11 =	vld [tilespmem:s10+$0x0]  }
0x2ef: {  	v8 =	vadd.f32 v9, v8  }
0x2f0: {  	v9 =	vld [tilespmem:s16+$0x0]  }
0x2f1: {  	v8 =	vadd.f32 v10, v8  }
0x2f2: {  	v10 =	vld [tilespmem:s3+$0x0]  }
0x2f3: {  	v8 =	vadd.f32 v11, v8  }
0x2f4: {  	v11 =	vld [tilespmem:s17+$0x0]  }
0x2f5: {  	v8 =	vadd.f32 v9, v8  }
0x2f6: {  	v9 =	vld [tilespmem:s19+$0x0]  }
0x2f7: {  	v8 =	vadd.f32 v10, v8  }
0x2f8: {  	v10 =	vld [tilespmem:s22+$0x0]  }
0x2f9: {  	v8 =	vadd.f32 v11, v8  }
0x2fa: {  	v11 =	vld [tilespmem:s23+$0x0]  }
0x2fb: {  	v8 =	vadd.f32 v9, v8  }
0x2fc: {  	v9 =	vld [tilespmem:s31+$0x0]  }
0x2fd: {  	v8 =	vadd.f32 v10, v8;
	_ =	sdelay $0x1  }
0x2fe: {  	v8 =	vadd.f32 v11, v8;
	_ =	sdelay $0x1  }
0x2ff: {  	s3 =	sadd.s32 $0x30, s13;
	v8 =	vmul.f32 v9, v8  }
0x300: {  	s3 =	sand.u32 $0x70, s3  }
0x301: {  	s4 =	sor.u32 s3, s14;
	s1 =	sor.u32 s3, s1;
	s2 =	sor.u32 s3, s2;
	[tilespmem:s9+$0x0] =	vst v8  }
0x302: {  	s6 =	sor.u32 s3, s18;
	s10 =	sor.u32 s3, s25;
	s13 =	sor.u32 s3, s26;
	v8 =	vld [tilespmem:s4+$0x0]  }
0x303: {  	s14 =	sor.u32 s3, s28;
	s16 =	sor.u32 s3, s29;
	s17 =	sor.u32 s3, s30;
	v9 =	vld [tilespmem:s4+$0x80]  }
0x304: {  	v10 =	vld [tilespmem:s4+$0x100]  }
0x305: {  	v11 =	vld [tilespmem:s4+$0x180]  }
0x306: {  	v12 =	vld [tilespmem:s4+$0x200]  }
0x307: {  	v13 =	vld [tilespmem:s4+$0x280]  }
0x308: {  	v8 =	vadd.f32 v9, v8;
	v14 =	vld [tilespmem:s4+$0x300]  }
0x309: {  	v15 =	vld [tilespmem:s4+$0x380]  }
0x30a: {  	v8 =	vadd.f32 v10, v8;
	v10 =	vld [tilespmem:s1+$0x0]  }
0x30b: {  	v16 =	vld [tilespmem:s2+$0x0]  }
0x30c: {  	v8 =	vadd.f32 v11, v8;
	v11 =	vld [tilespmem:s6+$0x0]  }
0x30d: {  	v17 =	vld [tilespmem:s10+$0x0]  }
0x30e: {  	v8 =	vadd.f32 v12, v8;
	v12 =	vld [tilespmem:s13+$0x0]  }
0x30f: {  	v18 =	vld [tilespmem:s14+$0x0]  }
0x310: {  	v8 =	vadd.f32 v13, v8;
	v13 =	vld [tilespmem:s16+$0x0]  }
0x311: {  	s1 =	sor.u32 s3, s24;
	v9 =	vld [tilespmem:s17+$0x0]  }
0x312: {  	v14 =	vadd.f32 v14, v8;
	v8 =	vld [tilespmem:s1+$0x0];
	_ =	sdelay $0x1  }
0x313: {  	v14 =	vadd.f32 v15, v14;
	_ =	sdelay $0x1  }
0x314: {  	v10 =	vadd.f32 v10, v14;
	_ =	sdelay $0x1  }
0x315: {  	v10 =	vadd.f32 v16, v10;
	_ =	sdelay $0x1  }
0x316: {  	v10 =	vadd.f32 v11, v10;
	_ =	sdelay $0x1  }
0x317: {  	v10 =	vadd.f32 v17, v10;
	_ =	sdelay $0x1  }
.Ltmp2:
0x318: {  	v10 =	vadd.f32 v12, v10;
	(pc) =	sbr.rel @p1 .LBB2_6-.Ltmp2, $3  }
0x319: {  	_ = 	snop  }
0x31a: {  	v10 =	vadd.f32 v18, v10;
	_ =	sdelay $0x1  }
0x31b: {  	v10 =	vadd.f32 v13, v10  }
0x31c: {  	_ = 	snop  }
0x31d: {  	v9 =	vadd.f32 v9, v10;
	_ =	sdelay $0x1  }
0x31e: {  	s1 =	sld [smem:$0x7BD];
	v8 =	vmul.f32 v8, v9;
	_ =	sdelay $0x1  }
0x31f: {  	s2 =	simm.s32 $0xEF80;
	s4 =	simm.s32 $0x4;
	[tilespmem:s12+$0x10] =	vst v8  }
0x320: {  	[spmem:s1] =	stream.linear.scatter [tilespmem:s2], [sflag:$0x4], $0x280, $0x38;
	[tilespmem:$0x11C80] =	vst v63  }
0x321: {  	_ =	swait.ge [sflag:s4], $0x280  }
0x322: {  	[sflag:s4] =	ssyncset.done $0x0  }
0x323: {  	[sflag:s4] =	ssyncadd.s32 $0xFFFFFD80  }
0x324: {  	[bflag:$0x0] =	sbarrier.arrive $0xFFFF  }
0x325: {  	s29 =	rddreg [dreg:$0x3]  }
0x326: {  	[tilespmem:s0], [sflag:$0x4] =	stream.linear.gather [spmem:s29], $0x2800, $0x38;
	[tilespmem:$0x11C80] =	vst v63  }
0x327: {  	_ =	swait.ge [sflag:s4], $0x2800  }
0x328: {  	[sflag:s4] =	ssyncset.done $0x0  }
0x329: {  	s30 =	simm.s32 $0x2;
	[sflag:s4] =	ssyncadd.s32 $0xFFFFD800  }
0x32a: {  	_ =	swait.ge [sflag:s30], $0x4F00  }
0x32b: {  	[sflag:s30] =	ssyncset.done $0x0  }
0x32c: {  	s31 =	simm.s32 $0x7800;
	[sflag:s30] =	ssyncadd.s32 $0xFFFFB100  }
0x32d: {  	v10 =	vld.idx.msk [tilespmem:v7+s31+$0xFFFFFF80 ss:$0x1], $0xffff  }
0x32e: {  	v13 =	vld.idx.msk [tilespmem:v7+s31+$0x0 ss:$0x1], $0xffff  }
0x32f: {  	v9 =	vld.idx.msk [tilespmem:v6+s31+$0xFFFFFF80 ss:$0x1], $0xffff  }
0x330: {  	v12 =	vld.idx.msk [tilespmem:v6+s31+$0x0 ss:$0x1], $0xffff  }
0x331: {  	v8 =	vld.idx.msk [tilespmem:v5+s31+$0xFFFFFF80 ss:$0x1], $0xffff  }
0x332: {  	v11 =	vld.idx.msk [tilespmem:v5+s31+$0x0 ss:$0x1], $0xffff  }
0x333: {  	v14 =	vld.idx.msk [tilespmem:v4+s31+$0xFFFFFF80 ss:$0x1], $0xffff  }
0x334: {  	v15 =	vld.idx.msk [tilespmem:v4+s31+$0x0 ss:$0x1], $0xffff  }
0x335: {  	v16 =	vld.idx.msk [tilespmem:v0+s31+$0x0 ss:$0x1], $0xffff  }
0x336: {  	v17 =	vld.idx.msk [tilespmem:v0+s31+$0x80 ss:$0x1], $0xffff  }
0x337: {  	v18 =	vld.idx.msk [tilespmem:v1+s31+$0x0 ss:$0x1], $0xffff  }
0x338: {  	v19 =	vld.idx.msk [tilespmem:v1+s31+$0x80 ss:$0x1], $0xffff  }
0x339: {  	v20 =	vld.idx.msk [tilespmem:v2+s31+$0x0 ss:$0x1], $0xffff  }
0x33a: {  	v21 =	vld.idx.msk [tilespmem:v2+s31+$0x80 ss:$0x1], $0xffff  }
0x33b: {  	v22 =	vld.idx.msk [tilespmem:v3+s31+$0x0 ss:$0x1], $0xffff  }
0x33c: {  	v23 =	vld.idx.msk [tilespmem:v3+s31+$0x80 ss:$0x1], $0xffff  }
0x33d: {  	v16 =	vld.idx.msk [tilespmem:v16+s21+$0x0], $0xffff  }
0x33e: {  	v17 =	vld.idx.msk [tilespmem:v17+s0+$0x0], $0xffff  }
0x33f: {  	v18 =	vld.idx.msk [tilespmem:v18+s21+$0x0], $0xffff  }
0x340: {  	v19 =	vld.idx.msk [tilespmem:v19+s0+$0x0], $0xffff  }
0x341: {  	v20 =	vld.idx.msk [tilespmem:v20+s21+$0x0], $0xffff  }
0x342: {  	v21 =	vld.idx.msk [tilespmem:v21+s0+$0x0], $0xffff  }
0x343: {  	v22 =	vld.idx.msk [tilespmem:v22+s21+$0x0], $0xffff  }
0x344: {  	v24 =	vld.idx.msk [tilespmem:v14+s21+$0x0], $0xffff;
	v16 =	vmul.f32 v17, v16  }
0x345: {  	v63 =	vimm.f32 $0.0e+00;
	v17 =	vld.idx.msk [tilespmem:v23+s0+$0x0], $0xffff  }
0x346: {  	v15 =	vld.idx.msk [tilespmem:v15+s0+$0x0], $0xffff;
	v14 =	vadd.f32 v16, v63;
	v16 =	vmul.f32 v19, v18  }
0x347: {  	v8 =	vld.idx.msk [tilespmem:v8+s21+$0x0], $0xffff  }
0x348: {  	v11 =	vld.idx.msk [tilespmem:v11+s0+$0x0], $0xffff;
	v14 =	vadd.f32 v16, v14;
	v16 =	vmul.f32 v21, v20  }
0x349: {  	v9 =	vld.idx.msk [tilespmem:v9+s21+$0x0], $0xffff  }
0x34a: {  	v12 =	vld.idx.msk [tilespmem:v12+s0+$0x0], $0xffff;
	v14 =	vadd.f32 v16, v14;
	v16 =	vmul.f32 v17, v22  }
0x34b: {  	v10 =	vld.idx.msk [tilespmem:v10+s21+$0x0], $0xffff  }
0x34c: {  	s1 =	simm.s32 $0x0;
	s2 =	simm.s32 $0x7900;
	v13 =	vld.idx.msk [tilespmem:v13+s0+$0x0], $0xffff;
	v15 =	vmul.f32 v15, v24;
	v14 =	vadd.f32 v16, v14  }
.LBB2_8:
0x34d: {  	v16 =	vld.idx.msk [tilespmem:v7+s2+$0xFFFFFF80 ss:$0x1], $0xffff  }
0x34e: {  	v8 =	vmul.f32 v11, v8;
	v17 =	vld.idx.msk [tilespmem:v7+s2+$0x0 ss:$0x1], $0xffff;
	v14 =	vadd.f32 v15, v14  }
0x34f: {  	v15 =	vld.idx.msk [tilespmem:v6+s2+$0xFFFFFF80 ss:$0x1], $0xffff  }
0x350: {  	v9 =	vmul.f32 v12, v9;
	v18 =	vld.idx.msk [tilespmem:v6+s2+$0x0 ss:$0x1], $0xffff;
	v8 =	vadd.f32 v8, v14  }
0x351: {  	v11 =	vld.idx.msk [tilespmem:v5+s2+$0xFFFFFF80 ss:$0x1], $0xffff  }
0x352: {  	v12 =	vld.idx.msk [tilespmem:v5+s2+$0x0 ss:$0x1], $0xffff;
	v8 =	vadd.f32 v9, v8;
	v9 =	vmul.f32 v13, v10  }
0x353: {  	v10 =	vld.idx.msk [tilespmem:v4+s2+$0xFFFFFF80 ss:$0x1], $0xffff  }
0x354: {  	v13 =	vld.idx.msk [tilespmem:v4+s2+$0x0 ss:$0x1], $0xffff;
	v8 =	vadd.f32 v9, v8  }
0x355: {  	v9 =	vld.idx.msk [tilespmem:v0+s2+$0x0 ss:$0x1], $0xffff  }
0x356: {  	s1 =	sadd.s32 $0x8, s1;
	v14 =	vld.idx.msk [tilespmem:v0+s2+$0x80 ss:$0x1], $0xffff  }
0x357: {  	p1 =	slt.u32 s1, $0x268;
	v19 =	vld.idx.msk [tilespmem:v1+s2+$0x0 ss:$0x1], $0xffff  }
0x358: {  	v20 =	vld.idx.msk [tilespmem:v1+s2+$0x80 ss:$0x1], $0xffff  }
0x359: {  	v21 =	vld.idx.msk [tilespmem:v2+s2+$0x0 ss:$0x1], $0xffff  }
0x35a: {  	v22 =	vld.idx.msk [tilespmem:v2+s2+$0x80 ss:$0x1], $0xffff  }
0x35b: {  	v23 =	vld.idx.msk [tilespmem:v3+s2+$0x0 ss:$0x1], $0xffff  }
0x35c: {  	v24 =	vld.idx.msk [tilespmem:v3+s2+$0x80 ss:$0x1], $0xffff  }
0x35d: {  	v9 =	vld.idx.msk [tilespmem:v9+s21+$0x0], $0xffff  }
0x35e: {  	v14 =	vld.idx.msk [tilespmem:v14+s0+$0x0], $0xffff  }
0x35f: {  	v19 =	vld.idx.msk [tilespmem:v19+s21+$0x0], $0xffff  }
0x360: {  	v20 =	vld.idx.msk [tilespmem:v20+s0+$0x0], $0xffff  }
0x361: {  	v21 =	vld.idx.msk [tilespmem:v21+s21+$0x0], $0xffff  }
0x362: {  	v22 =	vld.idx.msk [tilespmem:v22+s0+$0x0], $0xffff  }
0x363: {  	v23 =	vld.idx.msk [tilespmem:v23+s21+$0x0], $0xffff  }
0x364: {  	v9 =	vmul.f32 v14, v9;
	v14 =	vld.idx.msk [tilespmem:v24+s0+$0x0], $0xffff  }
0x365: {  	v24 =	vld.idx.msk [tilespmem:v10+s21+$0x0], $0xffff  }
0x366: {  	v9 =	vadd.f32 v9, v8;
	v10 =	vmul.f32 v20, v19;
	v13 =	vld.idx.msk [tilespmem:v13+s0+$0x0], $0xffff  }
0x367: {  	v8 =	vld.idx.msk [tilespmem:v11+s21+$0x0], $0xffff  }
.Ltmp3:
0x368: {  	v10 =	vadd.f32 v10, v9;
	v19 =	vmul.f32 v22, v21;
	v11 =	vld.idx.msk [tilespmem:v12+s0+$0x0], $0xffff;
	(pc) =	sbr.rel @p1 .LBB2_8-.Ltmp3, $4  }
0x369: {  	v9 =	vld.idx.msk [tilespmem:v15+s21+$0x0], $0xffff  }
0x36a: {  	v15 =	vadd.f32 v19, v10;
	v14 =	vmul.f32 v14, v23;
	v12 =	vld.idx.msk [tilespmem:v18+s0+$0x0], $0xffff  }
0x36b: {  	v10 =	vld.idx.msk [tilespmem:v16+s21+$0x0], $0xffff  }
0x36c: {  	s2 =	sadd.s32 $0x100, s2;
	v14 =	vadd.f32 v14, v15;
	v15 =	vmul.f32 v13, v24;
	v13 =	vld.idx.msk [tilespmem:v17+s0+$0x0], $0xffff  }
0x36d: {  	s1 =	rddreg [dreg:$0x18]  }
0x36e: {  	v16 =	vld [tilespmem:s1+$0xC600]  }
0x36f: {  	v17 =	vld [tilespmem:s1+$0xC680];
	_ =	sdelay $0x6  }
0x370: {  	v8 =	vmul.f32 v11, v8;
	v14 =	vadd.f32 v15, v14;
	v60 =	vld.idx.msk [tilespmem:v16+s21+$0x0], $0xffff  }
0x371: {  	v61 =	vld.idx.msk [tilespmem:v17+s0+$0x0], $0xffff  }
0x372: {  	v9 =	vmul.f32 v12, v9;
	v8 =	vadd.f32 v8, v14;
	_ =	sdelay $0x1  }
0x373: {  	v62 =	vmul.f32 v13, v10;
	v8 =	vadd.f32 v9, v8;
	_ =	sdelay $0x1  }
0x374: {  	v8 =	vadd.f32 v62, v8;
	v63 =	vmul.f32 v61, v60;
	_ =	sdelay $0x1  }
0x375: {  	v8 =	vadd.f32 v63, v8;
	_ =	sdelay $0x1  }
0x376: {  	s30 =	rddreg [dreg:$0x1b];
	s2 =	simm.s32 $0xC700;
	[tilespmem:$0xC700] =	vst v8  }
0x377: {  	[hbm4b:s30+s21] =	stream.linear.scatter [tilespmem:s2], [sflag:$0x4], $0x80, $0x38;
	[tilespmem:$0x11C80] =	vst v63  }
0x378: {  	_ =	swait.ge [sflag:s4], $0x80  }
0x379: {  	s7 =	sadd.s32 $0x1, s7;
	s31 =	rddreg [dreg:$0x1c]  }
0x37a: {  	p1 =	sne.s32 s7, s31  }
.Ltmp4:
0x37b: {  	_ = 	snop;
	(pc) =	sbr.rel @p1 .LBB2_1-.Ltmp4, $3  }
0x37c: {  	_ =	sdelay $0x1  }
0x37d: {  	[sflag:s4] =	ssyncset.done $0x0  }
0x37e: {  	[sflag:s4] =	ssyncadd.s32 $0xFFFFFF80  }
0x37f: {  	_ =	sfence.sel $0x180000  }
0x380: {  	[bflag:$0x0] =	sbarrier.arrive $0xFFFF  }
0x381: {  	_ =	strace $0x90000047  }
0x382: {  	s0 =	stileid.u32;
	[bflag:$0x2] =	sbarrier.arrive $0xFFFF  }
0x383: {  	p0 =	sne.s32 s0, $0x0;
	s0 =	rddreg [dreg:$0x4]  }
0x384: {  	s0 =	sadd.s32 @!p0 $0x100000, s0  }
0x385: {  	[sflag:s0] =	ssyncadd.tile.s32 @!p0 $0x1;
	_ =	shalt  }
.Lfunc_end2:
_tile_overlayer_lowered:
.L_overlay_start_2:
0x386: {  	(tag) =	ssettag $0x2  }
0x387: {  	s0 =	rddreg [dreg:$0x0];
	s2 =	stileid.u32  }
0x388: {  	s1 =	rddreg [dreg:$0x1];
	p0 =	sne.s32 s2, $0x0  }
0x389: {  	s3 =	rddreg [dreg:$0x2];
	[bflag:$0x3] =	sbarrier.arrive $0xFFFF;
	s2 =	simm.s32 @!p0 $0x1C04  }
0x38a: {  	[timem:s3], [sflag:s2] =	dma.local @!p0 [hbm:s0], s1  }
0x38b: {  	s0 =	simm.s32 @!p0 $0x4  }
0x38c: {  	_ =	swait.ge @!p0 [sflag:s0], s1  }
0x38d: {  	s1 =	ssub.s32 @!p0 $0x0, s1;
	[sflag:s0] =	ssyncset.done @!p0 $0x0  }
0x38e: {  	[sflag:s0] =	ssyncadd.s32 @!p0 s1  }
0x38f: {  	[bflag:$0x3] =	sbarrier.arrive $0xFFFF  }
0x390: {  	_ =	shalt  }

</sc_bundles>
